<compile_context>
chip_gen: v7x
topology: tpu7x:2x2x1
jax: 0.10.2.dev20260603
libtpu: 0.0.44.dev20260713+nightly
codegen_flags: <defaults>
</compile_context>

<pallas_src>
import functools

import jax
import jax.numpy as jnp
from jax import lax
from jax.experimental import pallas as pl
from jax.experimental.pallas import tpu as pltpu
from jax.experimental.pallas import tpu_sc as plsc

MS = 512
B = 128
N = MS * (MS + 1) // 2
RB = 8
GB = 8
NG = B // GB
L = 16
NJ = MS // L

WIN0 = 4352
WIN1 = 2176

_info = plsc.get_sparse_core_info()
_NC, _NS = _info.num_cores, _info.num_subcores
_NW = _NC * _NS


def kernel(inputs):
    @functools.partial(
        pl.kernel,
        mesh=plsc.VectorSubcoreMesh(core_axis_name="c", subcore_axis_name="s"),
        out_type=jax.ShapeDtypeStruct((B, MS, MS), jnp.float32),
        scratch_types=[
            pltpu.VMEM((GB, WIN0), jnp.float32),
            pltpu.VMEM((GB, WIN1), jnp.float32),
            pltpu.VMEM((GB, RB, MS), jnp.float32),
            pltpu.VMEM((GB, RB, MS), jnp.float32),
            pltpu.SemaphoreType.DMA,
            pltpu.SemaphoreType.DMA,
            pltpu.SemaphoreType.DMA,
            pltpu.SemaphoreType.DMA,
        ],
        compiler_params=pltpu.CompilerParams(needs_layout_passes=False),
    )
    def sc_kernel(in_hbm, out_hbm, in0, in1, o0, o1, s0, s1, so0, so1):
        wid = lax.axis_index("s") * _NC + lax.axis_index("c")
        lane = jnp.arange(L, dtype=jnp.int32)
        zero = jnp.zeros((L,), jnp.float32)

        def span(k, win):
            r0 = k * RB
            off0 = MS * r0 - (r0 * (r0 - 1)) // 2
            sp = lax.min((off0 // 128) * 128, N - win)
            return r0, pl.multiple_of(sp, 128)

        r0_0, sp_0 = span(wid, WIN0)
        r0_1, sp_1 = span(wid + 32, WIN1)

        def in_src(b0, sp, win):
            return in_hbm.at[pl.ds(b0, GB), pl.ds(sp, win)]

        def out_dst(b0, r0):
            return out_hbm.at[
                pl.ds(b0, GB), pl.ds(pl.multiple_of(r0, RB), RB), :
            ]

        def compute(in_ref, sp, r0, out_ref, skip):
            @plsc.parallel_loop(0, GB * RB, unroll=4)
            def _(i):
                bb = i // RB
                rl = i % RB
                row_idx = jnp.zeros((L,), dtype=jnp.int32) + bb
                r = r0 + rl
                off_r = MS * r - (r * (r - 1)) // 2
                bl = off_r - r - sp
                lr = lane - r
                for j in range(NJ):
                    c0 = j * L
                    if c0 + L <= skip:
                        continue
                    col = lane + (bl + c0)
                    m = lr >= jnp.int32(-c0)
                    v = plsc.load_gather(in_ref, [row_idx, col], mask=m)
                    out_ref[bb, rl, pl.ds(c0, L)] = v

        def per_group(tt, carry):
            b0 = pl.multiple_of(tt * GB, GB)
            for p in range(2):
                in_ref, sem = (in0, s0) if p == 0 else (in1, s1)
                sp = sp_0 if p == 0 else sp_1
                r0 = r0_0 if p == 0 else r0_1
                win = WIN0 if p == 0 else WIN1
                out_ref, osem = (o0, so0) if p == 0 else (o1, so1)
                pltpu.make_async_copy(in_src(b0, sp, win), in_ref, sem).wait()
                if p == 0:
                    pltpu.async_copy(in_src(b0, sp_1, WIN1), in1, s1)
                else:
                    @pl.when(tt < NG - 1)
                    def _():
                        pltpu.async_copy(in_src(b0 + GB, sp_0, WIN0), in0, s0)
                @pl.when(tt > 0)
                def _(out_ref=out_ref, osem=osem, r0=r0):
                    pltpu.make_async_copy(
                        out_ref, out_dst(b0, r0), osem
                    ).wait()
                compute(in_ref, sp, r0, out_ref, 256 if p else 0)
                pltpu.async_copy(out_ref, out_dst(b0, r0), osem)
            return carry

        @plsc.parallel_loop(0, GB * RB, unroll=2)
        def _(i):
            bb = i // RB
            rl = i % RB
            for j in range(NJ // 2):
                o1[bb, rl, pl.ds(j * L, L)] = zero

        pltpu.async_copy(in_src(0, sp_0, WIN0), in0, s0)
        lax.fori_loop(0, NG, per_group, 0)
        pltpu.make_async_copy(o0, out_dst(0, r0_0), so0).wait()
        pltpu.make_async_copy(o1, out_dst(0, r0_1), so1).wait()

    return sc_kernel(inputs)

# --- scband reference (transcript-rebuilt; emitter-appended) ---
"""Pipeline reference for scband-custom-reshape-layer-69681549410663 (READ-ONLY COPY).

The authoritative reference and input builder live on the scoring server;
editing this copy changes nothing except your own understanding.
"""

import jax, jax.numpy as jnp
import numpy as np

MATSIZE = 512


def setup_inputs(seed: int = 0) -> dict:
    key = jax.random.key(seed)
    B = 128
    n = MATSIZE * (MATSIZE + 1) // 2
    inputs = jax.random.normal(key, (B, n), dtype=jnp.float32)
    return {"inputs": inputs}


def reference(inputs):
    # Scatter each row of `inputs` into the upper-triangular part of a
    # (MATSIZE, MATSIZE) matrix; lower triangle is zero.
    rows, cols = jnp.triu_indices(MATSIZE)
    B = inputs.shape[0]
    out = jnp.zeros((B, MATSIZE, MATSIZE), dtype=inputs.dtype)
    out = out.at[:, rows, cols].set(inputs)
    return out

if __name__ == "__main__":
    import jax
    _d = setup_inputs()
    print(jax.jit(kernel)(*tuple(_d.values())))

</pallas_src>

<mosaic_0001>
#map = affine_map<(d0, d1) -> (0, 0)>
#map1 = affine_map<(d0, d1) -> (0, 0, 0)>
module attributes {stable_mosaic.version = 14 : i64} {
  func.func @sc_kernel(%arg0: i32, %arg1: i32, %arg2: memref<128x131328xf32, #tpu.memory_space<hbm>>, %arg3: memref<128x512x512xf32, #tpu.memory_space<hbm>>, %arg4: memref<8x4352xf32, #tpu.memory_space<vmem>>, %arg5: memref<8x2176xf32, #tpu.memory_space<vmem>>, %arg6: memref<8x8x512xf32, #tpu.memory_space<vmem>>, %arg7: memref<8x8x512xf32, #tpu.memory_space<vmem>>, %arg8: memref<!tpu.dma_semaphore, #tpu.memory_space<semaphore_mem>>, %arg9: memref<!tpu.dma_semaphore, #tpu.memory_space<semaphore_mem>>, %arg10: memref<!tpu.dma_semaphore, #tpu.memory_space<semaphore_mem>>, %arg11: memref<!tpu.dma_semaphore, #tpu.memory_space<semaphore_mem>>) attributes {dimension_semantics = [#tpu.dimension_semantics<core_parallel>, #tpu.dimension_semantics<subcore_parallel>], iteration_bounds = array<i64: 2, 16>, scalar_prefetch = 0 : i64, scratch_operands = 8 : i64, tpu.core_type = #tpu.core_type<sc_vector_subcore>, window_params = [{transform_indices = #map}, {transform_indices = #map1}]} {
    %mul3A = arith.constant 2 : i32
    %mul3A_0 = arith.muli %arg1, %mul3A : i32
    %add3A = arith.addi %mul3A_0, %arg0 : i32
    %iota3A = tpu.iota {dimensions = array<i32: 0>} : vector<16xi32>
    %broadcast_in_dim3A = arith.constant 0.000000e+00 : f32
    %broadcast_in_dim3A_1 = vector.broadcast %broadcast_in_dim3A : f32 to vector<16xf32>
    %mul3A_2 = arith.constant 8 : i32
    %mul3A_3 = arith.muli %add3A, %mul3A_2 : i32
    %mul3A_4 = arith.constant 512 : i32
    %mul3A_5 = arith.muli %mul3A_4, %mul3A_3 : i32
    %sub3A = arith.constant 1 : i32
    %sub3A_6 = arith.subi %mul3A_3, %sub3A : i32
    %mul3A_7 = arith.muli %mul3A_3, %sub3A_6 : i32
    %jit3A = arith.constant 2 : i32
    %div3A = arith.divsi %mul3A_7, %jit3A : i32
    %sign3A = arith.constant 0 : i32
    %sign3A_8 = arith.cmpi sgt, %mul3A_7, %sign3A : i32
    %sign3A_9 = arith.extui %sign3A_8 : i1 to i32
    %sign3A_10 = arith.constant 0 : i32
    %sign3A_11 = arith.cmpi slt, %mul3A_7, %sign3A_10 : i32
    %sign3A_12 = arith.extui %sign3A_11 : i1 to i32
    %sign3A_13 = arith.subi %sign3A_9, %sign3A_12 : i32
    %sign3A_14 = arith.constant 0 : i32
    %sign3A_15 = arith.cmpi sgt, %jit3A, %sign3A_14 : i32
    %sign3A_16 = arith.extui %sign3A_15 : i1 to i32
    %sign3A_17 = arith.constant 0 : i32
    %sign3A_18 = arith.cmpi slt, %jit3A, %sign3A_17 : i32
    %sign3A_19 = arith.extui %sign3A_18 : i1 to i32
    %sign3A_20 = arith.subi %sign3A_16, %sign3A_19 : i32
    %ne3A = arith.cmpi ne, %sign3A_13, %sign3A_20 : i32
    %rem3A = arith.remsi %mul3A_7, %jit3A : i32
    %ne3A_21 = arith.constant 0 : i32
    %ne3A_22 = arith.cmpi ne, %rem3A, %ne3A_21 : i32
    %and3A = arith.andi %ne3A, %ne3A_22 : i1
    %sub3A_23 = arith.constant 1 : i32
    %sub3A_24 = arith.subi %div3A, %sub3A_23 : i32
    %select_n3A = arith.select %and3A, %sub3A_24, %div3A : i32
    %sub3A_25 = arith.subi %mul3A_5, %select_n3A : i32
    %jit3A_26 = arith.constant 128 : i32
    %div3A_27 = arith.divsi %sub3A_25, %jit3A_26 : i32
    %sign3A_28 = arith.constant 0 : i32
    %sign3A_29 = arith.cmpi sgt, %sub3A_25, %sign3A_28 : i32
    %sign3A_30 = arith.extui %sign3A_29 : i1 to i32
    %sign3A_31 = arith.constant 0 : i32
    %sign3A_32 = arith.cmpi slt, %sub3A_25, %sign3A_31 : i32
    %sign3A_33 = arith.extui %sign3A_32 : i1 to i32
    %sign3A_34 = arith.subi %sign3A_30, %sign3A_33 : i32
    %sign3A_35 = arith.constant 0 : i32
    %sign3A_36 = arith.cmpi sgt, %jit3A_26, %sign3A_35 : i32
    %sign3A_37 = arith.extui %sign3A_36 : i1 to i32
    %sign3A_38 = arith.constant 0 : i32
    %sign3A_39 = arith.cmpi slt, %jit3A_26, %sign3A_38 : i32
    %sign3A_40 = arith.extui %sign3A_39 : i1 to i32
    %sign3A_41 = arith.subi %sign3A_37, %sign3A_40 : i32
    %ne3A_42 = arith.cmpi ne, %sign3A_34, %sign3A_41 : i32
    %rem3A_43 = arith.remsi %sub3A_25, %jit3A_26 : i32
    %ne3A_44 = arith.constant 0 : i32
    %ne3A_45 = arith.cmpi ne, %rem3A_43, %ne3A_44 : i32
    %and3A_46 = arith.andi %ne3A_42, %ne3A_45 : i1
    %sub3A_47 = arith.constant 1 : i32
    %sub3A_48 = arith.subi %div3A_27, %sub3A_47 : i32
    %select_n3A_49 = arith.select %and3A_46, %sub3A_48, %div3A_27 : i32
    %mul3A_50 = arith.constant 128 : i32
    %mul3A_51 = arith.muli %select_n3A_49, %mul3A_50 : i32
    %min3A = arith.constant 126976 : i32
    %min3A_52 = arith.minsi %mul3A_51, %min3A : i32
    %multiple_of3A = tpu.assume_multiple %min3A_52, 128 : i32
    %add3A_53 = arith.constant 32 : i32
    %add3A_54 = arith.addi %add3A, %add3A_53 : i32
    %mul3A_55 = arith.constant 8 : i32
    %mul3A_56 = arith.muli %add3A_54, %mul3A_55 : i32
    %mul3A_57 = arith.constant 512 : i32
    %mul3A_58 = arith.muli %mul3A_57, %mul3A_56 : i32
    %sub3A_59 = arith.constant 1 : i32
    %sub3A_60 = arith.subi %mul3A_56, %sub3A_59 : i32
    %mul3A_61 = arith.muli %mul3A_56, %sub3A_60 : i32
    %jit3A_62 = arith.constant 2 : i32
    %div3A_63 = arith.divsi %mul3A_61, %jit3A_62 : i32
    %sign3A_64 = arith.constant 0 : i32
    %sign3A_65 = arith.cmpi sgt, %mul3A_61, %sign3A_64 : i32
    %sign3A_66 = arith.extui %sign3A_65 : i1 to i32
    %sign3A_67 = arith.constant 0 : i32
    %sign3A_68 = arith.cmpi slt, %mul3A_61, %sign3A_67 : i32
    %sign3A_69 = arith.extui %sign3A_68 : i1 to i32
    %sign3A_70 = arith.subi %sign3A_66, %sign3A_69 : i32
    %sign3A_71 = arith.constant 0 : i32
    %sign3A_72 = arith.cmpi sgt, %jit3A_62, %sign3A_71 : i32
    %sign3A_73 = arith.extui %sign3A_72 : i1 to i32
    %sign3A_74 = arith.constant 0 : i32
    %sign3A_75 = arith.cmpi slt, %jit3A_62, %sign3A_74 : i32
    %sign3A_76 = arith.extui %sign3A_75 : i1 to i32
    %sign3A_77 = arith.subi %sign3A_73, %sign3A_76 : i32
    %ne3A_78 = arith.cmpi ne, %sign3A_70, %sign3A_77 : i32
    %rem3A_79 = arith.remsi %mul3A_61, %jit3A_62 : i32
    %ne3A_80 = arith.constant 0 : i32
    %ne3A_81 = arith.cmpi ne, %rem3A_79, %ne3A_80 : i32
    %and3A_82 = arith.andi %ne3A_78, %ne3A_81 : i1
    %sub3A_83 = arith.constant 1 : i32
    %sub3A_84 = arith.subi %div3A_63, %sub3A_83 : i32
    %select_n3A_85 = arith.select %and3A_82, %sub3A_84, %div3A_63 : i32
    %sub3A_86 = arith.subi %mul3A_58, %select_n3A_85 : i32
    %jit3A_87 = arith.constant 128 : i32
    %div3A_88 = arith.divsi %sub3A_86, %jit3A_87 : i32
    %sign3A_89 = arith.constant 0 : i32
    %sign3A_90 = arith.cmpi sgt, %sub3A_86, %sign3A_89 : i32
    %sign3A_91 = arith.extui %sign3A_90 : i1 to i32
    %sign3A_92 = arith.constant 0 : i32
    %sign3A_93 = arith.cmpi slt, %sub3A_86, %sign3A_92 : i32
    %sign3A_94 = arith.extui %sign3A_93 : i1 to i32
    %sign3A_95 = arith.subi %sign3A_91, %sign3A_94 : i32
    %sign3A_96 = arith.constant 0 : i32
    %sign3A_97 = arith.cmpi sgt, %jit3A_87, %sign3A_96 : i32
    %sign3A_98 = arith.extui %sign3A_97 : i1 to i32
    %sign3A_99 = arith.constant 0 : i32
    %sign3A_100 = arith.cmpi slt, %jit3A_87, %sign3A_99 : i32
    %sign3A_101 = arith.extui %sign3A_100 : i1 to i32
    %sign3A_102 = arith.subi %sign3A_98, %sign3A_101 : i32
    %ne3A_103 = arith.cmpi ne, %sign3A_95, %sign3A_102 : i32
    %rem3A_104 = arith.remsi %sub3A_86, %jit3A_87 : i32
    %ne3A_105 = arith.constant 0 : i32
    %ne3A_106 = arith.cmpi ne, %rem3A_104, %ne3A_105 : i32
    %and3A_107 = arith.andi %ne3A_103, %ne3A_106 : i1
    %sub3A_108 = arith.constant 1 : i32
    %sub3A_109 = arith.subi %div3A_88, %sub3A_108 : i32
    %select_n3A_110 = arith.select %and3A_107, %sub3A_109, %div3A_88 : i32
    %mul3A_111 = arith.constant 128 : i32
    %mul3A_112 = arith.muli %select_n3A_110, %mul3A_111 : i32
    %min3A_113 = arith.constant 129152 : i32
    %min3A_114 = arith.minsi %mul3A_112, %min3A_113 : i32
    %multiple_of3A_115 = tpu.assume_multiple %min3A_114, 128 : i32
    %parallel_loop3A = arith.constant 0 : i32
    %parallel_loop3A_116 = arith.constant 64 : i32
    %parallel_loop3A_117 = arith.constant 1 : i32
    scf.for %parallel_loop3A_139 = %parallel_loop3A to %parallel_loop3A_116 step %parallel_loop3A_117  : i32 {
      %parallel_loop3A_140 = arith.constant 8 : i32
      %parallel_loop3A_141 = arith.divsi %parallel_loop3A_139, %parallel_loop3A_140 : i32
      %parallel_loop3A_142 = arith.constant 0 : i32
      %parallel_loop3A_143 = arith.cmpi sgt, %parallel_loop3A_139, %parallel_loop3A_142 : i32
      %parallel_loop3A_144 = arith.extui %parallel_loop3A_143 : i1 to i32
      %parallel_loop3A_145 = arith.constant 0 : i32
      %parallel_loop3A_146 = arith.cmpi slt, %parallel_loop3A_139, %parallel_loop3A_145 : i32
      %parallel_loop3A_147 = arith.extui %parallel_loop3A_146 : i1 to i32
      %parallel_loop3A_148 = arith.subi %parallel_loop3A_144, %parallel_loop3A_147 : i32
      %parallel_loop3A_149 = arith.constant 0 : i32
      %parallel_loop3A_150 = arith.cmpi sgt, %parallel_loop3A_140, %parallel_loop3A_149 : i32
      %parallel_loop3A_151 = arith.extui %parallel_loop3A_150 : i1 to i32
      %parallel_loop3A_152 = arith.constant 0 : i32
      %parallel_loop3A_153 = arith.cmpi slt, %parallel_loop3A_140, %parallel_loop3A_152 : i32
      %parallel_loop3A_154 = arith.extui %parallel_loop3A_153 : i1 to i32
      %parallel_loop3A_155 = arith.subi %parallel_loop3A_151, %parallel_loop3A_154 : i32
      %parallel_loop3A_156 = arith.cmpi ne, %parallel_loop3A_148, %parallel_loop3A_155 : i32
      %parallel_loop3A_157 = arith.remsi %parallel_loop3A_139, %parallel_loop3A_140 : i32
      %parallel_loop3A_158 = arith.constant 0 : i32
      %parallel_loop3A_159 = arith.cmpi ne, %parallel_loop3A_157, %parallel_loop3A_158 : i32
      %parallel_loop3A_160 = arith.andi %parallel_loop3A_156, %parallel_loop3A_159 : i1
      %parallel_loop3A_161 = arith.constant 1 : i32
      %parallel_loop3A_162 = arith.subi %parallel_loop3A_141, %parallel_loop3A_161 : i32
      %parallel_loop3A_163 = arith.select %parallel_loop3A_160, %parallel_loop3A_162, %parallel_loop3A_141 : i32
      %parallel_loop3A_164 = arith.constant 8 : i32
      %parallel_loop3A_165 = arith.constant 0 : i32
      %parallel_loop3A_166 = arith.cmpi eq, %parallel_loop3A_164, %parallel_loop3A_165 : i32
      %parallel_loop3A_167 = arith.constant 1 : i32
      %parallel_loop3A_168 = arith.select %parallel_loop3A_166, %parallel_loop3A_167, %parallel_loop3A_164 : i32
      %parallel_loop3A_169 = arith.remsi %parallel_loop3A_139, %parallel_loop3A_168 : i32
      %parallel_loop3A_170 = arith.constant 0 : i32
      %parallel_loop3A_171 = arith.cmpi ne, %parallel_loop3A_169, %parallel_loop3A_170 : i32
      %parallel_loop3A_172 = arith.constant 0 : i32
      %parallel_loop3A_173 = arith.cmpi slt, %parallel_loop3A_169, %parallel_loop3A_172 : i32
      %parallel_loop3A_174 = arith.constant 0 : i32
      %parallel_loop3A_175 = arith.cmpi slt, %parallel_loop3A_168, %parallel_loop3A_174 : i32
      %parallel_loop3A_176 = arith.xori %parallel_loop3A_173, %parallel_loop3A_175 : i1
      %parallel_loop3A_177 = arith.andi %parallel_loop3A_176, %parallel_loop3A_171 : i1
      %parallel_loop3A_178 = arith.addi %parallel_loop3A_169, %parallel_loop3A_168 : i32
      %parallel_loop3A_179 = arith.select %parallel_loop3A_177, %parallel_loop3A_178, %parallel_loop3A_169 : i32
      %parallel_loop3A_180 = arith.index_cast %parallel_loop3A_163 : i32 to index
      %parallel_loop3A_181 = arith.index_cast %parallel_loop3A_179 : i32 to index
      %parallel_loop3A_182 = arith.constant 0 : index
      %parallel_loop3A_183 = tpu.vector_load %arg7[%parallel_loop3A_180, %parallel_loop3A_181, %parallel_loop3A_182] {strides = array<i32>} : memref<8x8x512xf32, #tpu.memory_space<vmem>>, vector<16xf32>,
      tpu.vector_store %arg7[%parallel_loop3A_180, %parallel_loop3A_181, %parallel_loop3A_182], %broadcast_in_dim3A_1 {strides = array<i32>} : memref<8x8x512xf32, #tpu.memory_space<vmem>>, vector<16xf32>,
      %parallel_loop3A_184 = arith.index_cast %parallel_loop3A_163 : i32 to index
      %parallel_loop3A_185 = arith.index_cast %parallel_loop3A_179 : i32 to index
      %parallel_loop3A_186 = arith.constant 16 : index
      %parallel_loop3A_187 = tpu.vector_load %arg7[%parallel_loop3A_184, %parallel_loop3A_185, %parallel_loop3A_186] {strides = array<i32>} : memref<8x8x512xf32, #tpu.memory_space<vmem>>, vector<16xf32>,
      tpu.vector_store %arg7[%parallel_loop3A_184, %parallel_loop3A_185, %parallel_loop3A_186], %broadcast_in_dim3A_1 {strides = array<i32>} : memref<8x8x512xf32, #tpu.memory_space<vmem>>, vector<16xf32>,
      %parallel_loop3A_188 = arith.index_cast %parallel_loop3A_163 : i32 to index
      %parallel_loop3A_189 = arith.index_cast %parallel_loop3A_179 : i32 to index
      %parallel_loop3A_190 = arith.constant 32 : index
      %parallel_loop3A_191 = tpu.vector_load %arg7[%parallel_loop3A_188, %parallel_loop3A_189, %parallel_loop3A_190] {strides = array<i32>} : memref<8x8x512xf32, #tpu.memory_space<vmem>>, vector<16xf32>,
      tpu.vector_store %arg7[%parallel_loop3A_188, %parallel_loop3A_189, %parallel_loop3A_190], %broadcast_in_dim3A_1 {strides = array<i32>} : memref<8x8x512xf32, #tpu.memory_space<vmem>>, vector<16xf32>,
      %parallel_loop3A_192 = arith.index_cast %parallel_loop3A_163 : i32 to index
      %parallel_loop3A_193 = arith.index_cast %parallel_loop3A_179 : i32 to index
      %parallel_loop3A_194 = arith.constant 48 : index
      %parallel_loop3A_195 = tpu.vector_load %arg7[%parallel_loop3A_192, %parallel_loop3A_193, %parallel_loop3A_194] {strides = array<i32>} : memref<8x8x512xf32, #tpu.memory_space<vmem>>, vector<16xf32>,
      tpu.vector_store %arg7[%parallel_loop3A_192, %parallel_loop3A_193, %parallel_loop3A_194], %broadcast_in_dim3A_1 {strides = array<i32>} : memref<8x8x512xf32, #tpu.memory_space<vmem>>, vector<16xf32>,
      %parallel_loop3A_196 = arith.index_cast %parallel_loop3A_163 : i32 to index
      %parallel_loop3A_197 = arith.index_cast %parallel_loop3A_179 : i32 to index
      %parallel_loop3A_198 = arith.constant 64 : index
      %parallel_loop3A_199 = tpu.vector_load %arg7[%parallel_loop3A_196, %parallel_loop3A_197, %parallel_loop3A_198] {strides = array<i32>} : memref<8x8x512xf32, #tpu.memory_space<vmem>>, vector<16xf32>,
      tpu.vector_store %arg7[%parallel_loop3A_196, %parallel_loop3A_197, %parallel_loop3A_198], %broadcast_in_dim3A_1 {strides = array<i32>} : memref<8x8x512xf32, #tpu.memory_space<vmem>>, vector<16xf32>,
      %parallel_loop3A_200 = arith.index_cast %parallel_loop3A_163 : i32 to index
      %parallel_loop3A_201 = arith.index_cast %parallel_loop3A_179 : i32 to index
      %parallel_loop3A_202 = arith.constant 80 : index
      %parallel_loop3A_203 = tpu.vector_load %arg7[%parallel_loop3A_200, %parallel_loop3A_201, %parallel_loop3A_202] {strides = array<i32>} : memref<8x8x512xf32, #tpu.memory_space<vmem>>, vector<16xf32>,
      tpu.vector_store %arg7[%parallel_loop3A_200, %parallel_loop3A_201, %parallel_loop3A_202], %broadcast_in_dim3A_1 {strides = array<i32>} : memref<8x8x512xf32, #tpu.memory_space<vmem>>, vector<16xf32>,
      %parallel_loop3A_204 = arith.index_cast %parallel_loop3A_163 : i32 to index
      %parallel_loop3A_205 = arith.index_cast %parallel_loop3A_179 : i32 to index
      %parallel_loop3A_206 = arith.constant 96 : index
      %parallel_loop3A_207 = tpu.vector_load %arg7[%parallel_loop3A_204, %parallel_loop3A_205, %parallel_loop3A_206] {strides = array<i32>} : memref<8x8x512xf32, #tpu.memory_space<vmem>>, vector<16xf32>,
      tpu.vector_store %arg7[%parallel_loop3A_204, %parallel_loop3A_205, %parallel_loop3A_206], %broadcast_in_dim3A_1 {strides = array<i32>} : memref<8x8x512xf32, #tpu.memory_space<vmem>>, vector<16xf32>,
      %parallel_loop3A_208 = arith.index_cast %parallel_loop3A_163 : i32 to index
      %parallel_loop3A_209 = arith.index_cast %parallel_loop3A_179 : i32 to index
      %parallel_loop3A_210 = arith.constant 112 : index
      %parallel_loop3A_211 = tpu.vector_load %arg7[%parallel_loop3A_208, %parallel_loop3A_209, %parallel_loop3A_210] {strides = array<i32>} : memref<8x8x512xf32, #tpu.memory_space<vmem>>, vector<16xf32>,
      tpu.vector_store %arg7[%parallel_loop3A_208, %parallel_loop3A_209, %parallel_loop3A_210], %broadcast_in_dim3A_1 {strides = array<i32>} : memref<8x8x512xf32, #tpu.memory_space<vmem>>, vector<16xf32>,
      %parallel_loop3A_212 = arith.index_cast %parallel_loop3A_163 : i32 to index
      %parallel_loop3A_213 = arith.index_cast %parallel_loop3A_179 : i32 to index
      %parallel_loop3A_214 = arith.constant 128 : index
      %parallel_loop3A_215 = tpu.vector_load %arg7[%parallel_loop3A_212, %parallel_loop3A_213, %parallel_loop3A_214] {strides = array<i32>} : memref<8x8x512xf32, #tpu.memory_space<vmem>>, vector<16xf32>,
      tpu.vector_store %arg7[%parallel_loop3A_212, %parallel_loop3A_213, %parallel_loop3A_214], %broadcast_in_dim3A_1 {strides = array<i32>} : memref<8x8x512xf32, #tpu.memory_space<vmem>>, vector<16xf32>,
      %parallel_loop3A_216 = arith.index_cast %parallel_loop3A_163 : i32 to index
      %parallel_loop3A_217 = arith.index_cast %parallel_loop3A_179 : i32 to index
      %parallel_loop3A_218 = arith.constant 144 : index
      %parallel_loop3A_219 = tpu.vector_load %arg7[%parallel_loop3A_216, %parallel_loop3A_217, %parallel_loop3A_218] {strides = array<i32>} : memref<8x8x512xf32, #tpu.memory_space<vmem>>, vector<16xf32>,
      tpu.vector_store %arg7[%parallel_loop3A_216, %parallel_loop3A_217, %parallel_loop3A_218], %broadcast_in_dim3A_1 {strides = array<i32>} : memref<8x8x512xf32, #tpu.memory_space<vmem>>, vector<16xf32>,
      %parallel_loop3A_220 = arith.index_cast %parallel_loop3A_163 : i32 to index
      %parallel_loop3A_221 = arith.index_cast %parallel_loop3A_179 : i32 to index
      %parallel_loop3A_222 = arith.constant 160 : index
      %parallel_loop3A_223 = tpu.vector_load %arg7[%parallel_loop3A_220, %parallel_loop3A_221, %parallel_loop3A_222] {strides = array<i32>} : memref<8x8x512xf32, #tpu.memory_space<vmem>>, vector<16xf32>,
      tpu.vector_store %arg7[%parallel_loop3A_220, %parallel_loop3A_221, %parallel_loop3A_222], %broadcast_in_dim3A_1 {strides = array<i32>} : memref<8x8x512xf32, #tpu.memory_space<vmem>>, vector<16xf32>,
      %parallel_loop3A_224 = arith.index_cast %parallel_loop3A_163 : i32 to index
      %parallel_loop3A_225 = arith.index_cast %parallel_loop3A_179 : i32 to index
      %parallel_loop3A_226 = arith.constant 176 : index
      %parallel_loop3A_227 = tpu.vector_load %arg7[%parallel_loop3A_224, %parallel_loop3A_225, %parallel_loop3A_226] {strides = array<i32>} : memref<8x8x512xf32, #tpu.memory_space<vmem>>, vector<16xf32>,
      tpu.vector_store %arg7[%parallel_loop3A_224, %parallel_loop3A_225, %parallel_loop3A_226], %broadcast_in_dim3A_1 {strides = array<i32>} : memref<8x8x512xf32, #tpu.memory_space<vmem>>, vector<16xf32>,
      %parallel_loop3A_228 = arith.index_cast %parallel_loop3A_163 : i32 to index
      %parallel_loop3A_229 = arith.index_cast %parallel_loop3A_179 : i32 to index
      %parallel_loop3A_230 = arith.constant 192 : index
      %parallel_loop3A_231 = tpu.vector_load %arg7[%parallel_loop3A_228, %parallel_loop3A_229, %parallel_loop3A_230] {strides = array<i32>} : memref<8x8x512xf32, #tpu.memory_space<vmem>>, vector<16xf32>,
      tpu.vector_store %arg7[%parallel_loop3A_228, %parallel_loop3A_229, %parallel_loop3A_230], %broadcast_in_dim3A_1 {strides = array<i32>} : memref<8x8x512xf32, #tpu.memory_space<vmem>>, vector<16xf32>,
      %parallel_loop3A_232 = arith.index_cast %parallel_loop3A_163 : i32 to index
      %parallel_loop3A_233 = arith.index_cast %parallel_loop3A_179 : i32 to index
      %parallel_loop3A_234 = arith.constant 208 : index
      %parallel_loop3A_235 = tpu.vector_load %arg7[%parallel_loop3A_232, %parallel_loop3A_233, %parallel_loop3A_234] {strides = array<i32>} : memref<8x8x512xf32, #tpu.memory_space<vmem>>, vector<16xf32>,
      tpu.vector_store %arg7[%parallel_loop3A_232, %parallel_loop3A_233, %parallel_loop3A_234], %broadcast_in_dim3A_1 {strides = array<i32>} : memref<8x8x512xf32, #tpu.memory_space<vmem>>, vector<16xf32>,
      %parallel_loop3A_236 = arith.index_cast %parallel_loop3A_163 : i32 to index
      %parallel_loop3A_237 = arith.index_cast %parallel_loop3A_179 : i32 to index
      %parallel_loop3A_238 = arith.constant 224 : index
      %parallel_loop3A_239 = tpu.vector_load %arg7[%parallel_loop3A_236, %parallel_loop3A_237, %parallel_loop3A_238] {strides = array<i32>} : memref<8x8x512xf32, #tpu.memory_space<vmem>>, vector<16xf32>,
      tpu.vector_store %arg7[%parallel_loop3A_236, %parallel_loop3A_237, %parallel_loop3A_238], %broadcast_in_dim3A_1 {strides = array<i32>} : memref<8x8x512xf32, #tpu.memory_space<vmem>>, vector<16xf32>,
      %parallel_loop3A_240 = arith.index_cast %parallel_loop3A_163 : i32 to index
      %parallel_loop3A_241 = arith.index_cast %parallel_loop3A_179 : i32 to index
      %parallel_loop3A_242 = arith.constant 240 : index
      %parallel_loop3A_243 = tpu.vector_load %arg7[%parallel_loop3A_240, %parallel_loop3A_241, %parallel_loop3A_242] {strides = array<i32>} : memref<8x8x512xf32, #tpu.memory_space<vmem>>, vector<16xf32>,
      tpu.vector_store %arg7[%parallel_loop3A_240, %parallel_loop3A_241, %parallel_loop3A_242], %broadcast_in_dim3A_1 {strides = array<i32>} : memref<8x8x512xf32, #tpu.memory_space<vmem>>, vector<16xf32>,
    } {sc.loop_unroll_factor = 2 : i64, sc.parallel_access}
    %dma_start3A = arith.constant 0 : i32
    %dma_start3A_118 = tpu.memref_slice %arg2[%dma_start3A, %multiple_of3A] : memref<128x131328xf32, #tpu.memory_space<hbm>> -> memref<8x4352xf32, #tpu.memory_space<hbm>>
    %dma_start3A_119 = arith.constant 0 : i32
    %dma_start3A_120 = tpu.memref_slice %arg2[%dma_start3A_119, %multiple_of3A] : memref<128x131328xf32, #tpu.memory_space<hbm>> -> memref<8x4352xf32, #tpu.memory_space<hbm>>
    tpu.enqueue_dma source(%dma_start3A_120 : memref<8x4352xf32, #tpu.memory_space<hbm>>) target(%arg4 : memref<8x4352xf32, #tpu.memory_space<vmem>>) target_semaphore(%arg8 : memref<!tpu.dma_semaphore, #tpu.memory_space<semaphore_mem>>)
    %scan3A = arith.constant 0 : i32
    %scan3A_121 = arith.constant 0 : i32
    %scan3A_122 = arith.constant 16 : i32
    %scan3A_123 = arith.addi %scan3A_121, %scan3A_122 : i32
    %scan3A_124 = arith.constant 1 : i32
    scf.for %scan3A_139 = %scan3A_121 to %scan3A_123 step %scan3A_124  : i32 {
      %mul3A_140 = arith.constant 8 : i32
      %mul3A_141 = arith.muli %scan3A_139, %mul3A_140 : i32
      %multiple_of3A_142 = tpu.assume_multiple %mul3A_141, 8 : i32
      %dma_wait3A_143 = tpu.memref_slice %arg2[%multiple_of3A_142, %multiple_of3A] : memref<128x131328xf32, #tpu.memory_space<hbm>> -> memref<8x4352xf32, #tpu.memory_space<hbm>>
      %dma_wait3A_144 = tpu.memref_slice %arg2[%multiple_of3A_142, %multiple_of3A] : memref<128x131328xf32, #tpu.memory_space<hbm>> -> memref<8x4352xf32, #tpu.memory_space<hbm>>
      tpu.wait_dma2 semaphore(%arg8 : memref<!tpu.dma_semaphore, #tpu.memory_space<semaphore_mem>>) src(%dma_wait3A_144 : memref<8x4352xf32, #tpu.memory_space<hbm>>) dst(%arg4 : memref<8x4352xf32, #tpu.memory_space<vmem>>)
      %dma_start3A_145 = tpu.memref_slice %arg2[%multiple_of3A_142, %multiple_of3A_115] : memref<128x131328xf32, #tpu.memory_space<hbm>> -> memref<8x2176xf32, #tpu.memory_space<hbm>>
      %dma_start3A_146 = tpu.memref_slice %arg2[%multiple_of3A_142, %multiple_of3A_115] : memref<128x131328xf32, #tpu.memory_space<hbm>> -> memref<8x2176xf32, #tpu.memory_space<hbm>>
      tpu.enqueue_dma source(%dma_start3A_146 : memref<8x2176xf32, #tpu.memory_space<hbm>>) target(%arg5 : memref<8x2176xf32, #tpu.memory_space<vmem>>) target_semaphore(%arg9 : memref<!tpu.dma_semaphore, #tpu.memory_space<semaphore_mem>>)
      %gt3A = arith.constant 0 : i32
      %gt3A_147 = arith.cmpi sgt, %scan3A_139, %gt3A : i32
      %convert_element_type3A = arith.extui %gt3A_147 : i1 to i32
      %cond3A = arith.constant 0 : i32
      %cond3A_148 = arith.cmpi ne, %convert_element_type3A, %cond3A : i32
      scf.if %cond3A_148 {
        %multiple_of3A_176 = tpu.assume_multiple %mul3A_3, 8 : i32
        %dma_wait3A_177 = arith.constant 0 : i32
        %dma_wait3A_178 = tpu.memref_slice %arg3[%multiple_of3A_142, %multiple_of3A_176, %dma_wait3A_177] : memref<128x512x512xf32, #tpu.memory_space<hbm>> -> memref<8x8x512xf32, #tpu.memory_space<hbm>>
        %dma_wait3A_179 = arith.constant 0 : i32
        %dma_wait3A_180 = tpu.memref_slice %arg3[%multiple_of3A_142, %multiple_of3A_176, %dma_wait3A_179] : memref<128x512x512xf32, #tpu.memory_space<hbm>> -> memref<8x8x512xf32, #tpu.memory_space<hbm>>
        tpu.wait_dma2 semaphore(%arg10 : memref<!tpu.dma_semaphore, #tpu.memory_space<semaphore_mem>>) src(%arg6 : memref<8x8x512xf32, #tpu.memory_space<vmem>>) dst(%dma_wait3A_180 : memref<8x8x512xf32, #tpu.memory_space<hbm>>)
      } else {
      }
      %parallel_loop3A_149 = arith.constant 0 : i32
      %parallel_loop3A_150 = arith.constant 64 : i32
      %parallel_loop3A_151 = arith.constant 1 : i32
      scf.for %parallel_loop3A_176 = %parallel_loop3A_149 to %parallel_loop3A_150 step %parallel_loop3A_151  : i32 {
        %parallel_loop3A_177 = arith.constant 8 : i32
        %parallel_loop3A_178 = arith.divsi %parallel_loop3A_176, %parallel_loop3A_177 : i32
        %parallel_loop3A_179 = arith.constant 0 : i32
        %parallel_loop3A_180 = arith.cmpi sgt, %parallel_loop3A_176, %parallel_loop3A_179 : i32
        %parallel_loop3A_181 = arith.extui %parallel_loop3A_180 : i1 to i32
        %parallel_loop3A_182 = arith.constant 0 : i32
        %parallel_loop3A_183 = arith.cmpi slt, %parallel_loop3A_176, %parallel_loop3A_182 : i32
        %parallel_loop3A_184 = arith.extui %parallel_loop3A_183 : i1 to i32
        %parallel_loop3A_185 = arith.subi %parallel_loop3A_181, %parallel_loop3A_184 : i32
        %parallel_loop3A_186 = arith.constant 0 : i32
        %parallel_loop3A_187 = arith.cmpi sgt, %parallel_loop3A_177, %parallel_loop3A_186 : i32
        %parallel_loop3A_188 = arith.extui %parallel_loop3A_187 : i1 to i32
        %parallel_loop3A_189 = arith.constant 0 : i32
        %parallel_loop3A_190 = arith.cmpi slt, %parallel_loop3A_177, %parallel_loop3A_189 : i32
        %parallel_loop3A_191 = arith.extui %parallel_loop3A_190 : i1 to i32
        %parallel_loop3A_192 = arith.subi %parallel_loop3A_188, %parallel_loop3A_191 : i32
        %parallel_loop3A_193 = arith.cmpi ne, %parallel_loop3A_185, %parallel_loop3A_192 : i32
        %parallel_loop3A_194 = arith.remsi %parallel_loop3A_176, %parallel_loop3A_177 : i32
        %parallel_loop3A_195 = arith.constant 0 : i32
        %parallel_loop3A_196 = arith.cmpi ne, %parallel_loop3A_194, %parallel_loop3A_195 : i32
        %parallel_loop3A_197 = arith.andi %parallel_loop3A_193, %parallel_loop3A_196 : i1
        %parallel_loop3A_198 = arith.constant 1 : i32
        %parallel_loop3A_199 = arith.subi %parallel_loop3A_178, %parallel_loop3A_198 : i32
        %parallel_loop3A_200 = arith.select %parallel_loop3A_197, %parallel_loop3A_199, %parallel_loop3A_178 : i32
        %parallel_loop3A_201 = arith.constant 8 : i32
        %parallel_loop3A_202 = arith.constant 0 : i32
        %parallel_loop3A_203 = arith.cmpi eq, %parallel_loop3A_201, %parallel_loop3A_202 : i32
        %parallel_loop3A_204 = arith.constant 1 : i32
        %parallel_loop3A_205 = arith.select %parallel_loop3A_203, %parallel_loop3A_204, %parallel_loop3A_201 : i32
        %parallel_loop3A_206 = arith.remsi %parallel_loop3A_176, %parallel_loop3A_205 : i32
        %parallel_loop3A_207 = arith.constant 0 : i32
        %parallel_loop3A_208 = arith.cmpi ne, %parallel_loop3A_206, %parallel_loop3A_207 : i32
        %parallel_loop3A_209 = arith.constant 0 : i32
        %parallel_loop3A_210 = arith.cmpi slt, %parallel_loop3A_206, %parallel_loop3A_209 : i32
        %parallel_loop3A_211 = arith.constant 0 : i32
        %parallel_loop3A_212 = arith.cmpi slt, %parallel_loop3A_205, %parallel_loop3A_211 : i32
        %parallel_loop3A_213 = arith.xori %parallel_loop3A_210, %parallel_loop3A_212 : i1
        %parallel_loop3A_214 = arith.andi %parallel_loop3A_213, %parallel_loop3A_208 : i1
        %parallel_loop3A_215 = arith.addi %parallel_loop3A_206, %parallel_loop3A_205 : i32
        %parallel_loop3A_216 = arith.select %parallel_loop3A_214, %parallel_loop3A_215, %parallel_loop3A_206 : i32
        %parallel_loop3A_217 = arith.constant 0 : i32
        %parallel_loop3A_218 = vector.broadcast %parallel_loop3A_217 : i32 to vector<16xi32>
        %parallel_loop3A_219 = vector.broadcast %parallel_loop3A_200 : i32 to vector<16xi32>
        %parallel_loop3A_220 = arith.addi %parallel_loop3A_218, %parallel_loop3A_219 : vector<16xi32>
        %parallel_loop3A_221 = arith.addi %mul3A_3, %parallel_loop3A_216 : i32
        %parallel_loop3A_222 = arith.constant 512 : i32
        %parallel_loop3A_223 = arith.muli %parallel_loop3A_222, %parallel_loop3A_221 : i32
        %parallel_loop3A_224 = arith.constant 1 : i32
        %parallel_loop3A_225 = arith.subi %parallel_loop3A_221, %parallel_loop3A_224 : i32
        %parallel_loop3A_226 = arith.muli %parallel_loop3A_221, %parallel_loop3A_225 : i32
        %parallel_loop3A_227 = arith.constant 2 : i32
        %parallel_loop3A_228 = arith.divsi %parallel_loop3A_226, %parallel_loop3A_227 : i32
        %parallel_loop3A_229 = arith.constant 0 : i32
        %parallel_loop3A_230 = arith.cmpi sgt, %parallel_loop3A_226, %parallel_loop3A_229 : i32
        %parallel_loop3A_231 = arith.extui %parallel_loop3A_230 : i1 to i32
        %parallel_loop3A_232 = arith.constant 0 : i32
        %parallel_loop3A_233 = arith.cmpi slt, %parallel_loop3A_226, %parallel_loop3A_232 : i32
        %parallel_loop3A_234 = arith.extui %parallel_loop3A_233 : i1 to i32
        %parallel_loop3A_235 = arith.subi %parallel_loop3A_231, %parallel_loop3A_234 : i32
        %parallel_loop3A_236 = arith.constant 0 : i32
        %parallel_loop3A_237 = arith.cmpi sgt, %parallel_loop3A_227, %parallel_loop3A_236 : i32
        %parallel_loop3A_238 = arith.extui %parallel_loop3A_237 : i1 to i32
        %parallel_loop3A_239 = arith.constant 0 : i32
        %parallel_loop3A_240 = arith.cmpi slt, %parallel_loop3A_227, %parallel_loop3A_239 : i32
        %parallel_loop3A_241 = arith.extui %parallel_loop3A_240 : i1 to i32
        %parallel_loop3A_242 = arith.subi %parallel_loop3A_238, %parallel_loop3A_241 : i32
        %parallel_loop3A_243 = arith.cmpi ne, %parallel_loop3A_235, %parallel_loop3A_242 : i32
        %parallel_loop3A_244 = arith.remsi %parallel_loop3A_226, %parallel_loop3A_227 : i32
        %parallel_loop3A_245 = arith.constant 0 : i32
        %parallel_loop3A_246 = arith.cmpi ne, %parallel_loop3A_244, %parallel_loop3A_245 : i32
        %parallel_loop3A_247 = arith.andi %parallel_loop3A_243, %parallel_loop3A_246 : i1
        %parallel_loop3A_248 = arith.constant 1 : i32
        %parallel_loop3A_249 = arith.subi %parallel_loop3A_228, %parallel_loop3A_248 : i32
        %parallel_loop3A_250 = arith.select %parallel_loop3A_247, %parallel_loop3A_249, %parallel_loop3A_228 : i32
        %parallel_loop3A_251 = arith.subi %parallel_loop3A_223, %parallel_loop3A_250 : i32
        %parallel_loop3A_252 = arith.subi %parallel_loop3A_251, %parallel_loop3A_221 : i32
        %parallel_loop3A_253 = arith.subi %parallel_loop3A_252, %multiple_of3A : i32
        %parallel_loop3A_254 = vector.broadcast %parallel_loop3A_221 : i32 to vector<16xi32>
        %parallel_loop3A_255 = arith.subi %iota3A, %parallel_loop3A_254 : vector<16xi32>
        %parallel_loop3A_256 = arith.constant 0 : i32
        %parallel_loop3A_257 = arith.addi %parallel_loop3A_253, %parallel_loop3A_256 : i32
        %parallel_loop3A_258 = vector.broadcast %parallel_loop3A_257 : i32 to vector<16xi32>
        %parallel_loop3A_259 = arith.addi %iota3A, %parallel_loop3A_258 : vector<16xi32>
        %parallel_loop3A_260 = arith.constant 0 : i32
        %parallel_loop3A_261 = vector.broadcast %parallel_loop3A_260 : i32 to vector<16xi32>
        %parallel_loop3A_262 = arith.cmpi sge, %parallel_loop3A_255, %parallel_loop3A_261 : vector<16xi32>
        %parallel_loop3A_263 = tpu.vector_load_idx %arg4[%parallel_loop3A_220, %parallel_loop3A_259] masked %parallel_loop3A_262 : memref<8x4352xf32, #tpu.memory_space<vmem>>[vector<16xi32>, vector<16xi32>], vector<16xf32>, vector<16xi1>
        %parallel_loop3A_264 = arith.index_cast %parallel_loop3A_200 : i32 to index
        %parallel_loop3A_265 = arith.index_cast %parallel_loop3A_216 : i32 to index
        %parallel_loop3A_266 = arith.constant 0 : index
        %parallel_loop3A_267 = tpu.vector_load %arg6[%parallel_loop3A_264, %parallel_loop3A_265, %parallel_loop3A_266] {strides = array<i32>} : memref<8x8x512xf32, #tpu.memory_space<vmem>>, vector<16xf32>,
        tpu.vector_store %arg6[%parallel_loop3A_264, %parallel_loop3A_265, %parallel_loop3A_266], %parallel_loop3A_263 {strides = array<i32>} : memref<8x8x512xf32, #tpu.memory_space<vmem>>, vector<16xf32>,
        %parallel_loop3A_268 = arith.constant 16 : i32
        %parallel_loop3A_269 = arith.addi %parallel_loop3A_253, %parallel_loop3A_268 : i32
        %parallel_loop3A_270 = vector.broadcast %parallel_loop3A_269 : i32 to vector<16xi32>
        %parallel_loop3A_271 = arith.addi %iota3A, %parallel_loop3A_270 : vector<16xi32>
        %parallel_loop3A_272 = arith.constant -16 : i32
        %parallel_loop3A_273 = vector.broadcast %parallel_loop3A_272 : i32 to vector<16xi32>
        %parallel_loop3A_274 = arith.cmpi sge, %parallel_loop3A_255, %parallel_loop3A_273 : vector<16xi32>
        %parallel_loop3A_275 = tpu.vector_load_idx %arg4[%parallel_loop3A_220, %parallel_loop3A_271] masked %parallel_loop3A_274 : memref<8x4352xf32, #tpu.memory_space<vmem>>[vector<16xi32>, vector<16xi32>], vector<16xf32>, vector<16xi1>
        %parallel_loop3A_276 = arith.index_cast %parallel_loop3A_200 : i32 to index
        %parallel_loop3A_277 = arith.index_cast %parallel_loop3A_216 : i32 to index
        %parallel_loop3A_278 = arith.constant 16 : index
        %parallel_loop3A_279 = tpu.vector_load %arg6[%parallel_loop3A_276, %parallel_loop3A_277, %parallel_loop3A_278] {strides = array<i32>} : memref<8x8x512xf32, #tpu.memory_space<vmem>>, vector<16xf32>,
        tpu.vector_store %arg6[%parallel_loop3A_276, %parallel_loop3A_277, %parallel_loop3A_278], %parallel_loop3A_275 {strides = array<i32>} : memref<8x8x512xf32, #tpu.memory_space<vmem>>, vector<16xf32>,
        %parallel_loop3A_280 = arith.constant 32 : i32
        %parallel_loop3A_281 = arith.addi %parallel_loop3A_253, %parallel_loop3A_280 : i32
        %parallel_loop3A_282 = vector.broadcast %parallel_loop3A_281 : i32 to vector<16xi32>
        %parallel_loop3A_283 = arith.addi %iota3A, %parallel_loop3A_282 : vector<16xi32>
        %parallel_loop3A_284 = arith.constant -32 : i32
        %parallel_loop3A_285 = vector.broadcast %parallel_loop3A_284 : i32 to vector<16xi32>
        %parallel_loop3A_286 = arith.cmpi sge, %parallel_loop3A_255, %parallel_loop3A_285 : vector<16xi32>
        %parallel_loop3A_287 = tpu.vector_load_idx %arg4[%parallel_loop3A_220, %parallel_loop3A_283] masked %parallel_loop3A_286 : memref<8x4352xf32, #tpu.memory_space<vmem>>[vector<16xi32>, vector<16xi32>], vector<16xf32>, vector<16xi1>
        %parallel_loop3A_288 = arith.index_cast %parallel_loop3A_200 : i32 to index
        %parallel_loop3A_289 = arith.index_cast %parallel_loop3A_216 : i32 to index
        %parallel_loop3A_290 = arith.constant 32 : index
        %parallel_loop3A_291 = tpu.vector_load %arg6[%parallel_loop3A_288, %parallel_loop3A_289, %parallel_loop3A_290] {strides = array<i32>} : memref<8x8x512xf32, #tpu.memory_space<vmem>>, vector<16xf32>,
        tpu.vector_store %arg6[%parallel_loop3A_288, %parallel_loop3A_289, %parallel_loop3A_290], %parallel_loop3A_287 {strides = array<i32>} : memref<8x8x512xf32, #tpu.memory_space<vmem>>, vector<16xf32>,
        %parallel_loop3A_292 = arith.constant 48 : i32
        %parallel_loop3A_293 = arith.addi %parallel_loop3A_253, %parallel_loop3A_292 : i32
        %parallel_loop3A_294 = vector.broadcast %parallel_loop3A_293 : i32 to vector<16xi32>
        %parallel_loop3A_295 = arith.addi %iota3A, %parallel_loop3A_294 : vector<16xi32>
        %parallel_loop3A_296 = arith.constant -48 : i32
        %parallel_loop3A_297 = vector.broadcast %parallel_loop3A_296 : i32 to vector<16xi32>
        %parallel_loop3A_298 = arith.cmpi sge, %parallel_loop3A_255, %parallel_loop3A_297 : vector<16xi32>
        %parallel_loop3A_299 = tpu.vector_load_idx %arg4[%parallel_loop3A_220, %parallel_loop3A_295] masked %parallel_loop3A_298 : memref<8x4352xf32, #tpu.memory_space<vmem>>[vector<16xi32>, vector<16xi32>], vector<16xf32>, vector<16xi1>
        %parallel_loop3A_300 = arith.index_cast %parallel_loop3A_200 : i32 to index
        %parallel_loop3A_301 = arith.index_cast %parallel_loop3A_216 : i32 to index
        %parallel_loop3A_302 = arith.constant 48 : index
        %parallel_loop3A_303 = tpu.vector_load %arg6[%parallel_loop3A_300, %parallel_loop3A_301, %parallel_loop3A_302] {strides = array<i32>} : memref<8x8x512xf32, #tpu.memory_space<vmem>>, vector<16xf32>,
        tpu.vector_store %arg6[%parallel_loop3A_300, %parallel_loop3A_301, %parallel_loop3A_302], %parallel_loop3A_299 {strides = array<i32>} : memref<8x8x512xf32, #tpu.memory_space<vmem>>, vector<16xf32>,
        %parallel_loop3A_304 = arith.constant 64 : i32
        %parallel_loop3A_305 = arith.addi %parallel_loop3A_253, %parallel_loop3A_304 : i32
        %parallel_loop3A_306 = vector.broadcast %parallel_loop3A_305 : i32 to vector<16xi32>
        %parallel_loop3A_307 = arith.addi %iota3A, %parallel_loop3A_306 : vector<16xi32>
        %parallel_loop3A_308 = arith.constant -64 : i32
        %parallel_loop3A_309 = vector.broadcast %parallel_loop3A_308 : i32 to vector<16xi32>
        %parallel_loop3A_310 = arith.cmpi sge, %parallel_loop3A_255, %parallel_loop3A_309 : vector<16xi32>
        %parallel_loop3A_311 = tpu.vector_load_idx %arg4[%parallel_loop3A_220, %parallel_loop3A_307] masked %parallel_loop3A_310 : memref<8x4352xf32, #tpu.memory_space<vmem>>[vector<16xi32>, vector<16xi32>], vector<16xf32>, vector<16xi1>
        %parallel_loop3A_312 = arith.index_cast %parallel_loop3A_200 : i32 to index
        %parallel_loop3A_313 = arith.index_cast %parallel_loop3A_216 : i32 to index
        %parallel_loop3A_314 = arith.constant 64 : index
        %parallel_loop3A_315 = tpu.vector_load %arg6[%parallel_loop3A_312, %parallel_loop3A_313, %parallel_loop3A_314] {strides = array<i32>} : memref<8x8x512xf32, #tpu.memory_space<vmem>>, vector<16xf32>,
        tpu.vector_store %arg6[%parallel_loop3A_312, %parallel_loop3A_313, %parallel_loop3A_314], %parallel_loop3A_311 {strides = array<i32>} : memref<8x8x512xf32, #tpu.memory_space<vmem>>, vector<16xf32>,
        %parallel_loop3A_316 = arith.constant 80 : i32
        %parallel_loop3A_317 = arith.addi %parallel_loop3A_253, %parallel_loop3A_316 : i32
        %parallel_loop3A_318 = vector.broadcast %parallel_loop3A_317 : i32 to vector<16xi32>
        %parallel_loop3A_319 = arith.addi %iota3A, %parallel_loop3A_318 : vector<16xi32>
        %parallel_loop3A_320 = arith.constant -80 : i32
        %parallel_loop3A_321 = vector.broadcast %parallel_loop3A_320 : i32 to vector<16xi32>
        %parallel_loop3A_322 = arith.cmpi sge, %parallel_loop3A_255, %parallel_loop3A_321 : vector<16xi32>
        %parallel_loop3A_323 = tpu.vector_load_idx %arg4[%parallel_loop3A_220, %parallel_loop3A_319] masked %parallel_loop3A_322 : memref<8x4352xf32, #tpu.memory_space<vmem>>[vector<16xi32>, vector<16xi32>], vector<16xf32>, vector<16xi1>
        %parallel_loop3A_324 = arith.index_cast %parallel_loop3A_200 : i32 to index
        %parallel_loop3A_325 = arith.index_cast %parallel_loop3A_216 : i32 to index
        %parallel_loop3A_326 = arith.constant 80 : index
        %parallel_loop3A_327 = tpu.vector_load %arg6[%parallel_loop3A_324, %parallel_loop3A_325, %parallel_loop3A_326] {strides = array<i32>} : memref<8x8x512xf32, #tpu.memory_space<vmem>>, vector<16xf32>,
        tpu.vector_store %arg6[%parallel_loop3A_324, %parallel_loop3A_325, %parallel_loop3A_326], %parallel_loop3A_323 {strides = array<i32>} : memref<8x8x512xf32, #tpu.memory_space<vmem>>, vector<16xf32>,
        %parallel_loop3A_328 = arith.constant 96 : i32
        %parallel_loop3A_329 = arith.addi %parallel_loop3A_253, %parallel_loop3A_328 : i32
        %parallel_loop3A_330 = vector.broadcast %parallel_loop3A_329 : i32 to vector<16xi32>
        %parallel_loop3A_331 = arith.addi %iota3A, %parallel_loop3A_330 : vector<16xi32>
        %parallel_loop3A_332 = arith.constant -96 : i32
        %parallel_loop3A_333 = vector.broadcast %parallel_loop3A_332 : i32 to vector<16xi32>
        %parallel_loop3A_334 = arith.cmpi sge, %parallel_loop3A_255, %parallel_loop3A_333 : vector<16xi32>
        %parallel_loop3A_335 = tpu.vector_load_idx %arg4[%parallel_loop3A_220, %parallel_loop3A_331] masked %parallel_loop3A_334 : memref<8x4352xf32, #tpu.memory_space<vmem>>[vector<16xi32>, vector<16xi32>], vector<16xf32>, vector<16xi1>
        %parallel_loop3A_336 = arith.index_cast %parallel_loop3A_200 : i32 to index
        %parallel_loop3A_337 = arith.index_cast %parallel_loop3A_216 : i32 to index
        %parallel_loop3A_338 = arith.constant 96 : index
        %parallel_loop3A_339 = tpu.vector_load %arg6[%parallel_loop3A_336, %parallel_loop3A_337, %parallel_loop3A_338] {strides = array<i32>} : memref<8x8x512xf32, #tpu.memory_space<vmem>>, vector<16xf32>,
        tpu.vector_store %arg6[%parallel_loop3A_336, %parallel_loop3A_337, %parallel_loop3A_338], %parallel_loop3A_335 {strides = array<i32>} : memref<8x8x512xf32, #tpu.memory_space<vmem>>, vector<16xf32>,
        %parallel_loop3A_340 = arith.constant 112 : i32
        %parallel_loop3A_341 = arith.addi %parallel_loop3A_253, %parallel_loop3A_340 : i32
        %parallel_loop3A_342 = vector.broadcast %parallel_loop3A_341 : i32 to vector<16xi32>
        %parallel_loop3A_343 = arith.addi %iota3A, %parallel_loop3A_342 : vector<16xi32>
        %parallel_loop3A_344 = arith.constant -112 : i32
        %parallel_loop3A_345 = vector.broadcast %parallel_loop3A_344 : i32 to vector<16xi32>
        %parallel_loop3A_346 = arith.cmpi sge, %parallel_loop3A_255, %parallel_loop3A_345 : vector<16xi32>
        %parallel_loop3A_347 = tpu.vector_load_idx %arg4[%parallel_loop3A_220, %parallel_loop3A_343] masked %parallel_loop3A_346 : memref<8x4352xf32, #tpu.memory_space<vmem>>[vector<16xi32>, vector<16xi32>], vector<16xf32>, vector<16xi1>
        %parallel_loop3A_348 = arith.index_cast %parallel_loop3A_200 : i32 to index
        %parallel_loop3A_349 = arith.index_cast %parallel_loop3A_216 : i32 to index
        %parallel_loop3A_350 = arith.constant 112 : index
        %parallel_loop3A_351 = tpu.vector_load %arg6[%parallel_loop3A_348, %parallel_loop3A_349, %parallel_loop3A_350] {strides = array<i32>} : memref<8x8x512xf32, #tpu.memory_space<vmem>>, vector<16xf32>,
        tpu.vector_store %arg6[%parallel_loop3A_348, %parallel_loop3A_349, %parallel_loop3A_350], %parallel_loop3A_347 {strides = array<i32>} : memref<8x8x512xf32, #tpu.memory_space<vmem>>, vector<16xf32>,
        %parallel_loop3A_352 = arith.constant 128 : i32
        %parallel_loop3A_353 = arith.addi %parallel_loop3A_253, %parallel_loop3A_352 : i32
        %parallel_loop3A_354 = vector.broadcast %parallel_loop3A_353 : i32 to vector<16xi32>
        %parallel_loop3A_355 = arith.addi %iota3A, %parallel_loop3A_354 : vector<16xi32>
        %parallel_loop3A_356 = arith.constant -128 : i32
        %parallel_loop3A_357 = vector.broadcast %parallel_loop3A_356 : i32 to vector<16xi32>
        %parallel_loop3A_358 = arith.cmpi sge, %parallel_loop3A_255, %parallel_loop3A_357 : vector<16xi32>
        %parallel_loop3A_359 = tpu.vector_load_idx %arg4[%parallel_loop3A_220, %parallel_loop3A_355] masked %parallel_loop3A_358 : memref<8x4352xf32, #tpu.memory_space<vmem>>[vector<16xi32>, vector<16xi32>], vector<16xf32>, vector<16xi1>
        %parallel_loop3A_360 = arith.index_cast %parallel_loop3A_200 : i32 to index
        %parallel_loop3A_361 = arith.index_cast %parallel_loop3A_216 : i32 to index
        %parallel_loop3A_362 = arith.constant 128 : index
        %parallel_loop3A_363 = tpu.vector_load %arg6[%parallel_loop3A_360, %parallel_loop3A_361, %parallel_loop3A_362] {strides = array<i32>} : memref<8x8x512xf32, #tpu.memory_space<vmem>>, vector<16xf32>,
        tpu.vector_store %arg6[%parallel_loop3A_360, %parallel_loop3A_361, %parallel_loop3A_362], %parallel_loop3A_359 {strides = array<i32>} : memref<8x8x512xf32, #tpu.memory_space<vmem>>, vector<16xf32>,
        %parallel_loop3A_364 = arith.constant 144 : i32
        %parallel_loop3A_365 = arith.addi %parallel_loop3A_253, %parallel_loop3A_364 : i32
        %parallel_loop3A_366 = vector.broadcast %parallel_loop3A_365 : i32 to vector<16xi32>
        %parallel_loop3A_367 = arith.addi %iota3A, %parallel_loop3A_366 : vector<16xi32>
        %parallel_loop3A_368 = arith.constant -144 : i32
        %parallel_loop3A_369 = vector.broadcast %parallel_loop3A_368 : i32 to vector<16xi32>
        %parallel_loop3A_370 = arith.cmpi sge, %parallel_loop3A_255, %parallel_loop3A_369 : vector<16xi32>
        %parallel_loop3A_371 = tpu.vector_load_idx %arg4[%parallel_loop3A_220, %parallel_loop3A_367] masked %parallel_loop3A_370 : memref<8x4352xf32, #tpu.memory_space<vmem>>[vector<16xi32>, vector<16xi32>], vector<16xf32>, vector<16xi1>
        %parallel_loop3A_372 = arith.index_cast %parallel_loop3A_200 : i32 to index
        %parallel_loop3A_373 = arith.index_cast %parallel_loop3A_216 : i32 to index
        %parallel_loop3A_374 = arith.constant 144 : index
        %parallel_loop3A_375 = tpu.vector_load %arg6[%parallel_loop3A_372, %parallel_loop3A_373, %parallel_loop3A_374] {strides = array<i32>} : memref<8x8x512xf32, #tpu.memory_space<vmem>>, vector<16xf32>,
        tpu.vector_store %arg6[%parallel_loop3A_372, %parallel_loop3A_373, %parallel_loop3A_374], %parallel_loop3A_371 {strides = array<i32>} : memref<8x8x512xf32, #tpu.memory_space<vmem>>, vector<16xf32>,
        %parallel_loop3A_376 = arith.constant 160 : i32
        %parallel_loop3A_377 = arith.addi %parallel_loop3A_253, %parallel_loop3A_376 : i32
        %parallel_loop3A_378 = vector.broadcast %parallel_loop3A_377 : i32 to vector<16xi32>
        %parallel_loop3A_379 = arith.addi %iota3A, %parallel_loop3A_378 : vector<16xi32>
        %parallel_loop3A_380 = arith.constant -160 : i32
        %parallel_loop3A_381 = vector.broadcast %parallel_loop3A_380 : i32 to vector<16xi32>
        %parallel_loop3A_382 = arith.cmpi sge, %parallel_loop3A_255, %parallel_loop3A_381 : vector<16xi32>
        %parallel_loop3A_383 = tpu.vector_load_idx %arg4[%parallel_loop3A_220, %parallel_loop3A_379] masked %parallel_loop3A_382 : memref<8x4352xf32, #tpu.memory_space<vmem>>[vector<16xi32>, vector<16xi32>], vector<16xf32>, vector<16xi1>
        %parallel_loop3A_384 = arith.index_cast %parallel_loop3A_200 : i32 to index
        %parallel_loop3A_385 = arith.index_cast %parallel_loop3A_216 : i32 to index
        %parallel_loop3A_386 = arith.constant 160 : index
        %parallel_loop3A_387 = tpu.vector_load %arg6[%parallel_loop3A_384, %parallel_loop3A_385, %parallel_loop3A_386] {strides = array<i32>} : memref<8x8x512xf32, #tpu.memory_space<vmem>>, vector<16xf32>,
        tpu.vector_store %arg6[%parallel_loop3A_384, %parallel_loop3A_385, %parallel_loop3A_386], %parallel_loop3A_383 {strides = array<i32>} : memref<8x8x512xf32, #tpu.memory_space<vmem>>, vector<16xf32>,
        %parallel_loop3A_388 = arith.constant 176 : i32
        %parallel_loop3A_389 = arith.addi %parallel_loop3A_253, %parallel_loop3A_388 : i32
        %parallel_loop3A_390 = vector.broadcast %parallel_loop3A_389 : i32 to vector<16xi32>
        %parallel_loop3A_391 = arith.addi %iota3A, %parallel_loop3A_390 : vector<16xi32>
        %parallel_loop3A_392 = arith.constant -176 : i32
        %parallel_loop3A_393 = vector.broadcast %parallel_loop3A_392 : i32 to vector<16xi32>
        %parallel_loop3A_394 = arith.cmpi sge, %parallel_loop3A_255, %parallel_loop3A_393 : vector<16xi32>
        %parallel_loop3A_395 = tpu.vector_load_idx %arg4[%parallel_loop3A_220, %parallel_loop3A_391] masked %parallel_loop3A_394 : memref<8x4352xf32, #tpu.memory_space<vmem>>[vector<16xi32>, vector<16xi32>], vector<16xf32>, vector<16xi1>
        %parallel_loop3A_396 = arith.index_cast %parallel_loop3A_200 : i32 to index
        %parallel_loop3A_397 = arith.index_cast %parallel_loop3A_216 : i32 to index
        %parallel_loop3A_398 = arith.constant 176 : index
        %parallel_loop3A_399 = tpu.vector_load %arg6[%parallel_loop3A_396, %parallel_loop3A_397, %parallel_loop3A_398] {strides = array<i32>} : memref<8x8x512xf32, #tpu.memory_space<vmem>>, vector<16xf32>,
        tpu.vector_store %arg6[%parallel_loop3A_396, %parallel_loop3A_397, %parallel_loop3A_398], %parallel_loop3A_395 {strides = array<i32>} : memref<8x8x512xf32, #tpu.memory_space<vmem>>, vector<16xf32>,
        %parallel_loop3A_400 = arith.constant 192 : i32
        %parallel_loop3A_401 = arith.addi %parallel_loop3A_253, %parallel_loop3A_400 : i32
        %parallel_loop3A_402 = vector.broadcast %parallel_loop3A_401 : i32 to vector<16xi32>
        %parallel_loop3A_403 = arith.addi %iota3A, %parallel_loop3A_402 : vector<16xi32>
        %parallel_loop3A_404 = arith.constant -192 : i32
        %parallel_loop3A_405 = vector.broadcast %parallel_loop3A_404 : i32 to vector<16xi32>
        %parallel_loop3A_406 = arith.cmpi sge, %parallel_loop3A_255, %parallel_loop3A_405 : vector<16xi32>
        %parallel_loop3A_407 = tpu.vector_load_idx %arg4[%parallel_loop3A_220, %parallel_loop3A_403] masked %parallel_loop3A_406 : memref<8x4352xf32, #tpu.memory_space<vmem>>[vector<16xi32>, vector<16xi32>], vector<16xf32>, vector<16xi1>
        %parallel_loop3A_408 = arith.index_cast %parallel_loop3A_200 : i32 to index
        %parallel_loop3A_409 = arith.index_cast %parallel_loop3A_216 : i32 to index
        %parallel_loop3A_410 = arith.constant 192 : index
        %parallel_loop3A_411 = tpu.vector_load %arg6[%parallel_loop3A_408, %parallel_loop3A_409, %parallel_loop3A_410] {strides = array<i32>} : memref<8x8x512xf32, #tpu.memory_space<vmem>>, vector<16xf32>,
        tpu.vector_store %arg6[%parallel_loop3A_408, %parallel_loop3A_409, %parallel_loop3A_410], %parallel_loop3A_407 {strides = array<i32>} : memref<8x8x512xf32, #tpu.memory_space<vmem>>, vector<16xf32>,
        %parallel_loop3A_412 = arith.constant 208 : i32
        %parallel_loop3A_413 = arith.addi %parallel_loop3A_253, %parallel_loop3A_412 : i32
        %parallel_loop3A_414 = vector.broadcast %parallel_loop3A_413 : i32 to vector<16xi32>
        %parallel_loop3A_415 = arith.addi %iota3A, %parallel_loop3A_414 : vector<16xi32>
        %parallel_loop3A_416 = arith.constant -208 : i32
        %parallel_loop3A_417 = vector.broadcast %parallel_loop3A_416 : i32 to vector<16xi32>
        %parallel_loop3A_418 = arith.cmpi sge, %parallel_loop3A_255, %parallel_loop3A_417 : vector<16xi32>
        %parallel_loop3A_419 = tpu.vector_load_idx %arg4[%parallel_loop3A_220, %parallel_loop3A_415] masked %parallel_loop3A_418 : memref<8x4352xf32, #tpu.memory_space<vmem>>[vector<16xi32>, vector<16xi32>], vector<16xf32>, vector<16xi1>
        %parallel_loop3A_420 = arith.index_cast %parallel_loop3A_200 : i32 to index
        %parallel_loop3A_421 = arith.index_cast %parallel_loop3A_216 : i32 to index
        %parallel_loop3A_422 = arith.constant 208 : index
        %parallel_loop3A_423 = tpu.vector_load %arg6[%parallel_loop3A_420, %parallel_loop3A_421, %parallel_loop3A_422] {strides = array<i32>} : memref<8x8x512xf32, #tpu.memory_space<vmem>>, vector<16xf32>,
        tpu.vector_store %arg6[%parallel_loop3A_420, %parallel_loop3A_421, %parallel_loop3A_422], %parallel_loop3A_419 {strides = array<i32>} : memref<8x8x512xf32, #tpu.memory_space<vmem>>, vector<16xf32>,
        %parallel_loop3A_424 = arith.constant 224 : i32
        %parallel_loop3A_425 = arith.addi %parallel_loop3A_253, %parallel_loop3A_424 : i32
        %parallel_loop3A_426 = vector.broadcast %parallel_loop3A_425 : i32 to vector<16xi32>
        %parallel_loop3A_427 = arith.addi %iota3A, %parallel_loop3A_426 : vector<16xi32>
        %parallel_loop3A_428 = arith.constant -224 : i32
        %parallel_loop3A_429 = vector.broadcast %parallel_loop3A_428 : i32 to vector<16xi32>
        %parallel_loop3A_430 = arith.cmpi sge, %parallel_loop3A_255, %parallel_loop3A_429 : vector<16xi32>
        %parallel_loop3A_431 = tpu.vector_load_idx %arg4[%parallel_loop3A_220, %parallel_loop3A_427] masked %parallel_loop3A_430 : memref<8x4352xf32, #tpu.memory_space<vmem>>[vector<16xi32>, vector<16xi32>], vector<16xf32>, vector<16xi1>
        %parallel_loop3A_432 = arith.index_cast %parallel_loop3A_200 : i32 to index
        %parallel_loop3A_433 = arith.index_cast %parallel_loop3A_216 : i32 to index
        %parallel_loop3A_434 = arith.constant 224 : index
        %parallel_loop3A_435 = tpu.vector_load %arg6[%parallel_loop3A_432, %parallel_loop3A_433, %parallel_loop3A_434] {strides = array<i32>} : memref<8x8x512xf32, #tpu.memory_space<vmem>>, vector<16xf32>,
        tpu.vector_store %arg6[%parallel_loop3A_432, %parallel_loop3A_433, %parallel_loop3A_434], %parallel_loop3A_431 {strides = array<i32>} : memref<8x8x512xf32, #tpu.memory_space<vmem>>, vector<16xf32>,
        %parallel_loop3A_436 = arith.constant 240 : i32
        %parallel_loop3A_437 = arith.addi %parallel_loop3A_253, %parallel_loop3A_436 : i32
        %parallel_loop3A_438 = vector.broadcast %parallel_loop3A_437 : i32 to vector<16xi32>
        %parallel_loop3A_439 = arith.addi %iota3A, %parallel_loop3A_438 : vector<16xi32>
        %parallel_loop3A_440 = arith.constant -240 : i32
        %parallel_loop3A_441 = vector.broadcast %parallel_loop3A_440 : i32 to vector<16xi32>
        %parallel_loop3A_442 = arith.cmpi sge, %parallel_loop3A_255, %parallel_loop3A_441 : vector<16xi32>
        %parallel_loop3A_443 = tpu.vector_load_idx %arg4[%parallel_loop3A_220, %parallel_loop3A_439] masked %parallel_loop3A_442 : memref<8x4352xf32, #tpu.memory_space<vmem>>[vector<16xi32>, vector<16xi32>], vector<16xf32>, vector<16xi1>
        %parallel_loop3A_444 = arith.index_cast %parallel_loop3A_200 : i32 to index
        %parallel_loop3A_445 = arith.index_cast %parallel_loop3A_216 : i32 to index
        %parallel_loop3A_446 = arith.constant 240 : index
        %parallel_loop3A_447 = tpu.vector_load %arg6[%parallel_loop3A_444, %parallel_loop3A_445, %parallel_loop3A_446] {strides = array<i32>} : memref<8x8x512xf32, #tpu.memory_space<vmem>>, vector<16xf32>,
        tpu.vector_store %arg6[%parallel_loop3A_444, %parallel_loop3A_445, %parallel_loop3A_446], %parallel_loop3A_443 {strides = array<i32>} : memref<8x8x512xf32, #tpu.memory_space<vmem>>, vector<16xf32>,
        %parallel_loop3A_448 = arith.constant 256 : i32
        %parallel_loop3A_449 = arith.addi %parallel_loop3A_253, %parallel_loop3A_448 : i32
        %parallel_loop3A_450 = vector.broadcast %parallel_loop3A_449 : i32 to vector<16xi32>
        %parallel_loop3A_451 = arith.addi %iota3A, %parallel_loop3A_450 : vector<16xi32>
        %parallel_loop3A_452 = arith.constant -256 : i32
        %parallel_loop3A_453 = vector.broadcast %parallel_loop3A_452 : i32 to vector<16xi32>
        %parallel_loop3A_454 = arith.cmpi sge, %parallel_loop3A_255, %parallel_loop3A_453 : vector<16xi32>
        %parallel_loop3A_455 = tpu.vector_load_idx %arg4[%parallel_loop3A_220, %parallel_loop3A_451] masked %parallel_loop3A_454 : memref<8x4352xf32, #tpu.memory_space<vmem>>[vector<16xi32>, vector<16xi32>], vector<16xf32>, vector<16xi1>
        %parallel_loop3A_456 = arith.index_cast %parallel_loop3A_200 : i32 to index
        %parallel_loop3A_457 = arith.index_cast %parallel_loop3A_216 : i32 to index
        %parallel_loop3A_458 = arith.constant 256 : index
        %parallel_loop3A_459 = tpu.vector_load %arg6[%parallel_loop3A_456, %parallel_loop3A_457, %parallel_loop3A_458] {strides = array<i32>} : memref<8x8x512xf32, #tpu.memory_space<vmem>>, vector<16xf32>,
        tpu.vector_store %arg6[%parallel_loop3A_456, %parallel_loop3A_457, %parallel_loop3A_458], %parallel_loop3A_455 {strides = array<i32>} : memref<8x8x512xf32, #tpu.memory_space<vmem>>, vector<16xf32>,
        %parallel_loop3A_460 = arith.constant 272 : i32
        %parallel_loop3A_461 = arith.addi %parallel_loop3A_253, %parallel_loop3A_460 : i32
        %parallel_loop3A_462 = vector.broadcast %parallel_loop3A_461 : i32 to vector<16xi32>
        %parallel_loop3A_463 = arith.addi %iota3A, %parallel_loop3A_462 : vector<16xi32>
        %parallel_loop3A_464 = arith.constant -272 : i32
        %parallel_loop3A_465 = vector.broadcast %parallel_loop3A_464 : i32 to vector<16xi32>
        %parallel_loop3A_466 = arith.cmpi sge, %parallel_loop3A_255, %parallel_loop3A_465 : vector<16xi32>
        %parallel_loop3A_467 = tpu.vector_load_idx %arg4[%parallel_loop3A_220, %parallel_loop3A_463] masked %parallel_loop3A_466 : memref<8x4352xf32, #tpu.memory_space<vmem>>[vector<16xi32>, vector<16xi32>], vector<16xf32>, vector<16xi1>
        %parallel_loop3A_468 = arith.index_cast %parallel_loop3A_200 : i32 to index
        %parallel_loop3A_469 = arith.index_cast %parallel_loop3A_216 : i32 to index
        %parallel_loop3A_470 = arith.constant 272 : index
        %parallel_loop3A_471 = tpu.vector_load %arg6[%parallel_loop3A_468, %parallel_loop3A_469, %parallel_loop3A_470] {strides = array<i32>} : memref<8x8x512xf32, #tpu.memory_space<vmem>>, vector<16xf32>,
        tpu.vector_store %arg6[%parallel_loop3A_468, %parallel_loop3A_469, %parallel_loop3A_470], %parallel_loop3A_467 {strides = array<i32>} : memref<8x8x512xf32, #tpu.memory_space<vmem>>, vector<16xf32>,
        %parallel_loop3A_472 = arith.constant 288 : i32
        %parallel_loop3A_473 = arith.addi %parallel_loop3A_253, %parallel_loop3A_472 : i32
        %parallel_loop3A_474 = vector.broadcast %parallel_loop3A_473 : i32 to vector<16xi32>
        %parallel_loop3A_475 = arith.addi %iota3A, %parallel_loop3A_474 : vector<16xi32>
        %parallel_loop3A_476 = arith.constant -288 : i32
        %parallel_loop3A_477 = vector.broadcast %parallel_loop3A_476 : i32 to vector<16xi32>
        %parallel_loop3A_478 = arith.cmpi sge, %parallel_loop3A_255, %parallel_loop3A_477 : vector<16xi32>
        %parallel_loop3A_479 = tpu.vector_load_idx %arg4[%parallel_loop3A_220, %parallel_loop3A_475] masked %parallel_loop3A_478 : memref<8x4352xf32, #tpu.memory_space<vmem>>[vector<16xi32>, vector<16xi32>], vector<16xf32>, vector<16xi1>
        %parallel_loop3A_480 = arith.index_cast %parallel_loop3A_200 : i32 to index
        %parallel_loop3A_481 = arith.index_cast %parallel_loop3A_216 : i32 to index
        %parallel_loop3A_482 = arith.constant 288 : index
        %parallel_loop3A_483 = tpu.vector_load %arg6[%parallel_loop3A_480, %parallel_loop3A_481, %parallel_loop3A_482] {strides = array<i32>} : memref<8x8x512xf32, #tpu.memory_space<vmem>>, vector<16xf32>,
        tpu.vector_store %arg6[%parallel_loop3A_480, %parallel_loop3A_481, %parallel_loop3A_482], %parallel_loop3A_479 {strides = array<i32>} : memref<8x8x512xf32, #tpu.memory_space<vmem>>, vector<16xf32>,
        %parallel_loop3A_484 = arith.constant 304 : i32
        %parallel_loop3A_485 = arith.addi %parallel_loop3A_253, %parallel_loop3A_484 : i32
        %parallel_loop3A_486 = vector.broadcast %parallel_loop3A_485 : i32 to vector<16xi32>
        %parallel_loop3A_487 = arith.addi %iota3A, %parallel_loop3A_486 : vector<16xi32>
        %parallel_loop3A_488 = arith.constant -304 : i32
        %parallel_loop3A_489 = vector.broadcast %parallel_loop3A_488 : i32 to vector<16xi32>
        %parallel_loop3A_490 = arith.cmpi sge, %parallel_loop3A_255, %parallel_loop3A_489 : vector<16xi32>
        %parallel_loop3A_491 = tpu.vector_load_idx %arg4[%parallel_loop3A_220, %parallel_loop3A_487] masked %parallel_loop3A_490 : memref<8x4352xf32, #tpu.memory_space<vmem>>[vector<16xi32>, vector<16xi32>], vector<16xf32>, vector<16xi1>
        %parallel_loop3A_492 = arith.index_cast %parallel_loop3A_200 : i32 to index
        %parallel_loop3A_493 = arith.index_cast %parallel_loop3A_216 : i32 to index
        %parallel_loop3A_494 = arith.constant 304 : index
        %parallel_loop3A_495 = tpu.vector_load %arg6[%parallel_loop3A_492, %parallel_loop3A_493, %parallel_loop3A_494] {strides = array<i32>} : memref<8x8x512xf32, #tpu.memory_space<vmem>>, vector<16xf32>,
        tpu.vector_store %arg6[%parallel_loop3A_492, %parallel_loop3A_493, %parallel_loop3A_494], %parallel_loop3A_491 {strides = array<i32>} : memref<8x8x512xf32, #tpu.memory_space<vmem>>, vector<16xf32>,
        %parallel_loop3A_496 = arith.constant 320 : i32
        %parallel_loop3A_497 = arith.addi %parallel_loop3A_253, %parallel_loop3A_496 : i32
        %parallel_loop3A_498 = vector.broadcast %parallel_loop3A_497 : i32 to vector<16xi32>
        %parallel_loop3A_499 = arith.addi %iota3A, %parallel_loop3A_498 : vector<16xi32>
        %parallel_loop3A_500 = arith.constant -320 : i32
        %parallel_loop3A_501 = vector.broadcast %parallel_loop3A_500 : i32 to vector<16xi32>
        %parallel_loop3A_502 = arith.cmpi sge, %parallel_loop3A_255, %parallel_loop3A_501 : vector<16xi32>
        %parallel_loop3A_503 = tpu.vector_load_idx %arg4[%parallel_loop3A_220, %parallel_loop3A_499] masked %parallel_loop3A_502 : memref<8x4352xf32, #tpu.memory_space<vmem>>[vector<16xi32>, vector<16xi32>], vector<16xf32>, vector<16xi1>
        %parallel_loop3A_504 = arith.index_cast %parallel_loop3A_200 : i32 to index
        %parallel_loop3A_505 = arith.index_cast %parallel_loop3A_216 : i32 to index
        %parallel_loop3A_506 = arith.constant 320 : index
        %parallel_loop3A_507 = tpu.vector_load %arg6[%parallel_loop3A_504, %parallel_loop3A_505, %parallel_loop3A_506] {strides = array<i32>} : memref<8x8x512xf32, #tpu.memory_space<vmem>>, vector<16xf32>,
        tpu.vector_store %arg6[%parallel_loop3A_504, %parallel_loop3A_505, %parallel_loop3A_506], %parallel_loop3A_503 {strides = array<i32>} : memref<8x8x512xf32, #tpu.memory_space<vmem>>, vector<16xf32>,
        %parallel_loop3A_508 = arith.constant 336 : i32
        %parallel_loop3A_509 = arith.addi %parallel_loop3A_253, %parallel_loop3A_508 : i32
        %parallel_loop3A_510 = vector.broadcast %parallel_loop3A_509 : i32 to vector<16xi32>
        %parallel_loop3A_511 = arith.addi %iota3A, %parallel_loop3A_510 : vector<16xi32>
        %parallel_loop3A_512 = arith.constant -336 : i32
        %parallel_loop3A_513 = vector.broadcast %parallel_loop3A_512 : i32 to vector<16xi32>
        %parallel_loop3A_514 = arith.cmpi sge, %parallel_loop3A_255, %parallel_loop3A_513 : vector<16xi32>
        %parallel_loop3A_515 = tpu.vector_load_idx %arg4[%parallel_loop3A_220, %parallel_loop3A_511] masked %parallel_loop3A_514 : memref<8x4352xf32, #tpu.memory_space<vmem>>[vector<16xi32>, vector<16xi32>], vector<16xf32>, vector<16xi1>
        %parallel_loop3A_516 = arith.index_cast %parallel_loop3A_200 : i32 to index
        %parallel_loop3A_517 = arith.index_cast %parallel_loop3A_216 : i32 to index
        %parallel_loop3A_518 = arith.constant 336 : index
        %parallel_loop3A_519 = tpu.vector_load %arg6[%parallel_loop3A_516, %parallel_loop3A_517, %parallel_loop3A_518] {strides = array<i32>} : memref<8x8x512xf32, #tpu.memory_space<vmem>>, vector<16xf32>,
        tpu.vector_store %arg6[%parallel_loop3A_516, %parallel_loop3A_517, %parallel_loop3A_518], %parallel_loop3A_515 {strides = array<i32>} : memref<8x8x512xf32, #tpu.memory_space<vmem>>, vector<16xf32>,
        %parallel_loop3A_520 = arith.constant 352 : i32
        %parallel_loop3A_521 = arith.addi %parallel_loop3A_253, %parallel_loop3A_520 : i32
        %parallel_loop3A_522 = vector.broadcast %parallel_loop3A_521 : i32 to vector<16xi32>
        %parallel_loop3A_523 = arith.addi %iota3A, %parallel_loop3A_522 : vector<16xi32>
        %parallel_loop3A_524 = arith.constant -352 : i32
        %parallel_loop3A_525 = vector.broadcast %parallel_loop3A_524 : i32 to vector<16xi32>
        %parallel_loop3A_526 = arith.cmpi sge, %parallel_loop3A_255, %parallel_loop3A_525 : vector<16xi32>
        %parallel_loop3A_527 = tpu.vector_load_idx %arg4[%parallel_loop3A_220, %parallel_loop3A_523] masked %parallel_loop3A_526 : memref<8x4352xf32, #tpu.memory_space<vmem>>[vector<16xi32>, vector<16xi32>], vector<16xf32>, vector<16xi1>
        %parallel_loop3A_528 = arith.index_cast %parallel_loop3A_200 : i32 to index
        %parallel_loop3A_529 = arith.index_cast %parallel_loop3A_216 : i32 to index
        %parallel_loop3A_530 = arith.constant 352 : index
        %parallel_loop3A_531 = tpu.vector_load %arg6[%parallel_loop3A_528, %parallel_loop3A_529, %parallel_loop3A_530] {strides = array<i32>} : memref<8x8x512xf32, #tpu.memory_space<vmem>>, vector<16xf32>,
        tpu.vector_store %arg6[%parallel_loop3A_528, %parallel_loop3A_529, %parallel_loop3A_530], %parallel_loop3A_527 {strides = array<i32>} : memref<8x8x512xf32, #tpu.memory_space<vmem>>, vector<16xf32>,
        %parallel_loop3A_532 = arith.constant 368 : i32
        %parallel_loop3A_533 = arith.addi %parallel_loop3A_253, %parallel_loop3A_532 : i32
        %parallel_loop3A_534 = vector.broadcast %parallel_loop3A_533 : i32 to vector<16xi32>
        %parallel_loop3A_535 = arith.addi %iota3A, %parallel_loop3A_534 : vector<16xi32>
        %parallel_loop3A_536 = arith.constant -368 : i32
        %parallel_loop3A_537 = vector.broadcast %parallel_loop3A_536 : i32 to vector<16xi32>
        %parallel_loop3A_538 = arith.cmpi sge, %parallel_loop3A_255, %parallel_loop3A_537 : vector<16xi32>
        %parallel_loop3A_539 = tpu.vector_load_idx %arg4[%parallel_loop3A_220, %parallel_loop3A_535] masked %parallel_loop3A_538 : memref<8x4352xf32, #tpu.memory_space<vmem>>[vector<16xi32>, vector<16xi32>], vector<16xf32>, vector<16xi1>
        %parallel_loop3A_540 = arith.index_cast %parallel_loop3A_200 : i32 to index
        %parallel_loop3A_541 = arith.index_cast %parallel_loop3A_216 : i32 to index
        %parallel_loop3A_542 = arith.constant 368 : index
        %parallel_loop3A_543 = tpu.vector_load %arg6[%parallel_loop3A_540, %parallel_loop3A_541, %parallel_loop3A_542] {strides = array<i32>} : memref<8x8x512xf32, #tpu.memory_space<vmem>>, vector<16xf32>,
        tpu.vector_store %arg6[%parallel_loop3A_540, %parallel_loop3A_541, %parallel_loop3A_542], %parallel_loop3A_539 {strides = array<i32>} : memref<8x8x512xf32, #tpu.memory_space<vmem>>, vector<16xf32>,
        %parallel_loop3A_544 = arith.constant 384 : i32
        %parallel_loop3A_545 = arith.addi %parallel_loop3A_253, %parallel_loop3A_544 : i32
        %parallel_loop3A_546 = vector.broadcast %parallel_loop3A_545 : i32 to vector<16xi32>
        %parallel_loop3A_547 = arith.addi %iota3A, %parallel_loop3A_546 : vector<16xi32>
        %parallel_loop3A_548 = arith.constant -384 : i32
        %parallel_loop3A_549 = vector.broadcast %parallel_loop3A_548 : i32 to vector<16xi32>
        %parallel_loop3A_550 = arith.cmpi sge, %parallel_loop3A_255, %parallel_loop3A_549 : vector<16xi32>
        %parallel_loop3A_551 = tpu.vector_load_idx %arg4[%parallel_loop3A_220, %parallel_loop3A_547] masked %parallel_loop3A_550 : memref<8x4352xf32, #tpu.memory_space<vmem>>[vector<16xi32>, vector<16xi32>], vector<16xf32>, vector<16xi1>
        %parallel_loop3A_552 = arith.index_cast %parallel_loop3A_200 : i32 to index
        %parallel_loop3A_553 = arith.index_cast %parallel_loop3A_216 : i32 to index
        %parallel_loop3A_554 = arith.constant 384 : index
        %parallel_loop3A_555 = tpu.vector_load %arg6[%parallel_loop3A_552, %parallel_loop3A_553, %parallel_loop3A_554] {strides = array<i32>} : memref<8x8x512xf32, #tpu.memory_space<vmem>>, vector<16xf32>,
        tpu.vector_store %arg6[%parallel_loop3A_552, %parallel_loop3A_553, %parallel_loop3A_554], %parallel_loop3A_551 {strides = array<i32>} : memref<8x8x512xf32, #tpu.memory_space<vmem>>, vector<16xf32>,
        %parallel_loop3A_556 = arith.constant 400 : i32
        %parallel_loop3A_557 = arith.addi %parallel_loop3A_253, %parallel_loop3A_556 : i32
        %parallel_loop3A_558 = vector.broadcast %parallel_loop3A_557 : i32 to vector<16xi32>
        %parallel_loop3A_559 = arith.addi %iota3A, %parallel_loop3A_558 : vector<16xi32>
        %parallel_loop3A_560 = arith.constant -400 : i32
        %parallel_loop3A_561 = vector.broadcast %parallel_loop3A_560 : i32 to vector<16xi32>
        %parallel_loop3A_562 = arith.cmpi sge, %parallel_loop3A_255, %parallel_loop3A_561 : vector<16xi32>
        %parallel_loop3A_563 = tpu.vector_load_idx %arg4[%parallel_loop3A_220, %parallel_loop3A_559] masked %parallel_loop3A_562 : memref<8x4352xf32, #tpu.memory_space<vmem>>[vector<16xi32>, vector<16xi32>], vector<16xf32>, vector<16xi1>
        %parallel_loop3A_564 = arith.index_cast %parallel_loop3A_200 : i32 to index
        %parallel_loop3A_565 = arith.index_cast %parallel_loop3A_216 : i32 to index
        %parallel_loop3A_566 = arith.constant 400 : index
        %parallel_loop3A_567 = tpu.vector_load %arg6[%parallel_loop3A_564, %parallel_loop3A_565, %parallel_loop3A_566] {strides = array<i32>} : memref<8x8x512xf32, #tpu.memory_space<vmem>>, vector<16xf32>,
        tpu.vector_store %arg6[%parallel_loop3A_564, %parallel_loop3A_565, %parallel_loop3A_566], %parallel_loop3A_563 {strides = array<i32>} : memref<8x8x512xf32, #tpu.memory_space<vmem>>, vector<16xf32>,
        %parallel_loop3A_568 = arith.constant 416 : i32
        %parallel_loop3A_569 = arith.addi %parallel_loop3A_253, %parallel_loop3A_568 : i32
        %parallel_loop3A_570 = vector.broadcast %parallel_loop3A_569 : i32 to vector<16xi32>
        %parallel_loop3A_571 = arith.addi %iota3A, %parallel_loop3A_570 : vector<16xi32>
        %parallel_loop3A_572 = arith.constant -416 : i32
        %parallel_loop3A_573 = vector.broadcast %parallel_loop3A_572 : i32 to vector<16xi32>
        %parallel_loop3A_574 = arith.cmpi sge, %parallel_loop3A_255, %parallel_loop3A_573 : vector<16xi32>
        %parallel_loop3A_575 = tpu.vector_load_idx %arg4[%parallel_loop3A_220, %parallel_loop3A_571] masked %parallel_loop3A_574 : memref<8x4352xf32, #tpu.memory_space<vmem>>[vector<16xi32>, vector<16xi32>], vector<16xf32>, vector<16xi1>
        %parallel_loop3A_576 = arith.index_cast %parallel_loop3A_200 : i32 to index
        %parallel_loop3A_577 = arith.index_cast %parallel_loop3A_216 : i32 to index
        %parallel_loop3A_578 = arith.constant 416 : index
        %parallel_loop3A_579 = tpu.vector_load %arg6[%parallel_loop3A_576, %parallel_loop3A_577, %parallel_loop3A_578] {strides = array<i32>} : memref<8x8x512xf32, #tpu.memory_space<vmem>>, vector<16xf32>,
        tpu.vector_store %arg6[%parallel_loop3A_576, %parallel_loop3A_577, %parallel_loop3A_578], %parallel_loop3A_575 {strides = array<i32>} : memref<8x8x512xf32, #tpu.memory_space<vmem>>, vector<16xf32>,
        %parallel_loop3A_580 = arith.constant 432 : i32
        %parallel_loop3A_581 = arith.addi %parallel_loop3A_253, %parallel_loop3A_580 : i32
        %parallel_loop3A_582 = vector.broadcast %parallel_loop3A_581 : i32 to vector<16xi32>
        %parallel_loop3A_583 = arith.addi %iota3A, %parallel_loop3A_582 : vector<16xi32>
        %parallel_loop3A_584 = arith.constant -432 : i32
        %parallel_loop3A_585 = vector.broadcast %parallel_loop3A_584 : i32 to vector<16xi32>
        %parallel_loop3A_586 = arith.cmpi sge, %parallel_loop3A_255, %parallel_loop3A_585 : vector<16xi32>
        %parallel_loop3A_587 = tpu.vector_load_idx %arg4[%parallel_loop3A_220, %parallel_loop3A_583] masked %parallel_loop3A_586 : memref<8x4352xf32, #tpu.memory_space<vmem>>[vector<16xi32>, vector<16xi32>], vector<16xf32>, vector<16xi1>
        %parallel_loop3A_588 = arith.index_cast %parallel_loop3A_200 : i32 to index
        %parallel_loop3A_589 = arith.index_cast %parallel_loop3A_216 : i32 to index
        %parallel_loop3A_590 = arith.constant 432 : index
        %parallel_loop3A_591 = tpu.vector_load %arg6[%parallel_loop3A_588, %parallel_loop3A_589, %parallel_loop3A_590] {strides = array<i32>} : memref<8x8x512xf32, #tpu.memory_space<vmem>>, vector<16xf32>,
        tpu.vector_store %arg6[%parallel_loop3A_588, %parallel_loop3A_589, %parallel_loop3A_590], %parallel_loop3A_587 {strides = array<i32>} : memref<8x8x512xf32, #tpu.memory_space<vmem>>, vector<16xf32>,
        %parallel_loop3A_592 = arith.constant 448 : i32
        %parallel_loop3A_593 = arith.addi %parallel_loop3A_253, %parallel_loop3A_592 : i32
        %parallel_loop3A_594 = vector.broadcast %parallel_loop3A_593 : i32 to vector<16xi32>
        %parallel_loop3A_595 = arith.addi %iota3A, %parallel_loop3A_594 : vector<16xi32>
        %parallel_loop3A_596 = arith.constant -448 : i32
        %parallel_loop3A_597 = vector.broadcast %parallel_loop3A_596 : i32 to vector<16xi32>
        %parallel_loop3A_598 = arith.cmpi sge, %parallel_loop3A_255, %parallel_loop3A_597 : vector<16xi32>
        %parallel_loop3A_599 = tpu.vector_load_idx %arg4[%parallel_loop3A_220, %parallel_loop3A_595] masked %parallel_loop3A_598 : memref<8x4352xf32, #tpu.memory_space<vmem>>[vector<16xi32>, vector<16xi32>], vector<16xf32>, vector<16xi1>
        %parallel_loop3A_600 = arith.index_cast %parallel_loop3A_200 : i32 to index
        %parallel_loop3A_601 = arith.index_cast %parallel_loop3A_216 : i32 to index
        %parallel_loop3A_602 = arith.constant 448 : index
        %parallel_loop3A_603 = tpu.vector_load %arg6[%parallel_loop3A_600, %parallel_loop3A_601, %parallel_loop3A_602] {strides = array<i32>} : memref<8x8x512xf32, #tpu.memory_space<vmem>>, vector<16xf32>,
        tpu.vector_store %arg6[%parallel_loop3A_600, %parallel_loop3A_601, %parallel_loop3A_602], %parallel_loop3A_599 {strides = array<i32>} : memref<8x8x512xf32, #tpu.memory_space<vmem>>, vector<16xf32>,
        %parallel_loop3A_604 = arith.constant 464 : i32
        %parallel_loop3A_605 = arith.addi %parallel_loop3A_253, %parallel_loop3A_604 : i32
        %parallel_loop3A_606 = vector.broadcast %parallel_loop3A_605 : i32 to vector<16xi32>
        %parallel_loop3A_607 = arith.addi %iota3A, %parallel_loop3A_606 : vector<16xi32>
        %parallel_loop3A_608 = arith.constant -464 : i32
        %parallel_loop3A_609 = vector.broadcast %parallel_loop3A_608 : i32 to vector<16xi32>
        %parallel_loop3A_610 = arith.cmpi sge, %parallel_loop3A_255, %parallel_loop3A_609 : vector<16xi32>
        %parallel_loop3A_611 = tpu.vector_load_idx %arg4[%parallel_loop3A_220, %parallel_loop3A_607] masked %parallel_loop3A_610 : memref<8x4352xf32, #tpu.memory_space<vmem>>[vector<16xi32>, vector<16xi32>], vector<16xf32>, vector<16xi1>
        %parallel_loop3A_612 = arith.index_cast %parallel_loop3A_200 : i32 to index
        %parallel_loop3A_613 = arith.index_cast %parallel_loop3A_216 : i32 to index
        %parallel_loop3A_614 = arith.constant 464 : index
        %parallel_loop3A_615 = tpu.vector_load %arg6[%parallel_loop3A_612, %parallel_loop3A_613, %parallel_loop3A_614] {strides = array<i32>} : memref<8x8x512xf32, #tpu.memory_space<vmem>>, vector<16xf32>,
        tpu.vector_store %arg6[%parallel_loop3A_612, %parallel_loop3A_613, %parallel_loop3A_614], %parallel_loop3A_611 {strides = array<i32>} : memref<8x8x512xf32, #tpu.memory_space<vmem>>, vector<16xf32>,
        %parallel_loop3A_616 = arith.constant 480 : i32
        %parallel_loop3A_617 = arith.addi %parallel_loop3A_253, %parallel_loop3A_616 : i32
        %parallel_loop3A_618 = vector.broadcast %parallel_loop3A_617 : i32 to vector<16xi32>
        %parallel_loop3A_619 = arith.addi %iota3A, %parallel_loop3A_618 : vector<16xi32>
        %parallel_loop3A_620 = arith.constant -480 : i32
        %parallel_loop3A_621 = vector.broadcast %parallel_loop3A_620 : i32 to vector<16xi32>
        %parallel_loop3A_622 = arith.cmpi sge, %parallel_loop3A_255, %parallel_loop3A_621 : vector<16xi32>
        %parallel_loop3A_623 = tpu.vector_load_idx %arg4[%parallel_loop3A_220, %parallel_loop3A_619] masked %parallel_loop3A_622 : memref<8x4352xf32, #tpu.memory_space<vmem>>[vector<16xi32>, vector<16xi32>], vector<16xf32>, vector<16xi1>
        %parallel_loop3A_624 = arith.index_cast %parallel_loop3A_200 : i32 to index
        %parallel_loop3A_625 = arith.index_cast %parallel_loop3A_216 : i32 to index
        %parallel_loop3A_626 = arith.constant 480 : index
        %parallel_loop3A_627 = tpu.vector_load %arg6[%parallel_loop3A_624, %parallel_loop3A_625, %parallel_loop3A_626] {strides = array<i32>} : memref<8x8x512xf32, #tpu.memory_space<vmem>>, vector<16xf32>,
        tpu.vector_store %arg6[%parallel_loop3A_624, %parallel_loop3A_625, %parallel_loop3A_626], %parallel_loop3A_623 {strides = array<i32>} : memref<8x8x512xf32, #tpu.memory_space<vmem>>, vector<16xf32>,
        %parallel_loop3A_628 = arith.constant 496 : i32
        %parallel_loop3A_629 = arith.addi %parallel_loop3A_253, %parallel_loop3A_628 : i32
        %parallel_loop3A_630 = vector.broadcast %parallel_loop3A_629 : i32 to vector<16xi32>
        %parallel_loop3A_631 = arith.addi %iota3A, %parallel_loop3A_630 : vector<16xi32>
        %parallel_loop3A_632 = arith.constant -496 : i32
        %parallel_loop3A_633 = vector.broadcast %parallel_loop3A_632 : i32 to vector<16xi32>
        %parallel_loop3A_634 = arith.cmpi sge, %parallel_loop3A_255, %parallel_loop3A_633 : vector<16xi32>
        %parallel_loop3A_635 = tpu.vector_load_idx %arg4[%parallel_loop3A_220, %parallel_loop3A_631] masked %parallel_loop3A_634 : memref<8x4352xf32, #tpu.memory_space<vmem>>[vector<16xi32>, vector<16xi32>], vector<16xf32>, vector<16xi1>
        %parallel_loop3A_636 = arith.index_cast %parallel_loop3A_200 : i32 to index
        %parallel_loop3A_637 = arith.index_cast %parallel_loop3A_216 : i32 to index
        %parallel_loop3A_638 = arith.constant 496 : index
        %parallel_loop3A_639 = tpu.vector_load %arg6[%parallel_loop3A_636, %parallel_loop3A_637, %parallel_loop3A_638] {strides = array<i32>} : memref<8x8x512xf32, #tpu.memory_space<vmem>>, vector<16xf32>,
        tpu.vector_store %arg6[%parallel_loop3A_636, %parallel_loop3A_637, %parallel_loop3A_638], %parallel_loop3A_635 {strides = array<i32>} : memref<8x8x512xf32, #tpu.memory_space<vmem>>, vector<16xf32>,
      } {sc.loop_unroll_factor = 4 : i64, sc.parallel_access}
      %multiple_of3A_152 = tpu.assume_multiple %mul3A_3, 8 : i32
      %dma_start3A_153 = arith.constant 0 : i32
      %dma_start3A_154 = tpu.memref_slice %arg3[%multiple_of3A_142, %multiple_of3A_152, %dma_start3A_153] : memref<128x512x512xf32, #tpu.memory_space<hbm>> -> memref<8x8x512xf32, #tpu.memory_space<hbm>>
      %dma_start3A_155 = arith.constant 0 : i32
      %dma_start3A_156 = tpu.memref_slice %arg3[%multiple_of3A_142, %multiple_of3A_152, %dma_start3A_155] : memref<128x512x512xf32, #tpu.memory_space<hbm>> -> memref<8x8x512xf32, #tpu.memory_space<hbm>>
      tpu.enqueue_dma source(%arg6 : memref<8x8x512xf32, #tpu.memory_space<vmem>>) target(%dma_start3A_156 : memref<8x8x512xf32, #tpu.memory_space<hbm>>) target_semaphore(%arg10 : memref<!tpu.dma_semaphore, #tpu.memory_space<semaphore_mem>>)
      %dma_wait3A_157 = tpu.memref_slice %arg2[%multiple_of3A_142, %multiple_of3A_115] : memref<128x131328xf32, #tpu.memory_space<hbm>> -> memref<8x2176xf32, #tpu.memory_space<hbm>>
      %dma_wait3A_158 = tpu.memref_slice %arg2[%multiple_of3A_142, %multiple_of3A_115] : memref<128x131328xf32, #tpu.memory_space<hbm>> -> memref<8x2176xf32, #tpu.memory_space<hbm>>
      tpu.wait_dma2 semaphore(%arg9 : memref<!tpu.dma_semaphore, #tpu.memory_space<semaphore_mem>>) src(%dma_wait3A_158 : memref<8x2176xf32, #tpu.memory_space<hbm>>) dst(%arg5 : memref<8x2176xf32, #tpu.memory_space<vmem>>)
      %lt3A = arith.constant 15 : i32
      %lt3A_159 = arith.cmpi slt, %scan3A_139, %lt3A : i32
      %convert_element_type3A_160 = arith.extui %lt3A_159 : i1 to i32
      %cond3A_161 = arith.constant 0 : i32
      %cond3A_162 = arith.cmpi ne, %convert_element_type3A_160, %cond3A_161 : i32
      scf.if %cond3A_162 {
        %add3A_176 = arith.constant 8 : i32
        %add3A_177 = arith.addi %multiple_of3A_142, %add3A_176 : i32
        %dma_start3A_178 = tpu.memref_slice %arg2[%add3A_177, %multiple_of3A] : memref<128x131328xf32, #tpu.memory_space<hbm>> -> memref<8x4352xf32, #tpu.memory_space<hbm>>
        %dma_start3A_179 = tpu.memref_slice %arg2[%add3A_177, %multiple_of3A] : memref<128x131328xf32, #tpu.memory_space<hbm>> -> memref<8x4352xf32, #tpu.memory_space<hbm>>
        tpu.enqueue_dma source(%dma_start3A_179 : memref<8x4352xf32, #tpu.memory_space<hbm>>) target(%arg4 : memref<8x4352xf32, #tpu.memory_space<vmem>>) target_semaphore(%arg8 : memref<!tpu.dma_semaphore, #tpu.memory_space<semaphore_mem>>)
      } else {
      }
      %gt3A_163 = arith.constant 0 : i32
      %gt3A_164 = arith.cmpi sgt, %scan3A_139, %gt3A_163 : i32
      %convert_element_type3A_165 = arith.extui %gt3A_164 : i1 to i32
      %cond3A_166 = arith.constant 0 : i32
      %cond3A_167 = arith.cmpi ne, %convert_element_type3A_165, %cond3A_166 : i32
      scf.if %cond3A_167 {
        %multiple_of3A_176 = tpu.assume_multiple %mul3A_56, 8 : i32
        %dma_wait3A_177 = arith.constant 0 : i32
        %dma_wait3A_178 = tpu.memref_slice %arg3[%multiple_of3A_142, %multiple_of3A_176, %dma_wait3A_177] : memref<128x512x512xf32, #tpu.memory_space<hbm>> -> memref<8x8x512xf32, #tpu.memory_space<hbm>>
        %dma_wait3A_179 = arith.constant 0 : i32
        %dma_wait3A_180 = tpu.memref_slice %arg3[%multiple_of3A_142, %multiple_of3A_176, %dma_wait3A_179] : memref<128x512x512xf32, #tpu.memory_space<hbm>> -> memref<8x8x512xf32, #tpu.memory_space<hbm>>
        tpu.wait_dma2 semaphore(%arg11 : memref<!tpu.dma_semaphore, #tpu.memory_space<semaphore_mem>>) src(%arg7 : memref<8x8x512xf32, #tpu.memory_space<vmem>>) dst(%dma_wait3A_180 : memref<8x8x512xf32, #tpu.memory_space<hbm>>)
      } else {
      }
      %parallel_loop3A_168 = arith.constant 0 : i32
      %parallel_loop3A_169 = arith.constant 64 : i32
      %parallel_loop3A_170 = arith.constant 1 : i32
      scf.for %parallel_loop3A_176 = %parallel_loop3A_168 to %parallel_loop3A_169 step %parallel_loop3A_170  : i32 {
        %parallel_loop3A_177 = arith.constant 8 : i32
        %parallel_loop3A_178 = arith.divsi %parallel_loop3A_176, %parallel_loop3A_177 : i32
        %parallel_loop3A_179 = arith.constant 0 : i32
        %parallel_loop3A_180 = arith.cmpi sgt, %parallel_loop3A_176, %parallel_loop3A_179 : i32
        %parallel_loop3A_181 = arith.extui %parallel_loop3A_180 : i1 to i32
        %parallel_loop3A_182 = arith.constant 0 : i32
        %parallel_loop3A_183 = arith.cmpi slt, %parallel_loop3A_176, %parallel_loop3A_182 : i32
        %parallel_loop3A_184 = arith.extui %parallel_loop3A_183 : i1 to i32
        %parallel_loop3A_185 = arith.subi %parallel_loop3A_181, %parallel_loop3A_184 : i32
        %parallel_loop3A_186 = arith.constant 0 : i32
        %parallel_loop3A_187 = arith.cmpi sgt, %parallel_loop3A_177, %parallel_loop3A_186 : i32
        %parallel_loop3A_188 = arith.extui %parallel_loop3A_187 : i1 to i32
        %parallel_loop3A_189 = arith.constant 0 : i32
        %parallel_loop3A_190 = arith.cmpi slt, %parallel_loop3A_177, %parallel_loop3A_189 : i32
        %parallel_loop3A_191 = arith.extui %parallel_loop3A_190 : i1 to i32
        %parallel_loop3A_192 = arith.subi %parallel_loop3A_188, %parallel_loop3A_191 : i32
        %parallel_loop3A_193 = arith.cmpi ne, %parallel_loop3A_185, %parallel_loop3A_192 : i32
        %parallel_loop3A_194 = arith.remsi %parallel_loop3A_176, %parallel_loop3A_177 : i32
        %parallel_loop3A_195 = arith.constant 0 : i32
        %parallel_loop3A_196 = arith.cmpi ne, %parallel_loop3A_194, %parallel_loop3A_195 : i32
        %parallel_loop3A_197 = arith.andi %parallel_loop3A_193, %parallel_loop3A_196 : i1
        %parallel_loop3A_198 = arith.constant 1 : i32
        %parallel_loop3A_199 = arith.subi %parallel_loop3A_178, %parallel_loop3A_198 : i32
        %parallel_loop3A_200 = arith.select %parallel_loop3A_197, %parallel_loop3A_199, %parallel_loop3A_178 : i32
        %parallel_loop3A_201 = arith.constant 8 : i32
        %parallel_loop3A_202 = arith.constant 0 : i32
        %parallel_loop3A_203 = arith.cmpi eq, %parallel_loop3A_201, %parallel_loop3A_202 : i32
        %parallel_loop3A_204 = arith.constant 1 : i32
        %parallel_loop3A_205 = arith.select %parallel_loop3A_203, %parallel_loop3A_204, %parallel_loop3A_201 : i32
        %parallel_loop3A_206 = arith.remsi %parallel_loop3A_176, %parallel_loop3A_205 : i32
        %parallel_loop3A_207 = arith.constant 0 : i32
        %parallel_loop3A_208 = arith.cmpi ne, %parallel_loop3A_206, %parallel_loop3A_207 : i32
        %parallel_loop3A_209 = arith.constant 0 : i32
        %parallel_loop3A_210 = arith.cmpi slt, %parallel_loop3A_206, %parallel_loop3A_209 : i32
        %parallel_loop3A_211 = arith.constant 0 : i32
        %parallel_loop3A_212 = arith.cmpi slt, %parallel_loop3A_205, %parallel_loop3A_211 : i32
        %parallel_loop3A_213 = arith.xori %parallel_loop3A_210, %parallel_loop3A_212 : i1
        %parallel_loop3A_214 = arith.andi %parallel_loop3A_213, %parallel_loop3A_208 : i1
        %parallel_loop3A_215 = arith.addi %parallel_loop3A_206, %parallel_loop3A_205 : i32
        %parallel_loop3A_216 = arith.select %parallel_loop3A_214, %parallel_loop3A_215, %parallel_loop3A_206 : i32
        %parallel_loop3A_217 = arith.constant 0 : i32
        %parallel_loop3A_218 = vector.broadcast %parallel_loop3A_217 : i32 to vector<16xi32>
        %parallel_loop3A_219 = vector.broadcast %parallel_loop3A_200 : i32 to vector<16xi32>
        %parallel_loop3A_220 = arith.addi %parallel_loop3A_218, %parallel_loop3A_219 : vector<16xi32>
        %parallel_loop3A_221 = arith.addi %mul3A_56, %parallel_loop3A_216 : i32
        %parallel_loop3A_222 = arith.constant 512 : i32
        %parallel_loop3A_223 = arith.muli %parallel_loop3A_222, %parallel_loop3A_221 : i32
        %parallel_loop3A_224 = arith.constant 1 : i32
        %parallel_loop3A_225 = arith.subi %parallel_loop3A_221, %parallel_loop3A_224 : i32
        %parallel_loop3A_226 = arith.muli %parallel_loop3A_221, %parallel_loop3A_225 : i32
        %parallel_loop3A_227 = arith.constant 2 : i32
        %parallel_loop3A_228 = arith.divsi %parallel_loop3A_226, %parallel_loop3A_227 : i32
        %parallel_loop3A_229 = arith.constant 0 : i32
        %parallel_loop3A_230 = arith.cmpi sgt, %parallel_loop3A_226, %parallel_loop3A_229 : i32
        %parallel_loop3A_231 = arith.extui %parallel_loop3A_230 : i1 to i32
        %parallel_loop3A_232 = arith.constant 0 : i32
        %parallel_loop3A_233 = arith.cmpi slt, %parallel_loop3A_226, %parallel_loop3A_232 : i32
        %parallel_loop3A_234 = arith.extui %parallel_loop3A_233 : i1 to i32
        %parallel_loop3A_235 = arith.subi %parallel_loop3A_231, %parallel_loop3A_234 : i32
        %parallel_loop3A_236 = arith.constant 0 : i32
        %parallel_loop3A_237 = arith.cmpi sgt, %parallel_loop3A_227, %parallel_loop3A_236 : i32
        %parallel_loop3A_238 = arith.extui %parallel_loop3A_237 : i1 to i32
        %parallel_loop3A_239 = arith.constant 0 : i32
        %parallel_loop3A_240 = arith.cmpi slt, %parallel_loop3A_227, %parallel_loop3A_239 : i32
        %parallel_loop3A_241 = arith.extui %parallel_loop3A_240 : i1 to i32
        %parallel_loop3A_242 = arith.subi %parallel_loop3A_238, %parallel_loop3A_241 : i32
        %parallel_loop3A_243 = arith.cmpi ne, %parallel_loop3A_235, %parallel_loop3A_242 : i32
        %parallel_loop3A_244 = arith.remsi %parallel_loop3A_226, %parallel_loop3A_227 : i32
        %parallel_loop3A_245 = arith.constant 0 : i32
        %parallel_loop3A_246 = arith.cmpi ne, %parallel_loop3A_244, %parallel_loop3A_245 : i32
        %parallel_loop3A_247 = arith.andi %parallel_loop3A_243, %parallel_loop3A_246 : i1
        %parallel_loop3A_248 = arith.constant 1 : i32
        %parallel_loop3A_249 = arith.subi %parallel_loop3A_228, %parallel_loop3A_248 : i32
        %parallel_loop3A_250 = arith.select %parallel_loop3A_247, %parallel_loop3A_249, %parallel_loop3A_228 : i32
        %parallel_loop3A_251 = arith.subi %parallel_loop3A_223, %parallel_loop3A_250 : i32
        %parallel_loop3A_252 = arith.subi %parallel_loop3A_251, %parallel_loop3A_221 : i32
        %parallel_loop3A_253 = arith.subi %parallel_loop3A_252, %multiple_of3A_115 : i32
        %parallel_loop3A_254 = vector.broadcast %parallel_loop3A_221 : i32 to vector<16xi32>
        %parallel_loop3A_255 = arith.subi %iota3A, %parallel_loop3A_254 : vector<16xi32>
        %parallel_loop3A_256 = arith.constant 256 : i32
        %parallel_loop3A_257 = arith.addi %parallel_loop3A_253, %parallel_loop3A_256 : i32
        %parallel_loop3A_258 = vector.broadcast %parallel_loop3A_257 : i32 to vector<16xi32>
        %parallel_loop3A_259 = arith.addi %iota3A, %parallel_loop3A_258 : vector<16xi32>
        %parallel_loop3A_260 = arith.constant -256 : i32
        %parallel_loop3A_261 = vector.broadcast %parallel_loop3A_260 : i32 to vector<16xi32>
        %parallel_loop3A_262 = arith.cmpi sge, %parallel_loop3A_255, %parallel_loop3A_261 : vector<16xi32>
        %parallel_loop3A_263 = tpu.vector_load_idx %arg5[%parallel_loop3A_220, %parallel_loop3A_259] masked %parallel_loop3A_262 : memref<8x2176xf32, #tpu.memory_space<vmem>>[vector<16xi32>, vector<16xi32>], vector<16xf32>, vector<16xi1>
        %parallel_loop3A_264 = arith.index_cast %parallel_loop3A_200 : i32 to index
        %parallel_loop3A_265 = arith.index_cast %parallel_loop3A_216 : i32 to index
        %parallel_loop3A_266 = arith.constant 256 : index
        %parallel_loop3A_267 = tpu.vector_load %arg7[%parallel_loop3A_264, %parallel_loop3A_265, %parallel_loop3A_266] {strides = array<i32>} : memref<8x8x512xf32, #tpu.memory_space<vmem>>, vector<16xf32>,
        tpu.vector_store %arg7[%parallel_loop3A_264, %parallel_loop3A_265, %parallel_loop3A_266], %parallel_loop3A_263 {strides = array<i32>} : memref<8x8x512xf32, #tpu.memory_space<vmem>>, vector<16xf32>,
        %parallel_loop3A_268 = arith.constant 272 : i32
        %parallel_loop3A_269 = arith.addi %parallel_loop3A_253, %parallel_loop3A_268 : i32
        %parallel_loop3A_270 = vector.broadcast %parallel_loop3A_269 : i32 to vector<16xi32>
        %parallel_loop3A_271 = arith.addi %iota3A, %parallel_loop3A_270 : vector<16xi32>
        %parallel_loop3A_272 = arith.constant -272 : i32
        %parallel_loop3A_273 = vector.broadcast %parallel_loop3A_272 : i32 to vector<16xi32>
        %parallel_loop3A_274 = arith.cmpi sge, %parallel_loop3A_255, %parallel_loop3A_273 : vector<16xi32>
        %parallel_loop3A_275 = tpu.vector_load_idx %arg5[%parallel_loop3A_220, %parallel_loop3A_271] masked %parallel_loop3A_274 : memref<8x2176xf32, #tpu.memory_space<vmem>>[vector<16xi32>, vector<16xi32>], vector<16xf32>, vector<16xi1>
        %parallel_loop3A_276 = arith.index_cast %parallel_loop3A_200 : i32 to index
        %parallel_loop3A_277 = arith.index_cast %parallel_loop3A_216 : i32 to index
        %parallel_loop3A_278 = arith.constant 272 : index
        %parallel_loop3A_279 = tpu.vector_load %arg7[%parallel_loop3A_276, %parallel_loop3A_277, %parallel_loop3A_278] {strides = array<i32>} : memref<8x8x512xf32, #tpu.memory_space<vmem>>, vector<16xf32>,
        tpu.vector_store %arg7[%parallel_loop3A_276, %parallel_loop3A_277, %parallel_loop3A_278], %parallel_loop3A_275 {strides = array<i32>} : memref<8x8x512xf32, #tpu.memory_space<vmem>>, vector<16xf32>,
        %parallel_loop3A_280 = arith.constant 288 : i32
        %parallel_loop3A_281 = arith.addi %parallel_loop3A_253, %parallel_loop3A_280 : i32
        %parallel_loop3A_282 = vector.broadcast %parallel_loop3A_281 : i32 to vector<16xi32>
        %parallel_loop3A_283 = arith.addi %iota3A, %parallel_loop3A_282 : vector<16xi32>
        %parallel_loop3A_284 = arith.constant -288 : i32
        %parallel_loop3A_285 = vector.broadcast %parallel_loop3A_284 : i32 to vector<16xi32>
        %parallel_loop3A_286 = arith.cmpi sge, %parallel_loop3A_255, %parallel_loop3A_285 : vector<16xi32>
        %parallel_loop3A_287 = tpu.vector_load_idx %arg5[%parallel_loop3A_220, %parallel_loop3A_283] masked %parallel_loop3A_286 : memref<8x2176xf32, #tpu.memory_space<vmem>>[vector<16xi32>, vector<16xi32>], vector<16xf32>, vector<16xi1>
        %parallel_loop3A_288 = arith.index_cast %parallel_loop3A_200 : i32 to index
        %parallel_loop3A_289 = arith.index_cast %parallel_loop3A_216 : i32 to index
        %parallel_loop3A_290 = arith.constant 288 : index
        %parallel_loop3A_291 = tpu.vector_load %arg7[%parallel_loop3A_288, %parallel_loop3A_289, %parallel_loop3A_290] {strides = array<i32>} : memref<8x8x512xf32, #tpu.memory_space<vmem>>, vector<16xf32>,
        tpu.vector_store %arg7[%parallel_loop3A_288, %parallel_loop3A_289, %parallel_loop3A_290], %parallel_loop3A_287 {strides = array<i32>} : memref<8x8x512xf32, #tpu.memory_space<vmem>>, vector<16xf32>,
        %parallel_loop3A_292 = arith.constant 304 : i32
        %parallel_loop3A_293 = arith.addi %parallel_loop3A_253, %parallel_loop3A_292 : i32
        %parallel_loop3A_294 = vector.broadcast %parallel_loop3A_293 : i32 to vector<16xi32>
        %parallel_loop3A_295 = arith.addi %iota3A, %parallel_loop3A_294 : vector<16xi32>
        %parallel_loop3A_296 = arith.constant -304 : i32
        %parallel_loop3A_297 = vector.broadcast %parallel_loop3A_296 : i32 to vector<16xi32>
        %parallel_loop3A_298 = arith.cmpi sge, %parallel_loop3A_255, %parallel_loop3A_297 : vector<16xi32>
        %parallel_loop3A_299 = tpu.vector_load_idx %arg5[%parallel_loop3A_220, %parallel_loop3A_295] masked %parallel_loop3A_298 : memref<8x2176xf32, #tpu.memory_space<vmem>>[vector<16xi32>, vector<16xi32>], vector<16xf32>, vector<16xi1>
        %parallel_loop3A_300 = arith.index_cast %parallel_loop3A_200 : i32 to index
        %parallel_loop3A_301 = arith.index_cast %parallel_loop3A_216 : i32 to index
        %parallel_loop3A_302 = arith.constant 304 : index
        %parallel_loop3A_303 = tpu.vector_load %arg7[%parallel_loop3A_300, %parallel_loop3A_301, %parallel_loop3A_302] {strides = array<i32>} : memref<8x8x512xf32, #tpu.memory_space<vmem>>, vector<16xf32>,
        tpu.vector_store %arg7[%parallel_loop3A_300, %parallel_loop3A_301, %parallel_loop3A_302], %parallel_loop3A_299 {strides = array<i32>} : memref<8x8x512xf32, #tpu.memory_space<vmem>>, vector<16xf32>,
        %parallel_loop3A_304 = arith.constant 320 : i32
        %parallel_loop3A_305 = arith.addi %parallel_loop3A_253, %parallel_loop3A_304 : i32
        %parallel_loop3A_306 = vector.broadcast %parallel_loop3A_305 : i32 to vector<16xi32>
        %parallel_loop3A_307 = arith.addi %iota3A, %parallel_loop3A_306 : vector<16xi32>
        %parallel_loop3A_308 = arith.constant -320 : i32
        %parallel_loop3A_309 = vector.broadcast %parallel_loop3A_308 : i32 to vector<16xi32>
        %parallel_loop3A_310 = arith.cmpi sge, %parallel_loop3A_255, %parallel_loop3A_309 : vector<16xi32>
        %parallel_loop3A_311 = tpu.vector_load_idx %arg5[%parallel_loop3A_220, %parallel_loop3A_307] masked %parallel_loop3A_310 : memref<8x2176xf32, #tpu.memory_space<vmem>>[vector<16xi32>, vector<16xi32>], vector<16xf32>, vector<16xi1>
        %parallel_loop3A_312 = arith.index_cast %parallel_loop3A_200 : i32 to index
        %parallel_loop3A_313 = arith.index_cast %parallel_loop3A_216 : i32 to index
        %parallel_loop3A_314 = arith.constant 320 : index
        %parallel_loop3A_315 = tpu.vector_load %arg7[%parallel_loop3A_312, %parallel_loop3A_313, %parallel_loop3A_314] {strides = array<i32>} : memref<8x8x512xf32, #tpu.memory_space<vmem>>, vector<16xf32>,
        tpu.vector_store %arg7[%parallel_loop3A_312, %parallel_loop3A_313, %parallel_loop3A_314], %parallel_loop3A_311 {strides = array<i32>} : memref<8x8x512xf32, #tpu.memory_space<vmem>>, vector<16xf32>,
        %parallel_loop3A_316 = arith.constant 336 : i32
        %parallel_loop3A_317 = arith.addi %parallel_loop3A_253, %parallel_loop3A_316 : i32
        %parallel_loop3A_318 = vector.broadcast %parallel_loop3A_317 : i32 to vector<16xi32>
        %parallel_loop3A_319 = arith.addi %iota3A, %parallel_loop3A_318 : vector<16xi32>
        %parallel_loop3A_320 = arith.constant -336 : i32
        %parallel_loop3A_321 = vector.broadcast %parallel_loop3A_320 : i32 to vector<16xi32>
        %parallel_loop3A_322 = arith.cmpi sge, %parallel_loop3A_255, %parallel_loop3A_321 : vector<16xi32>
        %parallel_loop3A_323 = tpu.vector_load_idx %arg5[%parallel_loop3A_220, %parallel_loop3A_319] masked %parallel_loop3A_322 : memref<8x2176xf32, #tpu.memory_space<vmem>>[vector<16xi32>, vector<16xi32>], vector<16xf32>, vector<16xi1>
        %parallel_loop3A_324 = arith.index_cast %parallel_loop3A_200 : i32 to index
        %parallel_loop3A_325 = arith.index_cast %parallel_loop3A_216 : i32 to index
        %parallel_loop3A_326 = arith.constant 336 : index
        %parallel_loop3A_327 = tpu.vector_load %arg7[%parallel_loop3A_324, %parallel_loop3A_325, %parallel_loop3A_326] {strides = array<i32>} : memref<8x8x512xf32, #tpu.memory_space<vmem>>, vector<16xf32>,
        tpu.vector_store %arg7[%parallel_loop3A_324, %parallel_loop3A_325, %parallel_loop3A_326], %parallel_loop3A_323 {strides = array<i32>} : memref<8x8x512xf32, #tpu.memory_space<vmem>>, vector<16xf32>,
        %parallel_loop3A_328 = arith.constant 352 : i32
        %parallel_loop3A_329 = arith.addi %parallel_loop3A_253, %parallel_loop3A_328 : i32
        %parallel_loop3A_330 = vector.broadcast %parallel_loop3A_329 : i32 to vector<16xi32>
        %parallel_loop3A_331 = arith.addi %iota3A, %parallel_loop3A_330 : vector<16xi32>
        %parallel_loop3A_332 = arith.constant -352 : i32
        %parallel_loop3A_333 = vector.broadcast %parallel_loop3A_332 : i32 to vector<16xi32>
        %parallel_loop3A_334 = arith.cmpi sge, %parallel_loop3A_255, %parallel_loop3A_333 : vector<16xi32>
        %parallel_loop3A_335 = tpu.vector_load_idx %arg5[%parallel_loop3A_220, %parallel_loop3A_331] masked %parallel_loop3A_334 : memref<8x2176xf32, #tpu.memory_space<vmem>>[vector<16xi32>, vector<16xi32>], vector<16xf32>, vector<16xi1>
        %parallel_loop3A_336 = arith.index_cast %parallel_loop3A_200 : i32 to index
        %parallel_loop3A_337 = arith.index_cast %parallel_loop3A_216 : i32 to index
        %parallel_loop3A_338 = arith.constant 352 : index
        %parallel_loop3A_339 = tpu.vector_load %arg7[%parallel_loop3A_336, %parallel_loop3A_337, %parallel_loop3A_338] {strides = array<i32>} : memref<8x8x512xf32, #tpu.memory_space<vmem>>, vector<16xf32>,
        tpu.vector_store %arg7[%parallel_loop3A_336, %parallel_loop3A_337, %parallel_loop3A_338], %parallel_loop3A_335 {strides = array<i32>} : memref<8x8x512xf32, #tpu.memory_space<vmem>>, vector<16xf32>,
        %parallel_loop3A_340 = arith.constant 368 : i32
        %parallel_loop3A_341 = arith.addi %parallel_loop3A_253, %parallel_loop3A_340 : i32
        %parallel_loop3A_342 = vector.broadcast %parallel_loop3A_341 : i32 to vector<16xi32>
        %parallel_loop3A_343 = arith.addi %iota3A, %parallel_loop3A_342 : vector<16xi32>
        %parallel_loop3A_344 = arith.constant -368 : i32
        %parallel_loop3A_345 = vector.broadcast %parallel_loop3A_344 : i32 to vector<16xi32>
        %parallel_loop3A_346 = arith.cmpi sge, %parallel_loop3A_255, %parallel_loop3A_345 : vector<16xi32>
        %parallel_loop3A_347 = tpu.vector_load_idx %arg5[%parallel_loop3A_220, %parallel_loop3A_343] masked %parallel_loop3A_346 : memref<8x2176xf32, #tpu.memory_space<vmem>>[vector<16xi32>, vector<16xi32>], vector<16xf32>, vector<16xi1>
        %parallel_loop3A_348 = arith.index_cast %parallel_loop3A_200 : i32 to index
        %parallel_loop3A_349 = arith.index_cast %parallel_loop3A_216 : i32 to index
        %parallel_loop3A_350 = arith.constant 368 : index
        %parallel_loop3A_351 = tpu.vector_load %arg7[%parallel_loop3A_348, %parallel_loop3A_349, %parallel_loop3A_350] {strides = array<i32>} : memref<8x8x512xf32, #tpu.memory_space<vmem>>, vector<16xf32>,
        tpu.vector_store %arg7[%parallel_loop3A_348, %parallel_loop3A_349, %parallel_loop3A_350], %parallel_loop3A_347 {strides = array<i32>} : memref<8x8x512xf32, #tpu.memory_space<vmem>>, vector<16xf32>,
        %parallel_loop3A_352 = arith.constant 384 : i32
        %parallel_loop3A_353 = arith.addi %parallel_loop3A_253, %parallel_loop3A_352 : i32
        %parallel_loop3A_354 = vector.broadcast %parallel_loop3A_353 : i32 to vector<16xi32>
        %parallel_loop3A_355 = arith.addi %iota3A, %parallel_loop3A_354 : vector<16xi32>
        %parallel_loop3A_356 = arith.constant -384 : i32
        %parallel_loop3A_357 = vector.broadcast %parallel_loop3A_356 : i32 to vector<16xi32>
        %parallel_loop3A_358 = arith.cmpi sge, %parallel_loop3A_255, %parallel_loop3A_357 : vector<16xi32>
        %parallel_loop3A_359 = tpu.vector_load_idx %arg5[%parallel_loop3A_220, %parallel_loop3A_355] masked %parallel_loop3A_358 : memref<8x2176xf32, #tpu.memory_space<vmem>>[vector<16xi32>, vector<16xi32>], vector<16xf32>, vector<16xi1>
        %parallel_loop3A_360 = arith.index_cast %parallel_loop3A_200 : i32 to index
        %parallel_loop3A_361 = arith.index_cast %parallel_loop3A_216 : i32 to index
        %parallel_loop3A_362 = arith.constant 384 : index
        %parallel_loop3A_363 = tpu.vector_load %arg7[%parallel_loop3A_360, %parallel_loop3A_361, %parallel_loop3A_362] {strides = array<i32>} : memref<8x8x512xf32, #tpu.memory_space<vmem>>, vector<16xf32>,
        tpu.vector_store %arg7[%parallel_loop3A_360, %parallel_loop3A_361, %parallel_loop3A_362], %parallel_loop3A_359 {strides = array<i32>} : memref<8x8x512xf32, #tpu.memory_space<vmem>>, vector<16xf32>,
        %parallel_loop3A_364 = arith.constant 400 : i32
        %parallel_loop3A_365 = arith.addi %parallel_loop3A_253, %parallel_loop3A_364 : i32
        %parallel_loop3A_366 = vector.broadcast %parallel_loop3A_365 : i32 to vector<16xi32>
        %parallel_loop3A_367 = arith.addi %iota3A, %parallel_loop3A_366 : vector<16xi32>
        %parallel_loop3A_368 = arith.constant -400 : i32
        %parallel_loop3A_369 = vector.broadcast %parallel_loop3A_368 : i32 to vector<16xi32>
        %parallel_loop3A_370 = arith.cmpi sge, %parallel_loop3A_255, %parallel_loop3A_369 : vector<16xi32>
        %parallel_loop3A_371 = tpu.vector_load_idx %arg5[%parallel_loop3A_220, %parallel_loop3A_367] masked %parallel_loop3A_370 : memref<8x2176xf32, #tpu.memory_space<vmem>>[vector<16xi32>, vector<16xi32>], vector<16xf32>, vector<16xi1>
        %parallel_loop3A_372 = arith.index_cast %parallel_loop3A_200 : i32 to index
        %parallel_loop3A_373 = arith.index_cast %parallel_loop3A_216 : i32 to index
        %parallel_loop3A_374 = arith.constant 400 : index
        %parallel_loop3A_375 = tpu.vector_load %arg7[%parallel_loop3A_372, %parallel_loop3A_373, %parallel_loop3A_374] {strides = array<i32>} : memref<8x8x512xf32, #tpu.memory_space<vmem>>, vector<16xf32>,
        tpu.vector_store %arg7[%parallel_loop3A_372, %parallel_loop3A_373, %parallel_loop3A_374], %parallel_loop3A_371 {strides = array<i32>} : memref<8x8x512xf32, #tpu.memory_space<vmem>>, vector<16xf32>,
        %parallel_loop3A_376 = arith.constant 416 : i32
        %parallel_loop3A_377 = arith.addi %parallel_loop3A_253, %parallel_loop3A_376 : i32
        %parallel_loop3A_378 = vector.broadcast %parallel_loop3A_377 : i32 to vector<16xi32>
        %parallel_loop3A_379 = arith.addi %iota3A, %parallel_loop3A_378 : vector<16xi32>
        %parallel_loop3A_380 = arith.constant -416 : i32
        %parallel_loop3A_381 = vector.broadcast %parallel_loop3A_380 : i32 to vector<16xi32>
        %parallel_loop3A_382 = arith.cmpi sge, %parallel_loop3A_255, %parallel_loop3A_381 : vector<16xi32>
        %parallel_loop3A_383 = tpu.vector_load_idx %arg5[%parallel_loop3A_220, %parallel_loop3A_379] masked %parallel_loop3A_382 : memref<8x2176xf32, #tpu.memory_space<vmem>>[vector<16xi32>, vector<16xi32>], vector<16xf32>, vector<16xi1>
        %parallel_loop3A_384 = arith.index_cast %parallel_loop3A_200 : i32 to index
        %parallel_loop3A_385 = arith.index_cast %parallel_loop3A_216 : i32 to index
        %parallel_loop3A_386 = arith.constant 416 : index
        %parallel_loop3A_387 = tpu.vector_load %arg7[%parallel_loop3A_384, %parallel_loop3A_385, %parallel_loop3A_386] {strides = array<i32>} : memref<8x8x512xf32, #tpu.memory_space<vmem>>, vector<16xf32>,
        tpu.vector_store %arg7[%parallel_loop3A_384, %parallel_loop3A_385, %parallel_loop3A_386], %parallel_loop3A_383 {strides = array<i32>} : memref<8x8x512xf32, #tpu.memory_space<vmem>>, vector<16xf32>,
        %parallel_loop3A_388 = arith.constant 432 : i32
        %parallel_loop3A_389 = arith.addi %parallel_loop3A_253, %parallel_loop3A_388 : i32
        %parallel_loop3A_390 = vector.broadcast %parallel_loop3A_389 : i32 to vector<16xi32>
        %parallel_loop3A_391 = arith.addi %iota3A, %parallel_loop3A_390 : vector<16xi32>
        %parallel_loop3A_392 = arith.constant -432 : i32
        %parallel_loop3A_393 = vector.broadcast %parallel_loop3A_392 : i32 to vector<16xi32>
        %parallel_loop3A_394 = arith.cmpi sge, %parallel_loop3A_255, %parallel_loop3A_393 : vector<16xi32>
        %parallel_loop3A_395 = tpu.vector_load_idx %arg5[%parallel_loop3A_220, %parallel_loop3A_391] masked %parallel_loop3A_394 : memref<8x2176xf32, #tpu.memory_space<vmem>>[vector<16xi32>, vector<16xi32>], vector<16xf32>, vector<16xi1>
        %parallel_loop3A_396 = arith.index_cast %parallel_loop3A_200 : i32 to index
        %parallel_loop3A_397 = arith.index_cast %parallel_loop3A_216 : i32 to index
        %parallel_loop3A_398 = arith.constant 432 : index
        %parallel_loop3A_399 = tpu.vector_load %arg7[%parallel_loop3A_396, %parallel_loop3A_397, %parallel_loop3A_398] {strides = array<i32>} : memref<8x8x512xf32, #tpu.memory_space<vmem>>, vector<16xf32>,
        tpu.vector_store %arg7[%parallel_loop3A_396, %parallel_loop3A_397, %parallel_loop3A_398], %parallel_loop3A_395 {strides = array<i32>} : memref<8x8x512xf32, #tpu.memory_space<vmem>>, vector<16xf32>,
        %parallel_loop3A_400 = arith.constant 448 : i32
        %parallel_loop3A_401 = arith.addi %parallel_loop3A_253, %parallel_loop3A_400 : i32
        %parallel_loop3A_402 = vector.broadcast %parallel_loop3A_401 : i32 to vector<16xi32>
        %parallel_loop3A_403 = arith.addi %iota3A, %parallel_loop3A_402 : vector<16xi32>
        %parallel_loop3A_404 = arith.constant -448 : i32
        %parallel_loop3A_405 = vector.broadcast %parallel_loop3A_404 : i32 to vector<16xi32>
        %parallel_loop3A_406 = arith.cmpi sge, %parallel_loop3A_255, %parallel_loop3A_405 : vector<16xi32>
        %parallel_loop3A_407 = tpu.vector_load_idx %arg5[%parallel_loop3A_220, %parallel_loop3A_403] masked %parallel_loop3A_406 : memref<8x2176xf32, #tpu.memory_space<vmem>>[vector<16xi32>, vector<16xi32>], vector<16xf32>, vector<16xi1>
        %parallel_loop3A_408 = arith.index_cast %parallel_loop3A_200 : i32 to index
        %parallel_loop3A_409 = arith.index_cast %parallel_loop3A_216 : i32 to index
        %parallel_loop3A_410 = arith.constant 448 : index
        %parallel_loop3A_411 = tpu.vector_load %arg7[%parallel_loop3A_408, %parallel_loop3A_409, %parallel_loop3A_410] {strides = array<i32>} : memref<8x8x512xf32, #tpu.memory_space<vmem>>, vector<16xf32>,
        tpu.vector_store %arg7[%parallel_loop3A_408, %parallel_loop3A_409, %parallel_loop3A_410], %parallel_loop3A_407 {strides = array<i32>} : memref<8x8x512xf32, #tpu.memory_space<vmem>>, vector<16xf32>,
        %parallel_loop3A_412 = arith.constant 464 : i32
        %parallel_loop3A_413 = arith.addi %parallel_loop3A_253, %parallel_loop3A_412 : i32
        %parallel_loop3A_414 = vector.broadcast %parallel_loop3A_413 : i32 to vector<16xi32>
        %parallel_loop3A_415 = arith.addi %iota3A, %parallel_loop3A_414 : vector<16xi32>
        %parallel_loop3A_416 = arith.constant -464 : i32
        %parallel_loop3A_417 = vector.broadcast %parallel_loop3A_416 : i32 to vector<16xi32>
        %parallel_loop3A_418 = arith.cmpi sge, %parallel_loop3A_255, %parallel_loop3A_417 : vector<16xi32>
        %parallel_loop3A_419 = tpu.vector_load_idx %arg5[%parallel_loop3A_220, %parallel_loop3A_415] masked %parallel_loop3A_418 : memref<8x2176xf32, #tpu.memory_space<vmem>>[vector<16xi32>, vector<16xi32>], vector<16xf32>, vector<16xi1>
        %parallel_loop3A_420 = arith.index_cast %parallel_loop3A_200 : i32 to index
        %parallel_loop3A_421 = arith.index_cast %parallel_loop3A_216 : i32 to index
        %parallel_loop3A_422 = arith.constant 464 : index
        %parallel_loop3A_423 = tpu.vector_load %arg7[%parallel_loop3A_420, %parallel_loop3A_421, %parallel_loop3A_422] {strides = array<i32>} : memref<8x8x512xf32, #tpu.memory_space<vmem>>, vector<16xf32>,
        tpu.vector_store %arg7[%parallel_loop3A_420, %parallel_loop3A_421, %parallel_loop3A_422], %parallel_loop3A_419 {strides = array<i32>} : memref<8x8x512xf32, #tpu.memory_space<vmem>>, vector<16xf32>,
        %parallel_loop3A_424 = arith.constant 480 : i32
        %parallel_loop3A_425 = arith.addi %parallel_loop3A_253, %parallel_loop3A_424 : i32
        %parallel_loop3A_426 = vector.broadcast %parallel_loop3A_425 : i32 to vector<16xi32>
        %parallel_loop3A_427 = arith.addi %iota3A, %parallel_loop3A_426 : vector<16xi32>
        %parallel_loop3A_428 = arith.constant -480 : i32
        %parallel_loop3A_429 = vector.broadcast %parallel_loop3A_428 : i32 to vector<16xi32>
        %parallel_loop3A_430 = arith.cmpi sge, %parallel_loop3A_255, %parallel_loop3A_429 : vector<16xi32>
        %parallel_loop3A_431 = tpu.vector_load_idx %arg5[%parallel_loop3A_220, %parallel_loop3A_427] masked %parallel_loop3A_430 : memref<8x2176xf32, #tpu.memory_space<vmem>>[vector<16xi32>, vector<16xi32>], vector<16xf32>, vector<16xi1>
        %parallel_loop3A_432 = arith.index_cast %parallel_loop3A_200 : i32 to index
        %parallel_loop3A_433 = arith.index_cast %parallel_loop3A_216 : i32 to index
        %parallel_loop3A_434 = arith.constant 480 : index
        %parallel_loop3A_435 = tpu.vector_load %arg7[%parallel_loop3A_432, %parallel_loop3A_433, %parallel_loop3A_434] {strides = array<i32>} : memref<8x8x512xf32, #tpu.memory_space<vmem>>, vector<16xf32>,
        tpu.vector_store %arg7[%parallel_loop3A_432, %parallel_loop3A_433, %parallel_loop3A_434], %parallel_loop3A_431 {strides = array<i32>} : memref<8x8x512xf32, #tpu.memory_space<vmem>>, vector<16xf32>,
        %parallel_loop3A_436 = arith.constant 496 : i32
        %parallel_loop3A_437 = arith.addi %parallel_loop3A_253, %parallel_loop3A_436 : i32
        %parallel_loop3A_438 = vector.broadcast %parallel_loop3A_437 : i32 to vector<16xi32>
        %parallel_loop3A_439 = arith.addi %iota3A, %parallel_loop3A_438 : vector<16xi32>
        %parallel_loop3A_440 = arith.constant -496 : i32
        %parallel_loop3A_441 = vector.broadcast %parallel_loop3A_440 : i32 to vector<16xi32>
        %parallel_loop3A_442 = arith.cmpi sge, %parallel_loop3A_255, %parallel_loop3A_441 : vector<16xi32>
        %parallel_loop3A_443 = tpu.vector_load_idx %arg5[%parallel_loop3A_220, %parallel_loop3A_439] masked %parallel_loop3A_442 : memref<8x2176xf32, #tpu.memory_space<vmem>>[vector<16xi32>, vector<16xi32>], vector<16xf32>, vector<16xi1>
        %parallel_loop3A_444 = arith.index_cast %parallel_loop3A_200 : i32 to index
        %parallel_loop3A_445 = arith.index_cast %parallel_loop3A_216 : i32 to index
        %parallel_loop3A_446 = arith.constant 496 : index
        %parallel_loop3A_447 = tpu.vector_load %arg7[%parallel_loop3A_444, %parallel_loop3A_445, %parallel_loop3A_446] {strides = array<i32>} : memref<8x8x512xf32, #tpu.memory_space<vmem>>, vector<16xf32>,
        tpu.vector_store %arg7[%parallel_loop3A_444, %parallel_loop3A_445, %parallel_loop3A_446], %parallel_loop3A_443 {strides = array<i32>} : memref<8x8x512xf32, #tpu.memory_space<vmem>>, vector<16xf32>,
      } {sc.loop_unroll_factor = 4 : i64, sc.parallel_access}
      %multiple_of3A_171 = tpu.assume_multiple %mul3A_56, 8 : i32
      %dma_start3A_172 = arith.constant 0 : i32
      %dma_start3A_173 = tpu.memref_slice %arg3[%multiple_of3A_142, %multiple_of3A_171, %dma_start3A_172] : memref<128x512x512xf32, #tpu.memory_space<hbm>> -> memref<8x8x512xf32, #tpu.memory_space<hbm>>
      %dma_start3A_174 = arith.constant 0 : i32
      %dma_start3A_175 = tpu.memref_slice %arg3[%multiple_of3A_142, %multiple_of3A_171, %dma_start3A_174] : memref<128x512x512xf32, #tpu.memory_space<hbm>> -> memref<8x8x512xf32, #tpu.memory_space<hbm>>
      tpu.enqueue_dma source(%arg7 : memref<8x8x512xf32, #tpu.memory_space<vmem>>) target(%dma_start3A_175 : memref<8x8x512xf32, #tpu.memory_space<hbm>>) target_semaphore(%arg11 : memref<!tpu.dma_semaphore, #tpu.memory_space<semaphore_mem>>)
    }
    %scan3A_125 = arith.constant 16 : i32
    %multiple_of3A_126 = tpu.assume_multiple %mul3A_3, 8 : i32
    %dma_wait3A = arith.constant 0 : i32
    %dma_wait3A_127 = arith.constant 0 : i32
    %dma_wait3A_128 = tpu.memref_slice %arg3[%dma_wait3A, %multiple_of3A_126, %dma_wait3A_127] : memref<128x512x512xf32, #tpu.memory_space<hbm>> -> memref<8x8x512xf32, #tpu.memory_space<hbm>>
    %dma_wait3A_129 = arith.constant 0 : i32
    %dma_wait3A_130 = arith.constant 0 : i32
    %dma_wait3A_131 = tpu.memref_slice %arg3[%dma_wait3A_129, %multiple_of3A_126, %dma_wait3A_130] : memref<128x512x512xf32, #tpu.memory_space<hbm>> -> memref<8x8x512xf32, #tpu.memory_space<hbm>>
    tpu.wait_dma2 semaphore(%arg10 : memref<!tpu.dma_semaphore, #tpu.memory_space<semaphore_mem>>) src(%arg6 : memref<8x8x512xf32, #tpu.memory_space<vmem>>) dst(%dma_wait3A_131 : memref<8x8x512xf32, #tpu.memory_space<hbm>>)
    %multiple_of3A_132 = tpu.assume_multiple %mul3A_56, 8 : i32
    %dma_wait3A_133 = arith.constant 0 : i32
    %dma_wait3A_134 = arith.constant 0 : i32
    %dma_wait3A_135 = tpu.memref_slice %arg3[%dma_wait3A_133, %multiple_of3A_132, %dma_wait3A_134] : memref<128x512x512xf32, #tpu.memory_space<hbm>> -> memref<8x8x512xf32, #tpu.memory_space<hbm>>
    %dma_wait3A_136 = arith.constant 0 : i32
    %dma_wait3A_137 = arith.constant 0 : i32
    %dma_wait3A_138 = tpu.memref_slice %arg3[%dma_wait3A_136, %multiple_of3A_132, %dma_wait3A_137] : memref<128x512x512xf32, #tpu.memory_space<hbm>> -> memref<8x8x512xf32, #tpu.memory_space<hbm>>
    tpu.wait_dma2 semaphore(%arg11 : memref<!tpu.dma_semaphore, #tpu.memory_space<semaphore_mem>>) src(%arg7 : memref<8x8x512xf32, #tpu.memory_space<vmem>>) dst(%dma_wait3A_138 : memref<8x8x512xf32, #tpu.memory_space<hbm>>)
    return
  }
}

</mosaic_0001>

<sc_bundles>
// kernel: kernel.3.cloned.1.call-start
scs
__scs_entry_jumppad:
0x0: {  	(pc) =	sbr.rel $0x88, $3  }
0x1: {  	(tag) =	ssettag $0x0;
	lr =	simm.s32 $0x1  }
0x2: {  	[smem:$0x3FA0] =	sst lr;
	_ =	strace $0xD0000000  }
0x3: {  	_ = 	snop  }
0x4: {  	_ = 	snop  }
0x5: {  	_ = 	snop  }
0x6: {  	_ = 	snop  }
0x7: {  	_ = 	snop  }
__scs_overlays_trampoline_lowered:
0x8: {  	[smem:$0x3FAF] =	sst s0  }
0x9: {  	[smem:$0x3FB0] =	sst s1  }
0xa: {  	[smem:$0x3FB1] =	sst s2  }
0xb: {  	[smem:$0x3FB2] =	sst s3  }
0xc: {  	[smem:$0x3FB3] =	sst s4  }
0xd: {  	[smem:$0x3FB4] =	sst s5  }
0xe: {  	[smem:$0x3FB5] =	sst s6  }
0xf: {  	[smem:$0x3FB6] =	sst s7  }
0x10: {  	[smem:$0x3FB7] =	sst s8  }
0x11: {  	[smem:$0x3FB8] =	sst s9;
	s0 =	simm.s32 @!p0 $0x0  }
0x12: {  	s1 =	sld [smem:$0x3F9E];
	s0 =	simm.s32 @p0 $0x1  }
0x13: {  	[smem:$0x3FB9] =	sst s0;
	s0 =	simm.s32 @!p1 $0x0  }
0x14: {  	s2 =	sld [smem:$0x3F9D];
	s0 =	simm.s32 @p1 $0x1  }
0x15: {  	[smem:$0x3FBA] =	sst s0;
	s0 =	simm.s32 @!p2 $0x0  }
0x16: {  	s3 =	sld [smem:$0x3FDB];
	s0 =	simm.s32 @p2 $0x1  }
0x17: {  	s4 =	simm.s32 $0x1BF5;
	[smem:$0x3FBC] =	sst s0  }
0x18: {  	s0 =	sld [smem:$0x3F9F];
	_ =	swait.ge [sflag:s4], $0x0  }
0x19: {  	s7 =	sld [smem:$0x3FA0]  }
0x1a: {  	s8 =	sadd.s32 $0xFFFFE003, lr  }
0x1b: {  	s9 =	sadd.s32 $0xFFFFFEF7, lr;
	s5 =	simm.s32 $0xFFFFFFFF;
	p2 =	slt.u32 s8, $0xFFFFF086  }
0x1c: {  	p1 =	slt.u32 s9, $0xF7A;
	s5 =	simm.s32 @!p2 $0x0  }
0x1d: {  	s5 =	simm.s32 @p1 $0x1;
	p0 =	seq.s32 s7, s2  }
0x1e: {  	s7 =	smul.u32 @!p0 $0xF7A, s2;
	p2 =	seq.s32 @!p0 s5, $0x0  }
0x1f: {  	s9 =	smul.u32 $0xF7A, s1;
	s8 =	simm.s32 @!p0 $0x1BF5;
	p2 =	por !p2, p0  }
0x20: {  	[sflag:s8] =	ssyncset.s32 @!p0 $0xFFFFF086;
	s6 =	sadd.s32 @!p0 s3, s7;
	s7 =	simm.s32 @!p0 $0x108  }
0x21: {  	s3 =	sadd.s32 s3, s9;
	s6 =	sadd.s32 @!p0 $0x88, s6;
	s7 =	simm.s32 @p2 $0x1082  }
0x22: {  	[simem:s7], [sflag:s8] =	dma.local @!p0 [hbm:s6], $0xF7A  }
0x23: {  	s9 =	sor.u32 $0xD0000000, s2;
	s6 =	simm.s32 $0x108;
	_ =	swait.ge @!p0 [sflag:s8], $0x0  }
0x24: {  	s3 =	sadd.s32 $0x88, s3;
	s6 =	simm.s32 @!p1 $0x1082;
	[sflag:s4] =	ssyncset.s32 $0xFFFFF086  }
0x25: {  	[simem:s6], [sflag:s4] =	dma.local [hbm:s3], $0xF7A  }
0x26: {  	[smem:$0x3FA0] =	sst s1;
	(tag) =	ssettag s2;
	_ =	strace s9  }
0x27: {  	s1 =	sld [smem:$0x3FB0]  }
0x28: {  	s2 =	sld [smem:$0x3FB1]  }
0x29: {  	s4 =	sld [smem:$0x3FB3]  }
0x2a: {  	p0 =	seq.s32 s5, $0x0;
	s5 =	sld [smem:$0x3FB4]  }
0x2b: {  	s6 =	sld [smem:$0x3FB5]  }
0x2c: {  	s7 =	sld [smem:$0x3FB6]  }
0x2d: {  	s3 =	simm.s32 $0x108;
	s8 =	sld [smem:$0x3FB7]  }
0x2e: {  	s3 =	simm.s32 @!p0 $0x1082;
	s9 =	sld [smem:$0x3FB8]  }
0x2f: {  	lr =	sadd.s32 s0, s3;
	s0 =	sld [smem:$0x3FAF]  }
0x30: {  	s3 =	sld [smem:$0x3FB2]  }
0x31: {  	[smem:$0x3FBB] =	sst s10  }
0x32: {  	s10 =	sld [smem:$0x3FB9];
	_ =	sdelay $0x3  }
0x33: {  	p0 =	seq.s32 s10, $0x1;
	s10 =	sld [smem:$0x3FBB];
	_ =	sdelay $0x3  }
0x34: {  	[smem:$0x3FBB] =	sst s10  }
0x35: {  	s10 =	sld [smem:$0x3FBA];
	_ =	sdelay $0x3  }
0x36: {  	p1 =	seq.s32 s10, $0x1;
	s10 =	sld [smem:$0x3FBB];
	_ =	sdelay $0x3  }
0x37: {  	[smem:$0x3FBB] =	sst s10  }
0x38: {  	s10 =	sld [smem:$0x3FBC]  }
0x39: {  	_ = 	snop;
	(pc) =	sbr.ind lr, $3  }
0x3a: {  	_ = 	snop  }
0x3b: {  	_ = 	snop  }
0x3c: {  	p2 =	seq.s32 s10, $0x1;
	s10 =	sld [smem:$0x3FBB]  }
0x3d: {  	_ =	shalt  }
0x3e: {  	_ =	shalt  }
0x3f: {  	_ =	shalt  }
0x40: {  	_ =	shalt  }
0x41: {  	_ =	shalt  }
0x42: {  	_ =	shalt  }
0x43: {  	_ =	shalt  }
0x44: {  	_ =	shalt  }
0x45: {  	_ =	shalt  }
0x46: {  	_ =	shalt  }
0x47: {  	_ =	shalt  }
0x48: {  	_ =	shalt  }
0x49: {  	_ =	shalt  }
0x4a: {  	_ =	shalt  }
0x4b: {  	_ =	shalt  }
0x4c: {  	_ =	shalt  }
0x4d: {  	_ =	shalt  }
0x4e: {  	_ =	shalt  }
0x4f: {  	_ =	shalt  }
0x50: {  	_ =	shalt  }
0x51: {  	_ =	shalt  }
0x52: {  	_ =	shalt  }
0x53: {  	_ =	shalt  }
0x54: {  	_ =	shalt  }
0x55: {  	_ =	shalt  }
0x56: {  	_ =	shalt  }
0x57: {  	_ =	shalt  }
0x58: {  	_ =	shalt  }
0x59: {  	_ =	shalt  }
0x5a: {  	_ =	shalt  }
0x5b: {  	_ =	shalt  }
0x5c: {  	_ =	shalt  }
0x5d: {  	_ =	shalt  }
0x5e: {  	_ =	shalt  }
0x5f: {  	_ =	shalt  }
0x60: {  	_ =	shalt  }
0x61: {  	_ =	shalt  }
0x62: {  	_ =	shalt  }
0x63: {  	_ =	shalt  }
0x64: {  	_ =	shalt  }
0x65: {  	_ =	shalt  }
0x66: {  	_ =	shalt  }
0x67: {  	_ =	shalt  }
0x68: {  	_ =	shalt  }
0x69: {  	_ =	shalt  }
0x6a: {  	_ =	shalt  }
0x6b: {  	_ =	shalt  }
0x6c: {  	_ =	shalt  }
0x6d: {  	_ =	shalt  }
0x6e: {  	_ =	shalt  }
0x6f: {  	_ =	shalt  }
0x70: {  	_ =	shalt  }
0x71: {  	_ =	shalt  }
0x72: {  	_ =	shalt  }
0x73: {  	_ =	shalt  }
0x74: {  	_ =	shalt  }
0x75: {  	_ =	shalt  }
0x76: {  	_ =	shalt  }
0x77: {  	_ =	shalt  }
0x78: {  	_ =	shalt  }
0x79: {  	_ =	shalt  }
0x7a: {  	_ =	shalt  }
0x7b: {  	_ =	shalt  }
0x7c: {  	_ =	shalt  }
0x7d: {  	_ =	shalt  }
0x7e: {  	_ =	shalt  }
0x7f: {  	_ =	shalt  }
0x80: {  	_ =	shalt  }
0x81: {  	_ =	shalt  }
0x82: {  	_ =	shalt  }
0x83: {  	_ =	shalt  }
0x84: {  	_ =	shalt  }
0x85: {  	_ =	shalt  }
0x86: {  	_ =	shalt  }
0x87: {  	_ =	shalt  }
.Lfunc_end0:
.L_simem_size_0:
called_computation_lowered:
.L_overlay_start_0:
0x88: {  	s2 =	sld [smem:$0x3FD9]  }
0x89: {  	s3 =	sld [smem:$0x3FFE];
	_ =	sdelay $0x1  }
0x8a: {  	s1 =	srdreg.scid  }
0x8b: {  	s0 =	sand.u32 $0x1, s1  }
0x8c: {  	s18 =	sshll.u32 s0, $0xA;
	s2 =	sadd.s32 s3, s2  }
0x8d: {  	s2 =	sadd.s32 s2, s18  }
0x8e: {  	[smem:$0x3FC7] =	sst s2  }
0x8f: {  	_ = 	snop  }
0x90: {  	s2 =	sld [smem:$0x3FC9]  }
0x91: {  	s19 =	sld [smem:$0x3FD0];
	(tm) =	ssettm $0x1  }
0x92: {  	s4 =	sld [smem:$0x3FFB];
	_ =	sdelay $0x3  }
0x93: {  	_ =	strace s4  }
0x94: {  	s4 =	sld [smem:$0x3FFC];
	_ =	sdelay $0x3  }
0x95: {  	_ =	strace s4  }
0x96: {  	s4 =	sld [smem:$0x3FFD];
	_ =	sdelay $0x3  }
0x97: {  	_ =	strace s4  }
0x98: {  	_ =	strace $0x8FFFFFFF  }
0x99: {  	s20 =	sld [smem:$0x3FDB];
	_ =	sdelay $0x1  }
0x9a: {  	s5 =	simm.s32 $_scs_section_size  }
0x9b: {  	s6 =	simm.s32 $_size__tile_overlayer_lowered;
	s7 =	simm.s32 $_tile_overlayer_lowered  }
0x9c: {  	s23 =	simm.s32 $0x1BFF;
	s22 =	sshll.u32 s7, $0x1;
	s4 =	sadd.s32 s5, s20  }
0x9d: {  	s8 =	simm.s32 $0x0;
	s21 =	sshll.u32 s6, $0x1;
	s6 =	sadd.s32 s22, s4  }
0x9e: {  	[timem:s8], [sflag:s23] =	dma.local [hbm:s6], s21  }
0x9f: {  	_ =	swait.ge [sflag:s23], s21  }
0xa0: {  	s5 =	ssub.s32 $0x0, s21;
	[sflag:s23] =	ssyncset.done $0x0  }
0xa1: {  	[sflag:s23] =	ssyncadd.s32 s5;
	_ =	sdelay $0x1  }
0xa2: {  	s24 =	simm.s32 $0x1B8B  }
0xa3: {  	_ =	swait.ge [sflag:s24], $0x1  }
0xa4: {  	[sflag:s24] =	ssyncset.done $0x0  }
0xa5: {  	s25 =	simm.s32 $0x1B8E;
	[sflag:s24] =	ssyncadd.s32 $0xFFFFFFFF  }
0xa6: {  	s26 =	simm.s32 $execute0_lowered;
	[smem:$0x3FD2] =	sst s25  }
0xa7: {  	s5 =	sshll.u32 s26, $0x1;
	_ =	strace $0x80000046;
	[dreg:$0x1] =	wrdreg $0xFFFFFFFF  }
0xa8: {  	s28 =	simm.s32 $_size_execute0_lowered;
	s4 =	sadd.s32 s4, s5;
	[dreg:$0x0] =	wrdreg $0x0  }
0xa9: {  	s5 =	sshll.u32 s28, $0x1;
	[dreg:$0x2] =	wrdreg s4  }
0xaa: {  	[dreg:$0x3] =	wrdreg s5  }
0xab: {  	[dreg:$0x4] =	wrdreg $0xC0  }
0xac: {  	_ =	task [dreg:s8], $0x5FFFF  }
0xad: {  	[dreg:$0x1] =	wrdreg $0xFFFFFFFF  }
0xae: {  	[dreg:$0x0] =	wrdreg $0x60  }
0xaf: {  	[dreg:$0x2] =	wrdreg s2  }
0xb0: {  	[dreg:$0x3] =	wrdreg s19  }
0xb1: {  	[dreg:$0x4] =	wrdreg $0x9  }
0xb2: {  	_ =	task.clear_ibuf [dreg:s8], $0x5FFFF;
	_ =	strace $0x90000046  }
0xb3: {  	s29 =	simm.s32 $0x9;
	_ =	strace $0x80000048  }
0xb4: {  	_ =	swait.ge [sflag:s29], $0x1  }
0xb5: {  	[sflag:s29] =	ssyncadd.s32 $0xFFFFFFFF  }
0xb6: {  	_ =	strace $0x90000048  }
0xb7: {  	_ =	sfence  }
0xb8: {  	s30 =	sld [smem:$0x0];
	_ =	sdelay $0x2  }
0xb9: {  	s31 =	sshll.u32 s1, $0xD;
	s1 =	sshrl.u32 s1, $0x2  }
0xba: {  	s3 =	sand.u32 $0x4000, s31;
	s1 =	sadd.s32 s1, s30  }
0xbb: {  	s0 =	sor.u32 s3, s0;
	s1 =	sshll.u32 s1, $0x11  }
0xbc: {  	s0 =	sor.u32 s1, s0  }
0xbd: {  	s0 =	sadd.s32 $0x8F2B, s0  }
0xbe: {  	[sflag:s0] =	ssyncadd.remote.s32 $0x1  }
0xbf: {  	_ =	sfence.sel $0xFFFF  }
0xc0: {  	[dreg:$0x0] =	wrdreg $0xFFFFFFFF;
	(pc) =	sbr.abs _section_cstart, $3  }
0xc1: {  	[dreg:$0x1] =	wrdreg $0xFFFFFFFF  }
0xc2: {  	_ =	task.clear_ibuf [dreg:s8], $0x2FFFF;
	_ =	strace $0x9FFFFFFF  }
0xc3: {  	(tm) =	ssettm $0x7FFFFFFF  }
tec
execute0_lowered:
.L_overlay_start_1:
0x0: {  	(tag) =	ssettag $0x1  }
0x1: {  	s0 =	srdreg.scid;
	s1 =	stileid.u32  }
0x2: {  	s7 =	simm.s32 $0x0;
	s0 =	sand.u32 $0x1, s0;
	s1 =	sshll.u32 s1, $0x1  }
0x3: {  	[smem:$0x7FF] =	sst s7;
	s1 =	sor.u32 s0, s1  }
0x4: {  	s2 =	rddreg [dreg:$0x0];
	_ =	strace $0x80000047;
	s24 =	sshll.u32 s1, $0x3  }
0x5: {  	s0 =	ssub.s32 $0x2, s0;
	s6 =	sshll.u32 s1, $0xC;
	s3 =	sadd.s32 $0xFFFFFFFF, s24  }
0x6: {  	s1 =	sor.u32 $0x20, s1;
	s30 =	sshrl.u32 s0, $0x1;
	s3 =	smul.u32 s24, s3  }
0x7: {  	[dreg:$0x17] =	wrdreg s6;
	s8 =	sshll.u32 s1, $0x3;
	s28 =	sshll.u32 s1, $0xC  }
0x8: {  	s0 =	ssub.s32 s0, s30;
	[dreg:$0x16] =	wrdreg s24;
	s3 =	sshra.s32 s3, $0x1  }
0x9: {  	s4 =	ssub.s32 s6, s3;
	p0 =	sne.s32 s6, s3;
	s3 =	simm.s32 $0x1  }
0xa: {  	s26 =	sadd.s32 $0xFFFFFFFF, s8;
	s5 =	sshra.s32 s4, $0x1F;
	s3 =	simm.s32 @!p0 $0x0  }
0xb: {  	[dreg:$0x18] =	wrdreg s28;
	s25 =	sand.u32 $0x7C, s4;
	s3 =	sor.u32 s3, s5  }
0xc: {  	s0 =	smax.u32 s0, $0x1;
	p1 =	sne.s32 s25, $0x0;
	p6 =	sne.s32 s3, $0x1  }
0xd: {  	s23 =	sshrl.u32 s5, $0x19;
	s3 =	smul.u32 s8, s26;
	p0 =	por !p1, !p6  }
0xe: {  	s5 =	simm.s32 $0x1;
	s4 =	sadd.s32 s23, s4;
	p0 =	por !p0, !p0  }
0xf: {  	s4 =	sshrl.u32 s4, $0x7;
	s29 =	sshrl.u32 s3, $0x1;
	s5 =	simm.s32 @!p0 $0x0  }
0x10: {  	[dreg:$0x3] =	wrdreg s8;
	s1 =	ssub.s32 s28, s29;
	s4 =	ssub.s32 s4, s5  }
0x11: {  	[dreg:$0x1d] =	wrdreg s0;
	s1 =	sand.u32 $0x3FF80, s1;
	s10 =	sshll.u32 s4, $0x7  }
0x12: {  	s19 =	smin.u32 s1, $0x1F880;
	[dreg:$0x19] =	wrdreg s10  }
0x13: {  	s31 =	sadd.s32 s2, s10;
	s2 =	sadd.s32 s2, s19;
	[dreg:$0x4] =	wrdreg s19  }
0x14: {  	[dreg:$0x1b] =	wrdreg s2  }
0x15: {  	[dreg:$0x1a] =	wrdreg s31;
	s1 =	sadd.s32 $0x20100, s31  }
0x16: {  	s15 =	simm.s32 $0x8800;
	v0 =	vimm.f32 $0.0e+00;
	v1 =	vlaneseq.u32;
	s2 =	simm.s32 $0x0;
	[dreg:$0x1c] =	wrdreg s1  }
.LBB2_1:
0x17: {  	s0 =	sand.u32 $0x7000, s7;
	s1 =	sand.u32 $0x300, s7  }
0x18: {  	[dreg:$0x1e] =	wrdreg s2;
	s1 =	sor.u32 s1, s0  }
0x19: {  	s0 =	sadd.s32 $0x14C00, s1;
	[tilespmem:s1+$0x14C00] =	vst v0  }
0x1a: {  	[tilespmem:s0+$0x4F0] =	vst v0  }
0x1b: {  	[tilespmem:s0+$0x10] =	vst v0  }
0x1c: {  	[tilespmem:s0+$0x20] =	vst v0  }
0x1d: {  	[tilespmem:s0+$0x30] =	vst v0  }
0x1e: {  	[tilespmem:s0+$0x40] =	vst v0  }
0x1f: {  	[tilespmem:s0+$0x50] =	vst v0  }
0x20: {  	[tilespmem:s0+$0x60] =	vst v0  }
0x21: {  	[tilespmem:s0+$0x70] =	vst v0  }
0x22: {  	[tilespmem:s0+$0x400] =	vst v0  }
0x23: {  	[tilespmem:s0+$0x410] =	vst v0  }
0x24: {  	[tilespmem:s0+$0x420] =	vst v0  }
0x25: {  	[tilespmem:s0+$0x430] =	vst v0  }
0x26: {  	[tilespmem:s0+$0x440] =	vst v0  }
0x27: {  	[tilespmem:s0+$0x450] =	vst v0  }
0x28: {  	[tilespmem:s0+$0x460] =	vst v0  }
0x29: {  	[tilespmem:s0+$0x470] =	vst v0  }
0x2a: {  	[tilespmem:s0+$0x80] =	vst v0  }
0x2b: {  	[tilespmem:s0+$0x90] =	vst v0  }
0x2c: {  	[tilespmem:s0+$0xA0] =	vst v0  }
0x2d: {  	[tilespmem:s0+$0xB0] =	vst v0  }
0x2e: {  	[tilespmem:s0+$0xC0] =	vst v0  }
0x2f: {  	[tilespmem:s0+$0xD0] =	vst v0  }
0x30: {  	[tilespmem:s0+$0xE0] =	vst v0  }
0x31: {  	[tilespmem:s0+$0xF0] =	vst v0  }
0x32: {  	[tilespmem:s0+$0x480] =	vst v0  }
0x33: {  	[tilespmem:s0+$0x490] =	vst v0  }
0x34: {  	[tilespmem:s0+$0x4A0] =	vst v0  }
0x35: {  	[tilespmem:s0+$0x4B0] =	vst v0  }
0x36: {  	s2 =	simm.s32 $0x400;
	s3 =	simm.s32 $0x100;
	s1 =	simm.s32 $0x0;
	[tilespmem:s0+$0x4C0] =	vst v0  }
.LBB2_2:
0x37: {  	s4 =	sand.u32 $0x7000, s2;
	s5 =	sand.u32 $0x300, s3;
	s1 =	sadd.s32 $0x2, s1;
	[tilespmem:s0+$0x4D0] =	vst v0  }
0x38: {  	s4 =	sor.u32 s5, s4;
	p0 =	slt.u32 s1, $0x3E;
	[tilespmem:s0+$0x4E0] =	vst v0  }
0x39: {  	s0 =	sadd.s32 $0x14C00, s4;
	[tilespmem:s4+$0x14C00] =	vst v0  }
0x3a: {  	[tilespmem:s0+$0x4F0] =	vst v0  }
0x3b: {  	[tilespmem:s0+$0x10] =	vst v0  }
0x3c: {  	[tilespmem:s0+$0x20] =	vst v0  }
0x3d: {  	[tilespmem:s0+$0x30] =	vst v0  }
0x3e: {  	[tilespmem:s0+$0x40] =	vst v0  }
0x3f: {  	[tilespmem:s0+$0x50] =	vst v0  }
0x40: {  	[tilespmem:s0+$0x60] =	vst v0  }
0x41: {  	[tilespmem:s0+$0x70] =	vst v0  }
0x42: {  	[tilespmem:s0+$0x400] =	vst v0  }
0x43: {  	[tilespmem:s0+$0x410] =	vst v0  }
0x44: {  	[tilespmem:s0+$0x420] =	vst v0  }
0x45: {  	[tilespmem:s0+$0x430] =	vst v0  }
0x46: {  	[tilespmem:s0+$0x440] =	vst v0  }
0x47: {  	[tilespmem:s0+$0x450] =	vst v0  }
0x48: {  	[tilespmem:s0+$0x460] =	vst v0  }
0x49: {  	[tilespmem:s0+$0x470] =	vst v0  }
0x4a: {  	[tilespmem:s0+$0x80] =	vst v0  }
0x4b: {  	[tilespmem:s0+$0x90] =	vst v0  }
0x4c: {  	[tilespmem:s0+$0xA0] =	vst v0  }
0x4d: {  	[tilespmem:s0+$0xB0] =	vst v0  }
0x4e: {  	[tilespmem:s0+$0xC0] =	vst v0  }
0x4f: {  	[tilespmem:s0+$0xD0] =	vst v0  }
0x50: {  	[tilespmem:s0+$0xE0] =	vst v0  }
0x51: {  	[tilespmem:s0+$0xF0] =	vst v0  }
.Ltmp0:
0x52: {  	[tilespmem:s0+$0x480] =	vst v0;
	(pc) =	sbr.rel @p0 .LBB2_2-.Ltmp0, $4  }
0x53: {  	[tilespmem:s0+$0x490] =	vst v0  }
0x54: {  	[tilespmem:s0+$0x4A0] =	vst v0  }
0x55: {  	[tilespmem:s0+$0x4B0] =	vst v0  }
0x56: {  	s2 =	sadd.s32 $0x400, s2;
	s3 =	sadd.s32 $0x100, s3;
	[tilespmem:s0+$0x4C0] =	vst v0  }
0x57: {  	[tilespmem:s0+$0x4D0] =	vst v0  }
0x58: {  	[tilespmem:s0+$0x4E0] =	vst v0  }
0x59: {  	s1 =	simm.s32 $0x0;
	s0 =	rddreg [dreg:$0x1a]  }
0x5a: {  	[tilespmem:s1], [sflag:$0x1] =	stream.linear.gather [hbm4b:s0+s1], $0x8800, $0x38;
	[tilespmem:$0x1CC00] =	vst v63  }
.LBB2_4:
0x5b: {  	s0 =	simm.s32 $0x1  }
0x5c: {  	s26 =	smul.u32 $0x20100, s1;
	_ =	swait.ge [sflag:s0], $0x8800  }
0x5d: {  	[sflag:s0] =	ssyncset.done $0x0;
	s31 =	rddreg [dreg:$0x1b]  }
0x5e: {  	p0 =	seq.s32 s1, $0x0;
	[sflag:s0] =	ssyncadd.s32 $0xFFFF7800;
	s0 =	sadd.s32 s26, s31  }
0x5f: {  	[tilespmem:s15], [sflag:$0x2] =	stream.linear.gather [hbm4b:s0+s7], $0x4400, $0x38;
	[tilespmem:$0x1CC00] =	vst v63  }
0x60: {  	[dreg:$0x1f] =	wrdreg s1;
	s0 =	simm.s32 @!p0 $0x3  }
0x61: {  	_ =	swait.ge @!p0 [sflag:s0], $0x8000  }
0x62: {  	[sflag:s0] =	ssyncset.done @!p0 $0x0  }
0x63: {  	s25 =	simm.s32 $0xFFFFFFFC;
	[sflag:s0] =	ssyncadd.s32 @!p0 $0xFFFF8000  }
.LBB2_5:
0x64: {  	s25 =	sadd.s32 $0x4, s25  }
0x65: {  	s0 =	sand.u32 $0x4, s25  }
0x66: {  	s2 =	sor.u32 s24, s0  }
0x67: {  	s5 =	sshrl.u32 s25, $0x3;
	s1 =	sadd.s32 $0xFFFFFFFF, s2  }
0x68: {  	v2 =	vmov s5;
	v13 =	vmov s2;
	s1 =	smul.u32 s2, s1  }
0x69: {  	v2 =	vshll.u32 v2, $0x7;
	v13 =	vsub.s32 v1, v13  }
0x6a: {  	v0 =	vimm.s32 $0x0;
	s3 =	sadd.s32 s10, s2;
	v2 =	vand.u32 $0x380, v2;
	vm0 =	vgt.s32 v13, $0xFFFFFF4F;
	s1 =	sshra.s32 s1, $0x1  }
0x6b: {  	s4 =	sshll.u32 s2, $0x9;
	v2 =	vbroadcast v2, $0x0;
	v0 =	vsel vm0, $0xFFFFFFFF, v0;
	s1 =	sadd.s32 s1, s3  }
0x6c: {  	s31 =	rddreg [dreg:$0x16];
	vm12 =	vgt.s32 v13, $0xFFFFFFFF;
	vm14 =	vgt.s32 v13, $0xFFFFFF3F;
	[tilespmem:$0x1FF90] =	vst v0;
	v0 =	vimm.s32 $0x0;
	s4 =	ssub.s32 s4, s1;
	s1 =	sor.u32 $0x1, s0  }
0x6d: {  	vm11 =	vgt.s32 v13, $0xFFFFFFEF;
	vm8 =	vgt.s32 v13, $0xFFFFFFDF;
	v0 =	vsel vm14, $0xFFFFFFFF, v0;
	s6 =	sadd.s32 $0x10, s4;
	s7 =	sadd.s32 $0x20, s4;
	s8 =	sadd.s32 $0x30, s4  }
0x6e: {  	s9 =	sadd.s32 $0x40, s4;
	s10 =	sadd.s32 $0x50, s4;
	s11 =	sadd.s32 $0x60, s4;
	v8 =	vadd.s32 s4, v1;
	v40 =	vadd.s32 s6, v1;
	v31 =	vadd.s32 s7, v1  }
0x6f: {  	s12 =	sadd.s32 $0x70, s4;
	s13 =	sadd.s32 $0x80, s4;
	s14 =	sadd.s32 $0x90, s4;
	v38 =	vadd.s32 s8, v1;
	v35 =	vadd.s32 s9, v1;
	v28 =	vadd.s32 s10, v1  }
0x70: {  	s16 =	sadd.s32 $0xA0, s4;
	s17 =	sadd.s32 $0xB0, s4;
	s18 =	sadd.s32 $0xC0, s4;
	v33 =	vadd.s32 s11, v1;
	v45 =	vadd.s32 s12, v1;
	v34 =	vadd.s32 s13, v1  }
0x71: {  	s19 =	sadd.s32 $0xD0, s4;
	s20 =	sadd.s32 $0xE0, s4;
	s21 =	sadd.s32 $0xF0, s4;
	v41 =	vadd.s32 s14, v1;
	v39 =	vadd.s32 s16, v1;
	v29 =	vadd.s32 s17, v1  }
0x72: {  	s22 =	sadd.s32 $0x100, s4;
	s23 =	sadd.s32 $0x110, s4;
	s24 =	sadd.s32 $0x120, s4;
	v37 =	vadd.s32 s18, v1;
	v24 =	vadd.s32 s19, v1;
	v27 =	vadd.s32 s20, v1  }
0x73: {  	s29 =	sadd.s32 $0x130, s4;
	s30 =	sadd.s32 $0x140, s4;
	s3 =	sor.u32 s31, s1;
	v23 =	vadd.s32 s21, v1;
	v20 =	vadd.s32 s22, v1;
	v21 =	vadd.s32 s23, v1  }
0x74: {  	s5 =	sadd.s32 $0x150, s4;
	s31 =	sadd.s32 $0x160, s4;
	s2 =	sadd.s32 $0x170, s4;
	v60 =	vadd.s32 s24, v1;
	v18 =	vadd.s32 s29, v1;
	v19 =	vadd.s32 s30, v1  }
0x75: {  	s7 =	sadd.s32 $0x180, s4;
	v17 =	vadd.s32 s5, v1;
	v14 =	vadd.s32 s31, v1;
	v16 =	vadd.s32 s2, v1  }
0x76: {  	s8 =	sadd.s32 $0x190, s4;
	s9 =	sadd.s32 $0x1A0, s4;
	s10 =	sadd.s32 $0x1B0, s4;
	v42 =	vand.u32 $0x7F, v8;
	v8 =	vshll.u32 v8, $0x3;
	v15 =	vadd.s32 s7, v1  }
0x77: {  	s28 =	sadd.s32 $0xFFFFFFFF, s3;
	s11 =	sadd.s32 $0x1C0, s4;
	s14 =	sadd.s32 $0x1E0, s4;
	v11 =	vadd.s32 s8, v1;
	v9 =	vadd.s32 s9, v1;
	v7 =	vadd.s32 s10, v1  }
0x78: {  	s13 =	rddreg [dreg:$0x19];
	s28 =	smul.u32 s3, s28;
	v5 =	vadd.s32 s11, v1;
	v4 =	vadd.s32 s14, v1;
	v61 =	vand.u32 $0xFFFFFC00, v8  }
0x79: {  	s12 =	sadd.s32 s13, s3;
	s13 =	sadd.s32 $0x1D0, s4;
	s4 =	sadd.s32 $0x1F0, s4;
	v62 =	vshll.u32 v31, $0x3;
	v31 =	vand.u32 $0x7F, v31;
	v63 =	vshll.u32 v21, $0x3  }
0x7a: {  	v21 =	vand.u32 $0x7F, v21;
	v6 =	vadd.s32 s13, v1;
	v3 =	vadd.s32 s4, v1  }
0x7b: {  	v42 =	vor.u32 v61, v42;
	v61 =	vshll.u32 v40, $0x3;
	v40 =	vand.u32 $0x7F, v40;
	s6 =	sshrl.u32 s28, $0x1  }
0x7c: {  	v63 =	vand.u32 $0xFFFFFC00, v63;
	s28 =	sshll.u32 s3, $0x9;
	v42 =	vor.u32 v2, v42;
	v61 =	vand.u32 $0xFFFFFC00, v61;
	s6 =	sadd.s32 s6, s12  }
0x7d: {  	v40 =	vor.u32 v61, v40;
	v61 =	vand.u32 $0xFFFFFC00, v62;
	v62 =	vshll.u32 v35, $0x3;
	s28 =	ssub.s32 s28, s6  }
0x7e: {  	v35 =	vand.u32 $0x7F, v35;
	v31 =	vor.u32 v61, v31;
	v61 =	vshll.u32 v38, $0x3;
	s12 =	sadd.s32 $0x10, s28  }
0x7f: {  	v38 =	vand.u32 $0x7F, v38;
	s16 =	sadd.s32 $0x20, s28;
	s17 =	sadd.s32 $0x30, s28;
	s18 =	sadd.s32 $0x40, s28;
	v61 =	vand.u32 $0xFFFFFC00, v61;
	v59 =	vadd.s32 s12, v1  }
0x80: {  	s19 =	sadd.s32 $0x50, s28;
	s29 =	sadd.s32 $0x60, s28;
	s20 =	sadd.s32 $0x70, s28;
	v58 =	vadd.s32 s16, v1;
	v56 =	vadd.s32 s17, v1;
	v57 =	vadd.s32 s18, v1  }
0x81: {  	s21 =	sadd.s32 $0x80, s28;
	s22 =	sadd.s32 $0x90, s28;
	s7 =	sadd.s32 $0xA0, s28;
	v55 =	vadd.s32 s19, v1;
	v53 =	vadd.s32 s29, v1;
	v54 =	vadd.s32 s20, v1  }
0x82: {  	s8 =	sadd.s32 $0xB0, s28;
	s23 =	sadd.s32 $0xC0, s28;
	s11 =	sadd.s32 $0xD0, s28;
	v52 =	vadd.s32 s21, v1;
	v50 =	vadd.s32 s22, v1;
	v51 =	vadd.s32 s7, v1  }
0x83: {  	s30 =	sadd.s32 $0xE0, s28;
	s31 =	sadd.s32 $0xF0, s28;
	s13 =	sadd.s32 $0x100, s28;
	v49 =	vadd.s32 s8, v1;
	v47 =	vadd.s32 s23, v1;
	v48 =	vadd.s32 s11, v1  }
0x84: {  	s14 =	sadd.s32 $0x110, s28;
	v46 =	vadd.s32 s30, v1;
	v43 =	vadd.s32 s31, v1;
	v44 =	vadd.s32 s13, v1  }
0x85: {  	v32 =	vadd.s32 s14, v1;
	v38 =	vor.u32 v61, v38;
	v61 =	vand.u32 $0xFFFFFC00, v62  }
0x86: {  	s29 =	sadd.s32 $0x120, s28;
	v62 =	vshll.u32 v33, $0x3;
	v35 =	vor.u32 v61, v35;
	v61 =	vshll.u32 v28, $0x3  }
0x87: {  	s24 =	rddreg [dreg:$0x16];
	s2 =	sor.u32 $0x2, s0;
	v25 =	vadd.s32 s29, v1;
	v28 =	vand.u32 $0x7F, v28;
	v61 =	vand.u32 $0xFFFFFC00, v61  }
0x88: {  	s4 =	sor.u32 s24, s2;
	s17 =	sadd.s32 $0x130, s28;
	s18 =	sadd.s32 $0x140, s28;
	v62 =	vand.u32 $0xFFFFFC00, v62;
	v28 =	vor.u32 v61, v28;
	v61 =	vand.u32 $0x7F, v33  }
0x89: {  	s5 =	sor.u32 $0x3, s0;
	s16 =	sadd.s32 $0xFFFFFFFF, s4;
	v30 =	vadd.s32 s17, v1;
	v26 =	vadd.s32 s18, v1;
	v61 =	vor.u32 v62, v61  }
0x8a: {  	s6 =	sor.u32 s24, s5;
	s19 =	smul.u32 s4, s16;
	v33 =	vor.u32 v2, v28;
	v28 =	vor.u32 v2, v61;
	v61 =	vshll.u32 v45, $0x3  }
0x8b: {  	s20 =	sadd.s32 $0xFFFFFFFF, s6;
	s22 =	rddreg [dreg:$0x19];
	s30 =	sadd.s32 $0x150, s28;
	v62 =	vshll.u32 v34, $0x3;
	v45 =	vand.u32 $0x7F, v45;
	v61 =	vand.u32 $0xFFFFFC00, v61  }
0x8c: {  	s8 =	sadd.s32 s22, s4;
	s23 =	smul.u32 s6, s20;
	s21 =	sshrl.u32 s19, $0x1;
	v34 =	vand.u32 $0x7F, v34;
	v45 =	vor.u32 v61, v45;
	v61 =	vand.u32 $0xFFFFFC00, v62  }
0x8d: {  	s10 =	rddreg [dreg:$0x19];
	s31 =	sshll.u32 s4, $0x9;
	v22 =	vadd.s32 s30, v1;
	s7 =	sadd.s32 s21, s8;
	v34 =	vor.u32 v61, v34;
	v61 =	vshll.u32 v41, $0x3  }
0x8e: {  	s12 =	sadd.s32 s10, s6;
	s11 =	sshrl.u32 s23, $0x1;
	s29 =	ssub.s32 s31, s7;
	v62 =	vshll.u32 v39, $0x3;
	v41 =	vand.u32 $0x7F, v41;
	v61 =	vand.u32 $0xFFFFFC00, v61  }
0x8f: {  	s14 =	sshll.u32 s6, $0x9;
	s7 =	sadd.s32 s11, s12;
	s13 =	sadd.s32 $0x10, s29;
	v39 =	vand.u32 $0x7F, v39;
	v41 =	vor.u32 v61, v41;
	v61 =	vand.u32 $0xFFFFFC00, v62  }
0x90: {  	s30 =	ssub.s32 s14, s7;
	s16 =	sadd.s32 $0x20, s29;
	v12 =	vadd.s32 s13, v1;
	v39 =	vor.u32 v61, v39;
	v61 =	vshll.u32 v29, $0x3  }
0x91: {  	v36 =	vadd.s32 s16, v1;
	s17 =	sadd.s32 $0x10, s30;
	v29 =	vand.u32 $0x7F, v29;
	v61 =	vand.u32 $0xFFFFFC00, v61  }
0x92: {  	v10 =	vadd.s32 s17, v1;
	v62 =	vshll.u32 v37, $0x3;
	v29 =	vor.u32 v61, v29  }
0x93: {  	v62 =	vand.u32 $0xFFFFFC00, v62;
	v61 =	vand.u32 $0x7F, v37;
	v37 =	vor.u32 v2, v29  }
0x94: {  	v62 =	vor.u32 v62, v61;
	v61 =	vshll.u32 v24, $0x3;
	v24 =	vand.u32 $0x7F, v24  }
0x95: {  	v29 =	vor.u32 v2, v62;
	v61 =	vand.u32 $0xFFFFFC00, v61;
	v62 =	vshll.u32 v27, $0x3  }
0x96: {  	s18 =	sadd.s32 $0x20, s30;
	v24 =	vor.u32 v61, v24;
	v61 =	vand.u32 $0x7F, v27;
	v62 =	vand.u32 $0xFFFFFC00, v62  }
0x97: {  	v8 =	vadd.s32 s18, v1;
	v27 =	vor.u32 v2, v24;
	v24 =	vor.u32 v62, v61  }
0x98: {  	v61 =	vshll.u32 v23, $0x3;
	v62 =	vand.u32 $0x7F, v20;
	v20 =	vshll.u32 v20, $0x3  }
0x99: {  	v23 =	vand.u32 $0x7F, v23;
	v61 =	vand.u32 $0xFFFFFC00, v61;
	v20 =	vand.u32 $0xFFFFFC00, v20  }
0x9a: {  	v23 =	vor.u32 v61, v23;
	v20 =	vor.u32 v20, v62;
	v61 =	vor.u32 v63, v21  }
0x9b: {  	v62 =	vshll.u32 v18, $0x3;
	v18 =	vand.u32 $0x7F, v18;
	v21 =	vor.u32 v2, v20  }
0x9c: {  	v20 =	vor.u32 v2, v61;
	v61 =	vand.u32 $0x7F, v60;
	v60 =	vshll.u32 v60, $0x3  }
0x9d: {  	v63 =	vshll.u32 v16, $0x3;
	v16 =	vand.u32 $0x7F, v16;
	v60 =	vand.u32 $0xFFFFFC00, v60  }
0x9e: {  	v62 =	vand.u32 $0xFFFFFC00, v62;
	v60 =	vor.u32 v60, v61;
	v61 =	vshll.u32 v19, $0x3  }
0x9f: {  	v18 =	vor.u32 v62, v18;
	v19 =	vand.u32 $0x7F, v19;
	v61 =	vand.u32 $0xFFFFFC00, v61  }
0xa0: {  	v62 =	vshll.u32 v17, $0x3;
	v17 =	vand.u32 $0x7F, v17;
	v19 =	vor.u32 v61, v19  }
0xa1: {  	v61 =	vand.u32 $0xFFFFFC00, v62;
	v62 =	vand.u32 $0x7F, v14;
	v14 =	vshll.u32 v14, $0x3  }
0xa2: {  	v63 =	vand.u32 $0xFFFFFC00, v63;
	v14 =	vand.u32 $0xFFFFFC00, v14;
	v17 =	vor.u32 v61, v17  }
0xa3: {  	v61 =	vor.u32 v14, v62;
	v14 =	vor.u32 v63, v16;
	v16 =	vand.u32 $0x7F, v15  }
0xa4: {  	v15 =	vshll.u32 v15, $0x3;
	v62 =	vshll.u32 v11, $0x3;
	v11 =	vand.u32 $0x7F, v11  }
0xa5: {  	v63 =	vshll.u32 v9, $0x3;
	v15 =	vand.u32 $0xFFFFFC00, v15;
	v62 =	vand.u32 $0xFFFFFC00, v62  }
0xa6: {  	v9 =	vand.u32 $0x7F, v9;
	v15 =	vor.u32 v15, v16;
	v11 =	vor.u32 v62, v11  }
0xa7: {  	v16 =	vand.u32 $0xFFFFFC00, v63;
	v62 =	vshll.u32 v7, $0x3;
	v7 =	vand.u32 $0x7F, v7  }
0xa8: {  	v63 =	vshll.u32 v6, $0x3;
	v6 =	vand.u32 $0x7F, v6;
	v9 =	vor.u32 v16, v9  }
0xa9: {  	v16 =	vand.u32 $0xFFFFFC00, v62;
	v62 =	vand.u32 $0x7F, v5;
	v5 =	vshll.u32 v5, $0x3  }
0xaa: {  	v63 =	vand.u32 $0xFFFFFC00, v63;
	v5 =	vand.u32 $0xFFFFFC00, v5;
	v16 =	vor.u32 v16, v7  }
0xab: {  	[tilespmem:$0x1FFA0] =	vst v0;
	v0 =	vor.u32 v63, v6;
	v6 =	vand.u32 $0x7F, v4;
	v4 =	vshll.u32 v4, $0x3  }
0xac: {  	v63 =	vshll.u32 v59, $0x3;
	v59 =	vand.u32 $0x7F, v59;
	v7 =	vor.u32 v5, v62  }
0xad: {  	v62 =	vshll.u32 v3, $0x3;
	v4 =	vand.u32 $0xFFFFFC00, v4;
	v3 =	vand.u32 $0x7F, v3  }
0xae: {  	v63 =	vand.u32 $0xFFFFFC00, v63;
	v5 =	vshll.u32 v56, $0x3;
	v56 =	vand.u32 $0x7F, v56  }
0xaf: {  	[tilespmem:$0x1FFD0] =	vst v0;
	v62 =	vand.u32 $0xFFFFFC00, v62;
	v0 =	vor.u32 v4, v6;
	v6 =	vadd.s32 s28, v1  }
0xb0: {  	v59 =	vor.u32 v63, v59;
	v4 =	vshll.u32 v58, $0x3;
	v58 =	vand.u32 $0x7F, v58  }
0xb1: {  	[tilespmem:$0x1FFE0] =	vst v0;
	v0 =	vor.u32 v62, v3;
	v62 =	vand.u32 $0x7F, v6;
	v6 =	vshll.u32 v6, $0x3  }
0xb2: {  	v63 =	vshll.u32 v52, $0x3;
	v52 =	vand.u32 $0x7F, v52;
	v6 =	vand.u32 $0xFFFFFC00, v6  }
0xb3: {  	[tilespmem:$0x1FFF0] =	vst v0;
	v0 =	vshll.u32 v55, $0x3;
	v55 =	vand.u32 $0x7F, v55;
	v6 =	vor.u32 v6, v62  }
0xb4: {  	v62 =	vand.u32 $0xFFFFFC00, v4;
	v4 =	vand.u32 $0xFFFFFC00, v5;
	v5 =	vand.u32 $0x7F, v57  }
0xb5: {  	v57 =	vshll.u32 v57, $0x3;
	v0 =	vand.u32 $0xFFFFFC00, v0;
	v58 =	vor.u32 v62, v58  }
0xb6: {  	v57 =	vand.u32 $0xFFFFFC00, v57;
	v56 =	vor.u32 v4, v56;
	v4 =	vshll.u32 v54, $0x3  }
0xb7: {  	v54 =	vand.u32 $0x7F, v54;
	v6 =	vor.u32 v2, v6;
	v57 =	vor.u32 v57, v5  }
0xb8: {  	v5 =	vor.u32 v0, v55;
	v55 =	vand.u32 $0x7F, v53;
	v53 =	vshll.u32 v53, $0x3  }
0xb9: {  	v62 =	vand.u32 $0xFFFFFC00, v4;
	v4 =	vshll.u32 v50, $0x3;
	v50 =	vand.u32 $0x7F, v50  }
0xba: {  	v53 =	vand.u32 $0xFFFFFC00, v53;
	v54 =	vor.u32 v62, v54;
	v62 =	vand.u32 $0x7F, v51  }
0xbb: {  	v51 =	vshll.u32 v51, $0x3;
	v53 =	vor.u32 v53, v55;
	v55 =	vand.u32 $0xFFFFFC00, v63  }
0xbc: {  	v51 =	vand.u32 $0xFFFFFC00, v51;
	v52 =	vor.u32 v55, v52;
	v55 =	vand.u32 $0xFFFFFC00, v4  }
0xbd: {  	v4 =	vshll.u32 v49, $0x3;
	v49 =	vand.u32 $0x7F, v49;
	v51 =	vor.u32 v51, v62  }
0xbe: {  	v63 =	vand.u32 $0xFFFFFC00, v4;
	v50 =	vor.u32 v55, v50;
	v55 =	vand.u32 $0x7F, v47  }
0xbf: {  	v47 =	vshll.u32 v47, $0x3;
	v4 =	vshll.u32 v48, $0x3;
	v48 =	vand.u32 $0x7F, v48  }
0xc0: {  	v49 =	vor.u32 v63, v49;
	v47 =	vand.u32 $0xFFFFFC00, v47;
	v62 =	vand.u32 $0xFFFFFC00, v4  }
0xc1: {  	v63 =	vshll.u32 v46, $0x3;
	v46 =	vand.u32 $0x7F, v46;
	v4 =	vshll.u32 v43, $0x3  }
0xc2: {  	v43 =	vand.u32 $0x7F, v43;
	v47 =	vor.u32 v47, v55;
	v48 =	vor.u32 v62, v48  }
0xc3: {  	v55 =	vand.u32 $0xFFFFFC00, v63;
	v62 =	vand.u32 $0x7F, v44;
	v44 =	vshll.u32 v44, $0x3  }
0xc4: {  	v46 =	vor.u32 v55, v46;
	v55 =	vand.u32 $0xFFFFFC00, v4;
	v4 =	vshll.u32 v32, $0x3  }
0xc5: {  	v44 =	vand.u32 $0xFFFFFC00, v44;
	v32 =	vand.u32 $0x7F, v32;
	v63 =	vand.u32 $0xFFFFFC00, v4  }
0xc6: {  	v43 =	vor.u32 v55, v43;
	v44 =	vor.u32 v44, v62;
	v55 =	vand.u32 $0x7F, v25  }
0xc7: {  	v25 =	vshll.u32 v25, $0x3;
	v62 =	vshll.u32 v30, $0x3;
	v4 =	vand.u32 $0x7F, v30  }
0xc8: {  	v32 =	vor.u32 v63, v32;
	v25 =	vand.u32 $0xFFFFFC00, v25;
	v62 =	vand.u32 $0xFFFFFC00, v62  }
0xc9: {  	v63 =	vshll.u32 v26, $0x3;
	v26 =	vand.u32 $0x7F, v26;
	v30 =	vor.u32 v25, v55  }
0xca: {  	v25 =	vor.u32 v62, v4;
	v55 =	vand.u32 $0xFFFFFC00, v63;
	v62 =	vadd.s32 s29, v1  }
0xcb: {  	v4 =	vand.u32 $0x7F, v22;
	v22 =	vshll.u32 v22, $0x3;
	v0 =	vshll.u32 v62, $0x3  }
0xcc: {  	v22 =	vand.u32 $0xFFFFFC00, v22;
	v62 =	vand.u32 $0x7F, v62;
	v26 =	vor.u32 v55, v26  }
0xcd: {  	v55 =	vand.u32 $0x7F, v12;
	v12 =	vshll.u32 v12, $0x3;
	v0 =	vand.u32 $0xFFFFFC00, v0  }
0xce: {  	v22 =	vor.u32 v22, v4;
	v4 =	vshll.u32 v36, $0x3;
	v12 =	vand.u32 $0xFFFFFC00, v12  }
0xcf: {  	v36 =	vand.u32 $0x7F, v36;
	v0 =	vor.u32 v0, v62;
	v62 =	vand.u32 $0xFFFFFC00, v4  }
0xd0: {  	v63 =	vor.u32 v12, v55;
	v55 =	vadd.s32 s30, v1;
	v4 =	vshll.u32 v10, $0x3  }
0xd1: {  	v10 =	vand.u32 $0x7F, v10;
	v62 =	vor.u32 v62, v36;
	v36 =	vand.u32 $0x7F, v55  }
0xd2: {  	v12 =	vshll.u32 v55, $0x3;
	v55 =	vand.u32 $0xFFFFFC00, v4;
	v4 =	vmov s3  }
0xd3: {  	v12 =	vand.u32 $0xFFFFFC00, v12;
	v55 =	vor.u32 v55, v10;
	v10 =	vshll.u32 v8, $0x3  }
0xd4: {  	v8 =	vand.u32 $0x7F, v8;
	v36 =	vor.u32 v12, v36;
	v12 =	vsub.s32 v1, v4  }
0xd5: {  	v10 =	vand.u32 $0xFFFFFC00, v10;
	v4 =	vmov s4;
	vm15 =	vgt.s32 v12, $0xFFFFFFFF  }
0xd6: {  	v3 =	vor.u32 v10, v8;
	v10 =	vsub.s32 v1, v4;
	v8 =	vmov s6  }
0xd7: {  	vm9 =	vgt.s32 v13, $0xFFFFFFCF;
	vm0 =	vgt.s32 v10, $0xFFFFFFFF;
	v8 =	vsub.s32 v1, v8  }
0xd8: {  	vm10 =	vgt.s32 v13, $0xFFFFFFBF;
	s7 =	simm.s32 $0x0;
	v0 =	vor.u32 v2, v0;
	vm1 =	vgt.s32 v8, $0xFFFFFFFF  }
0xd9: {  	vm7 =	vgt.s32 v13, $0xFFFFFFAF;
	vm6 =	vgt.s32 v13, $0xFFFFFF9F;
	v42 =	vld.idx.msk [tilespmem:v42+s7+$0x0], vm12;
	v36 =	vor.u32 v2, v36  }
0xda: {  	vm5 =	vgt.s32 v13, $0xFFFFFF8F;
	vm4 =	vgt.s32 v13, $0xFFFFFF7F;
	v40 =	vor.u32 v2, v40;
	s19 =	sshll.u32 s25, $0x9  }
0xdb: {  	vm3 =	vgt.s32 v13, $0xFFFFFF6F;
	vm2 =	vgt.s32 v13, $0xFFFFFF5F;
	s3 =	sand.u32 $0x3FFFF000, s19;
	vm14 =	vgt.s32 v12, $0xFFFFFFEF;
	v6 =	vld.idx.msk [tilespmem:v6+s7+$0x0], vm15  }
0xdc: {  	s0 =	sshll.u32 s0, $0x7;
	v31 =	vor.u32 v2, v31;
	v59 =	vor.u32 v2, v59;
	v58 =	vor.u32 v2, v58;
	s3 =	sadd.s32 $0xCC00, s3  }
0xdd: {  	v63 =	vor.u32 v2, v63;
	s31 =	sor.u32 s0, s3;
	v4 =	vor.u32 v2, v56;
	v0 =	vld.idx.msk [tilespmem:v0+s7+$0x0], vm0;
	vm0 =	vgt.s32 v10, $0xFFFFFFEF  }
0xde: {  	s20 =	sshll.u32 s1, $0x7;
	v56 =	vor.u32 v2, v5;
	v5 =	vor.u32 v2, v53;
	[tilespmem:s31+$0x0] =	vst v42;
	vm15 =	vgt.s32 v8, $0xFFFFFFEF;
	v36 =	vld.idx.msk [tilespmem:v36+s7+$0x0], vm1  }
0xdf: {  	s1 =	sor.u32 s20, s3;
	v53 =	vor.u32 v2, v52;
	v52 =	vor.u32 v2, v50;
	v42 =	vor.u32 v2, v55;
	v40 =	vld.idx.msk [tilespmem:v40+s7+$0x0], vm11  }
0xe0: {  	s22 =	sshll.u32 s2, $0x7;
	s21 =	sadd.s32 $0x160, s28;
	v50 =	vor.u32 v2, v49;
	v49 =	vor.u32 v2, v47;
	v47 =	vor.u32 v2, v46;
	[tilespmem:s1+$0x0] =	vst v6  }
0xe1: {  	s5 =	sshll.u32 s5, $0x7;
	s23 =	sadd.s32 $0x30, s29;
	s0 =	sor.u32 s22, s3;
	v46 =	vor.u32 v2, v43;
	v43 =	vadd.s32 s21, v1;
	vm1 =	vgt.s32 v12, $0xFFFFFFDF;
	v55 =	vld.idx.msk [tilespmem:v59+s7+$0x0], vm14  }
0xe2: {  	s14 =	sor.u32 s5, s3;
	v6 =	vshll.u32 v43, $0x3;
	[tilespmem:s0+$0x0] =	vst v0;
	v0 =	vand.u32 $0x7F, v43;
	v43 =	vadd.s32 s23, v1  }
0xe3: {  	v59 =	vor.u32 v2, v62;
	[tilespmem:s14+$0x0] =	vst v36;
	v36 =	vld.idx.msk [tilespmem:v63+s7+$0x0], vm0;
	vm0 =	vgt.s32 v10, $0xFFFFFFDF;
	v62 =	vshll.u32 v43, $0x3  }
0xe4: {  	[tilespmem:s31+$0x10] =	vst v40;
	vm14 =	vgt.s32 v8, $0xFFFFFFDF;
	v43 =	vand.u32 $0x7F, v43;
	v62 =	vand.u32 $0xFFFFFC00, v62;
	v63 =	vld.idx.msk [tilespmem:v42+s7+$0x0], vm15  }
0xe5: {  	v38 =	vor.u32 v2, v38;
	s9 =	sadd.s32 $0x30, s30;
	v3 =	vor.u32 v2, v3;
	v62 =	vor.u32 v62, v43;
	v43 =	vld.idx.msk [tilespmem:v31+s7+$0x0], vm8  }
0xe6: {  	s8 =	sadd.s32 $0x40, s29;
	v40 =	vadd.s32 s9, v1;
	v6 =	vand.u32 $0xFFFFFC00, v6;
	vm15 =	vgt.s32 v12, $0xFFFFFFCF;
	[tilespmem:s1+$0x10] =	vst v55  }
0xe7: {  	v31 =	vor.u32 v6, v0;
	v6 =	vadd.s32 s8, v1;
	v0 =	vor.u32 v2, v62;
	v55 =	vld.idx.msk [tilespmem:v58+s7+$0x0], vm1  }
0xe8: {  	v62 =	vshll.u32 v40, $0x3;
	v40 =	vand.u32 $0x7F, v40;
	[tilespmem:s0+$0x10] =	vst v36;
	v36 =	vand.u32 $0x7F, v6  }
0xe9: {  	vm1 =	vgt.s32 v10, $0xFFFFFFCF;
	v6 =	vshll.u32 v6, $0x3;
	v58 =	vand.u32 $0xFFFFFC00, v62;
	v59 =	vld.idx.msk [tilespmem:v59+s7+$0x0], vm0;
	[tilespmem:s14+$0x10] =	vst v63  }
0xea: {  	v6 =	vand.u32 $0xFFFFFC00, v6;
	vm0 =	vgt.s32 v8, $0xFFFFFFCF;
	v40 =	vor.u32 v58, v40;
	v3 =	vld.idx.msk [tilespmem:v3+s7+$0x0], vm14;
	[tilespmem:s31+$0x20] =	vst v43  }
0xeb: {  	v35 =	vor.u32 v2, v35;
	s16 =	sadd.s32 $0x40, s30;
	v6 =	vor.u32 v6, v36;
	v36 =	vor.u32 v2, v40;
	v38 =	vld.idx.msk [tilespmem:v38+s7+$0x0], vm9  }
0xec: {  	v45 =	vor.u32 v2, v45;
	v34 =	vor.u32 v2, v34;
	v58 =	vadd.s32 s16, v1;
	[tilespmem:s1+$0x20] =	vst v55  }
0xed: {  	s13 =	sadd.s32 $0x50, s29;
	v57 =	vor.u32 v2, v57;
	vm14 =	vgt.s32 v12, $0xFFFFFFBF;
	v62 =	vshll.u32 v58, $0x3;
	v4 =	vld.idx.msk [tilespmem:v4+s7+$0x0], vm15  }
0xee: {  	v63 =	vand.u32 $0x7F, v58;
	v6 =	vor.u32 v2, v6;
	v55 =	vadd.s32 s13, v1;
	[tilespmem:s0+$0x20] =	vst v59  }
0xef: {  	v62 =	vand.u32 $0xFFFFFC00, v62;
	v59 =	vand.u32 $0x7F, v55;
	vm15 =	vgt.s32 v10, $0xFFFFFFBF;
	v0 =	vld.idx.msk [tilespmem:v0+s7+$0x0], vm1;
	[tilespmem:s14+$0x20] =	vst v3  }
0xf0: {  	v3 =	vshll.u32 v55, $0x3;
	v55 =	vor.u32 v62, v63;
	v36 =	vld.idx.msk [tilespmem:v36+s7+$0x0], vm0;
	vm0 =	vgt.s32 v8, $0xFFFFFFBF;
	[tilespmem:s31+$0x30] =	vst v38  }
0xf1: {  	v41 =	vor.u32 v2, v41;
	s20 =	sadd.s32 $0x50, s30;
	v3 =	vand.u32 $0xFFFFFC00, v3;
	v55 =	vor.u32 v2, v55;
	v58 =	vld.idx.msk [tilespmem:v35+s7+$0x0], vm10  }
0xf2: {  	vm1 =	vgt.s32 v12, $0xFFFFFFAF;
	v3 =	vor.u32 v3, v59;
	v59 =	vadd.s32 s20, v1;
	[tilespmem:s1+$0x30] =	vst v4  }
0xf3: {  	s19 =	sadd.s32 $0x60, s29;
	s23 =	sadd.s32 $0x60, s30;
	v3 =	vor.u32 v2, v3;
	v62 =	vshll.u32 v59, $0x3;
	v63 =	vand.u32 $0x7F, v59;
	v57 =	vld.idx.msk [tilespmem:v57+s7+$0x0], vm14  }
0xf4: {  	v59 =	vadd.s32 s23, v1;
	v4 =	vadd.s32 s19, v1;
	v62 =	vand.u32 $0xFFFFFC00, v62;
	[tilespmem:s0+$0x30] =	vst v0  }
0xf5: {  	v0 =	vand.u32 $0x7F, v4;
	vm14 =	vgt.s32 v10, $0xFFFFFFAF;
	v4 =	vshll.u32 v4, $0x3;
	v6 =	vld.idx.msk [tilespmem:v6+s7+$0x0], vm15;
	[tilespmem:s14+$0x30] =	vst v36  }
0xf6: {  	s22 =	sadd.s32 $0x70, s29;
	v4 =	vand.u32 $0xFFFFFC00, v4;
	vm15 =	vgt.s32 v8, $0xFFFFFFAF;
	v36 =	vor.u32 v62, v63;
	v55 =	vld.idx.msk [tilespmem:v55+s7+$0x0], vm0;
	[tilespmem:s31+$0x40] =	vst v58  }
0xf7: {  	v63 =	vadd.s32 s22, v1;
	v0 =	vor.u32 v4, v0;
	v4 =	vor.u32 v2, v36;
	v36 =	vld.idx.msk [tilespmem:v33+s7+$0x0], vm7  }
0xf8: {  	v62 =	vshll.u32 v63, $0x3;
	vm0 =	vgt.s32 v8, $0xFFFFFF9F;
	vm7 =	vgt.s32 v12, $0xFFFFFF9F;
	[tilespmem:s1+$0x40] =	vst v57  }
0xf9: {  	v57 =	vand.u32 $0x7F, v63;
	v63 =	vshll.u32 v59, $0x3;
	v56 =	vld.idx.msk [tilespmem:v56+s7+$0x0], vm1;
	vm1 =	vgt.s32 v10, $0xFFFFFF9F  }
0xfa: {  	[tilespmem:s0+$0x40] =	vst v6;
	v6 =	vand.u32 $0xFFFFFC00, v62;
	v62 =	vand.u32 $0x7F, v59;
	v58 =	vand.u32 $0xFFFFFC00, v63  }
0xfb: {  	v3 =	vld.idx.msk [tilespmem:v3+s7+$0x0], vm14;
	[tilespmem:s14+$0x40] =	vst v55;
	v55 =	vor.u32 v58, v62;
	vm14 =	vgt.s32 v13, $0xFFFFFECF;
	v62 =	vimm.s32 $0x0  }
0xfc: {  	s3 =	sadd.s32 $0x80, s29;
	v0 =	vor.u32 v2, v0;
	v6 =	vor.u32 v6, v57;
	v4 =	vld.idx.msk [tilespmem:v4+s7+$0x0], vm15;
	[tilespmem:s31+$0x50] =	vst v36;
	v57 =	vsel vm14, $0xFFFFFFFF, v62  }
0xfd: {  	v39 =	vor.u32 v2, v39;
	s6 =	sadd.s32 $0x170, s28;
	v63 =	vadd.s32 s3, v1;
	v55 =	vor.u32 v2, v55;
	[tilespmem:$0x1FFB0] =	vst v57;
	v57 =	vld.idx.msk [tilespmem:v28+s7+$0x0], vm6  }
0xfe: {  	v54 =	vor.u32 v2, v54;
	s5 =	sadd.s32 $0x70, s30;
	v42 =	vadd.s32 s6, v1;
	v58 =	vand.u32 $0x7F, v63  }
0xff: {  	v6 =	vor.u32 v2, v6;
	v36 =	vshll.u32 v63, $0x3;
	v63 =	vadd.s32 s5, v1;
	[tilespmem:s1+$0x50] =	vst v56  }
0x100: {  	vm14 =	vgt.s32 v10, $0xFFFFFF8F;
	vm6 =	vgt.s32 v12, $0xFFFFFF8F;
	v62 =	vshll.u32 v63, $0x3;
	v5 =	vld.idx.msk [tilespmem:v5+s7+$0x0], vm7;
	[tilespmem:s0+$0x50] =	vst v3  }
0x101: {  	s6 =	sadd.s32 $0x90, s29;
	v63 =	vand.u32 $0x7F, v63;
	v3 =	vand.u32 $0xFFFFFC00, v36;
	v36 =	vand.u32 $0xFFFFFC00, v62;
	v0 =	vld.idx.msk [tilespmem:v0+s7+$0x0], vm1;
	[tilespmem:s14+$0x50] =	vst v4  }
0x102: {  	vm15 =	vgt.s32 v8, $0xFFFFFF8F;
	v56 =	vadd.s32 s6, v1;
	v4 =	vor.u32 v36, v63;
	v55 =	vld.idx.msk [tilespmem:v55+s7+$0x0], vm0;
	[tilespmem:s31+$0x60] =	vst v57  }
0x103: {  	s17 =	sadd.s32 $0x1A0, s28;
	v51 =	vor.u32 v2, v51;
	v62 =	vshll.u32 v56, $0x3;
	v4 =	vor.u32 v2, v4;
	v45 =	vld.idx.msk [tilespmem:v45+s7+$0x0], vm5  }
0x104: {  	s18 =	sadd.s32 $0x1B0, s28;
	s8 =	sadd.s32 $0x80, s30;
	v38 =	vadd.s32 s17, v1;
	v56 =	vand.u32 $0x7F, v56;
	v36 =	vand.u32 $0xFFFFFC00, v62  }
0x105: {  	v35 =	vadd.s32 s18, v1;
	[tilespmem:s1+$0x60] =	vst v5;
	v5 =	vor.u32 v36, v56;
	v36 =	vadd.s32 s8, v1  }
0x106: {  	v3 =	vor.u32 v3, v58;
	vm1 =	vgt.s32 v12, $0xFFFFFF7F;
	v54 =	vld.idx.msk [tilespmem:v54+s7+$0x0], vm6;
	[tilespmem:s0+$0x60] =	vst v0;
	v62 =	vshll.u32 v36, $0x3  }
0x107: {  	vm5 =	vgt.s32 v10, $0xFFFFFF7F;
	v36 =	vand.u32 $0x7F, v36;
	v6 =	vld.idx.msk [tilespmem:v6+s7+$0x0], vm14;
	[tilespmem:s14+$0x60] =	vst v55;
	v59 =	vand.u32 $0xFFFFFC00, v62  }
0x108: {  	v3 =	vor.u32 v2, v3;
	vm0 =	vgt.s32 v8, $0xFFFFFF7F;
	v4 =	vld.idx.msk [tilespmem:v4+s7+$0x0], vm15;
	v36 =	vor.u32 v59, v36;
	[tilespmem:s31+$0x70] =	vst v45  }
0x109: {  	s9 =	sadd.s32 $0xA0, s29;
	s17 =	sadd.s32 $0xA0, s30;
	vm7 =	vgt.s32 v13, $0xFFFFFEBF;
	v63 =	vimm.s32 $0x0;
	v36 =	vor.u32 v2, v36;
	v45 =	vld.idx.msk [tilespmem:v34+s7+$0x0], vm4  }
0x10a: {  	v58 =	vadd.s32 s17, v1;
	v57 =	vsel vm7, $0xFFFFFFFF, v63;
	v0 =	vadd.s32 s9, v1  }
0x10b: {  	s13 =	sadd.s32 $0x90, s30;
	v5 =	vor.u32 v2, v5;
	v63 =	vand.u32 $0x7F, v0;
	v0 =	vshll.u32 v0, $0x3;
	[tilespmem:s1+$0x70] =	vst v54  }
0x10c: {  	v62 =	vadd.s32 s13, v1;
	vm14 =	vgt.s32 v12, $0xFFFFFF6F;
	v0 =	vand.u32 $0xFFFFFC00, v0;
	v53 =	vld.idx.msk [tilespmem:v53+s7+$0x0], vm1;
	[tilespmem:s0+$0x70] =	vst v6  }
0x10d: {  	v0 =	vor.u32 v0, v63;
	v63 =	vshll.u32 v62, $0x3;
	vm1 =	vgt.s32 v10, $0xFFFFFF6F;
	v3 =	vld.idx.msk [tilespmem:v3+s7+$0x0], vm5;
	[tilespmem:s14+$0x70] =	vst v4  }
0x10e: {  	s16 =	sadd.s32 $0xC0, s29;
	v59 =	vand.u32 $0x7F, v62;
	v62 =	vand.u32 $0xFFFFFC00, v63;
	v0 =	vor.u32 v2, v0;
	v36 =	vld.idx.msk [tilespmem:v36+s7+$0x0], vm0;
	[tilespmem:s31+$0x400] =	vst v45  }
0x10f: {  	v63 =	vadd.s32 s16, v1;
	v4 =	vor.u32 v62, v59;
	vm0 =	vgt.s32 v8, $0xFFFFFF6F;
	v41 =	vld.idx.msk [tilespmem:v41+s7+$0x0], vm3  }
0x110: {  	s19 =	sadd.s32 $0xB0, s30;
	[tilespmem:$0x1FFC0] =	vst v57;
	v57 =	vand.u32 $0x7F, v63;
	v59 =	vshll.u32 v58, $0x3;
	v4 =	vor.u32 v2, v4  }
0x111: {  	s18 =	sadd.s32 $0xD0, s29;
	v62 =	vand.u32 $0x7F, v58;
	v58 =	vadd.s32 s19, v1;
	v45 =	vand.u32 $0xFFFFFC00, v59;
	[tilespmem:s1+$0x400] =	vst v53  }
0x112: {  	vm3 =	vgt.s32 v12, $0xFFFFFF5F;
	v52 =	vld.idx.msk [tilespmem:v52+s7+$0x0], vm14;
	[tilespmem:s0+$0x400] =	vst v3;
	v3 =	vshll.u32 v63, $0x3;
	v63 =	vadd.s32 s18, v1  }
0x113: {  	vm14 =	vgt.s32 v10, $0xFFFFFF5F;
	v5 =	vld.idx.msk [tilespmem:v5+s7+$0x0], vm1;
	[tilespmem:s14+$0x400] =	vst v36;
	v36 =	vor.u32 v45, v62;
	v56 =	vshll.u32 v63, $0x3  }
0x114: {  	s12 =	sadd.s32 $0x190, s28;
	v62 =	vshll.u32 v58, $0x3;
	[tilespmem:s31+$0x410] =	vst v41;
	v41 =	vand.u32 $0xFFFFFC00, v56;
	v56 =	vand.u32 $0x7F, v58;
	v58 =	vld [tilespmem:$0x1FF90]  }
0x115: {  	v40 =	vadd.s32 s12, v1;
	s12 =	sadd.s32 $0xB0, s29;
	v4 =	vld.idx.msk [tilespmem:v4+s7+$0x0], vm0  }
0x116: {  	vm13 =	vgt.s32 v13, $0xFFFFFF2F;
	vm15 =	vgt.s32 v8, $0xFFFFFF5F;
	v54 =	vadd.s32 s12, v1  }
0x117: {  	v6 =	vand.u32 $0x7F, v54;
	v3 =	vand.u32 $0xFFFFFC00, v3;
	v36 =	vor.u32 v2, v36;
	v39 =	vld.idx.msk [tilespmem:v39+s7+$0x0], vm2;
	[tilespmem:s1+$0x410] =	vst v52  }
0x118: {  	v54 =	vshll.u32 v54, $0x3;
	v3 =	vor.u32 v3, v57;
	v57 =	vand.u32 $0x7F, v63;
	v51 =	vld.idx.msk [tilespmem:v51+s7+$0x0], vm3;
	[tilespmem:s0+$0x410] =	vst v5  }
0x119: {  	v41 =	vor.u32 v41, v57;
	v57 =	vand.u32 $0xFFFFFC00, v62;
	v0 =	vld.idx.msk [tilespmem:v0+s7+$0x0], vm14;
	vm14 =	vnez.u8 v58  }
0x11a: {  	v54 =	vand.u32 $0xFFFFFC00, v54;
	vm1 =	vgt.s32 v12, $0xFFFFFF4F;
	[tilespmem:s14+$0x410] =	vst v4;
	v4 =	vor.u32 v57, v56;
	v56 =	vld [tilespmem:$0x1FFA0]  }
0x11b: {  	vm12 =	vgt.s32 v13, $0xFFFFFF1F;
	v6 =	vor.u32 v54, v6;
	vm2 =	vgt.s32 v10, $0xFFFFFF4F  }
0x11c: {  	v24 =	vor.u32 v2, v24;
	s20 =	sadd.s32 $0xE0, s29;
	v6 =	vor.u32 v2, v6;
	vm0 =	vgt.s32 v8, $0xFFFFFF4F;
	v36 =	vld.idx.msk [tilespmem:v36+s7+$0x0], vm15  }
0x11d: {  	v23 =	vor.u32 v2, v23;
	v59 =	vadd.s32 s20, v1;
	v4 =	vor.u32 v2, v4  }
0x11e: {  	v18 =	vor.u32 v2, v18;
	s22 =	sadd.s32 $0xC0, s30;
	v63 =	vand.u32 $0x7F, v59;
	v5 =	vshll.u32 v59, $0x3;
	[tilespmem:s31+$0x420] =	vst v39  }
0x11f: {  	v62 =	vadd.s32 s22, v1;
	v5 =	vand.u32 $0xFFFFFC00, v5;
	[tilespmem:s1+$0x420] =	vst v51;
	vm15 =	vnez.u8 v56;
	v37 =	vld.idx.msk [tilespmem:v37+s7+$0x0], vm14  }
0x120: {  	v5 =	vor.u32 v5, v63;
	v63 =	vshll.u32 v62, $0x3;
	v50 =	vld.idx.msk [tilespmem:v50+s7+$0x0], vm1;
	[tilespmem:s0+$0x420] =	vst v0;
	vm14 =	vgt.s32 v12, $0xFFFFFF3F  }
0x121: {  	v54 =	vand.u32 $0x7F, v62;
	v55 =	vand.u32 $0xFFFFFC00, v63;
	vm1 =	vgt.s32 v10, $0xFFFFFF3F;
	v6 =	vld.idx.msk [tilespmem:v6+s7+$0x0], vm2;
	[tilespmem:s14+$0x420] =	vst v36  }
0x122: {  	s21 =	sadd.s32 $0x1C0, s28;
	v3 =	vor.u32 v2, v3;
	v36 =	vor.u32 v55, v54;
	v4 =	vld.idx.msk [tilespmem:v4+s7+$0x0], vm0;
	vm0 =	vgt.s32 v8, $0xFFFFFF3F  }
0x123: {  	v60 =	vor.u32 v2, v60;
	v33 =	vadd.s32 s21, v1;
	s21 =	sadd.s32 $0xF0, s29;
	v36 =	vor.u32 v2, v36  }
0x124: {  	v19 =	vor.u32 v2, v19;
	s3 =	sadd.s32 $0xD0, s30;
	v59 =	vadd.s32 s21, v1;
	v39 =	vor.u32 v2, v41;
	[tilespmem:s31+$0x430] =	vst v37  }
0x125: {  	v41 =	vshll.u32 v59, $0x3;
	v0 =	vand.u32 $0x7F, v59;
	v59 =	vadd.s32 s3, v1;
	[tilespmem:s1+$0x430] =	vst v50;
	v29 =	vld.idx.msk [tilespmem:v29+s7+$0x0], vm15  }
0x126: {  	v48 =	vor.u32 v2, v48;
	v63 =	vshll.u32 v59, $0x3;
	[tilespmem:s0+$0x430] =	vst v6;
	vm15 =	vgt.s32 v12, $0xFFFFFF2F;
	v49 =	vld.idx.msk [tilespmem:v49+s7+$0x0], vm14  }
0x127: {  	vm2 =	vgt.s32 v10, $0xFFFFFF2F;
	v50 =	vand.u32 $0x7F, v59;
	v37 =	vand.u32 $0xFFFFFC00, v63;
	v3 =	vld.idx.msk [tilespmem:v3+s7+$0x0], vm1;
	[tilespmem:s14+$0x430] =	vst v4  }
0x128: {  	v14 =	vor.u32 v2, v14;
	s4 =	sadd.s32 $0x1D0, s28;
	s23 =	sadd.s32 $0x100, s29;
	v4 =	vor.u32 v37, v50;
	v36 =	vld.idx.msk [tilespmem:v36+s7+$0x0], vm0;
	vm0 =	vgt.s32 v8, $0xFFFFFF2F  }
0x129: {  	s5 =	sadd.s32 $0xE0, s30;
	v28 =	vadd.s32 s4, v1;
	s4 =	sadd.s32 $0x110, s29;
	v57 =	vadd.s32 s23, v1;
	v4 =	vor.u32 v2, v4  }
0x12a: {  	v53 =	vadd.s32 s5, v1;
	v62 =	vshll.u32 v57, $0x3;
	v51 =	vadd.s32 s4, v1;
	[tilespmem:s31+$0x440] =	vst v29  }
0x12b: {  	v52 =	vand.u32 $0x7F, v51;
	v6 =	vand.u32 $0xFFFFFC00, v62;
	v29 =	vshll.u32 v51, $0x3;
	[tilespmem:s1+$0x440] =	vst v49  }
0x12c: {  	v62 =	vshll.u32 v53, $0x3;
	[tilespmem:s0+$0x440] =	vst v3;
	v51 =	vand.u32 $0x7F, v53;
	v29 =	vand.u32 $0xFFFFFC00, v29;
	v45 =	vld.idx.msk [tilespmem:v48+s7+$0x0], vm15  }
0x12d: {  	vm15 =	vgt.s32 v10, $0xFFFFFF1F;
	v63 =	vld.idx.msk [tilespmem:v39+s7+$0x0], vm2;
	[tilespmem:s14+$0x440] =	vst v36;
	v3 =	vor.u32 v29, v52;
	v29 =	vand.u32 $0xFFFFFC00, v62  }
0x12e: {  	v5 =	vor.u32 v2, v5;
	v4 =	vld.idx.msk [tilespmem:v4+s7+$0x0], vm0;
	vm0 =	vgt.s32 v8, $0xFFFFFF1F;
	v29 =	vor.u32 v29, v51  }
0x12f: {  	v15 =	vor.u32 v2, v15;
	v11 =	vor.u32 v2, v11;
	v36 =	vor.u32 v2, v29  }
0x130: {  	v9 =	vor.u32 v2, v9;
	v16 =	vor.u32 v2, v16;
	s17 =	sadd.s32 $0xF0, s30;
	v58 =	vand.u32 $0x7F, v57;
	v27 =	vld.idx.msk [tilespmem:v27+s7+$0x0], vm13  }
0x131: {  	v41 =	vand.u32 $0xFFFFFC00, v41;
	v54 =	vadd.s32 s17, v1;
	vm14 =	vgt.s32 v12, $0xFFFFFF1F  }
0x132: {  	v0 =	vor.u32 v41, v0;
	v6 =	vor.u32 v6, v58;
	v58 =	vshll.u32 v54, $0x3;
	[tilespmem:s0+$0x450] =	vst v63  }
0x133: {  	v59 =	vand.u32 $0x7F, v54;
	v37 =	vand.u32 $0xFFFFFC00, v58;
	vm2 =	vgt.s32 v10, $0xFFFFFF0F;
	v5 =	vld.idx.msk [tilespmem:v5+s7+$0x0], vm15;
	[tilespmem:s14+$0x450] =	vst v4  }
0x134: {  	v0 =	vor.u32 v2, v0;
	v4 =	vor.u32 v37, v59;
	v36 =	vld.idx.msk [tilespmem:v36+s7+$0x0], vm0;
	vm0 =	vgt.s32 v8, $0xFFFFFF0F  }
0x135: {  	v7 =	vor.u32 v2, v7;
	v44 =	vor.u32 v2, v44;
	[tilespmem:s31+$0x450] =	vst v27;
	v4 =	vor.u32 v2, v4  }
0x136: {  	v30 =	vor.u32 v2, v30;
	v22 =	vor.u32 v2, v22;
	vm11 =	vgt.s32 v13, $0xFFFFFF0F;
	s21 =	sadd.s32 $0x100, s30;
	[tilespmem:s1+$0x450] =	vst v45;
	v24 =	vld.idx.msk [tilespmem:v24+s7+$0x0], vm12  }
0x137: {  	s11 =	sadd.s32 $0x180, s28;
	vm8 =	vgt.s32 v13, $0xFFFFFEFF;
	vm13 =	vgt.s32 v12, $0xFFFFFF0F;
	v62 =	vadd.s32 s21, v1;
	v57 =	vld.idx.msk [tilespmem:v47+s7+$0x0], vm14  }
0x138: {  	v43 =	vadd.s32 s11, v1;
	vm9 =	vgt.s32 v13, $0xFFFFFEEF;
	v63 =	vshll.u32 v62, $0x3;
	[tilespmem:s0+$0x460] =	vst v5  }
0x139: {  	vm14 =	vgt.s32 v10, $0xFFFFFEFF;
	v37 =	vand.u32 $0x7F, v62;
	v52 =	vand.u32 $0xFFFFFC00, v63;
	v0 =	vld.idx.msk [tilespmem:v0+s7+$0x0], vm2;
	[tilespmem:s14+$0x460] =	vst v36  }
0x13a: {  	v6 =	vor.u32 v2, v6;
	vm15 =	vgt.s32 v8, $0xFFFFFEFF;
	v62 =	vor.u32 v52, v37;
	v4 =	vld.idx.msk [tilespmem:v4+s7+$0x0], vm0  }
0x13b: {  	s11 =	sadd.s32 $0x1E0, s28;
	vm10 =	vgt.s32 v13, $0xFFFFFEDF;
	vm7 =	vgt.s32 v13, $0xFFFFFEAF;
	[tilespmem:s31+$0x460] =	vst v24;
	v5 =	vor.u32 v2, v62  }
0x13c: {  	vm6 =	vgt.s32 v13, $0xFFFFFE8F;
	v34 =	vadd.s32 s11, v1;
	vm4 =	vgt.s32 v13, $0xFFFFFE9F;
	s5 =	sadd.s32 $0x110, s30;
	[tilespmem:s1+$0x460] =	vst v57;
	v47 =	vld.idx.msk [tilespmem:v23+s7+$0x0], vm11  }
0x13d: {  	s6 =	sadd.s32 $0x120, s29;
	vm5 =	vgt.s32 v13, $0xFFFFFE7F;
	v54 =	vadd.s32 s5, v1;
	vm12 =	vgt.s32 v12, $0xFFFFFEFF;
	v57 =	vld.idx.msk [tilespmem:v46+s7+$0x0], vm13  }
0x13e: {  	s8 =	sadd.s32 $0x130, s29;
	vm3 =	vgt.s32 v13, $0xFFFFFE6F;
	v56 =	vadd.s32 s6, v1;
	v63 =	vshll.u32 v54, $0x3;
	[tilespmem:s0+$0x470] =	vst v0  }
0x13f: {  	s6 =	sadd.s32 $0x120, s30;
	v55 =	vadd.s32 s8, v1;
	v41 =	vand.u32 $0x7F, v54;
	v37 =	vand.u32 $0xFFFFFC00, v63;
	v6 =	vld.idx.msk [tilespmem:v6+s7+$0x0], vm14;
	[tilespmem:s14+$0x470] =	vst v4  }
0x140: {  	s9 =	sadd.s32 $0x140, s29;
	v58 =	vadd.s32 s6, v1;
	v36 =	vor.u32 v37, v41;
	vm14 =	vgt.s32 v8, $0xFFFFFEEF;
	v5 =	vld.idx.msk [tilespmem:v5+s7+$0x0], vm15  }
0x141: {  	s13 =	sadd.s32 $0x170, s29;
	s12 =	sadd.s32 $0x160, s29;
	v53 =	vadd.s32 s9, v1;
	[tilespmem:s31+$0x470] =	vst v47;
	v4 =	vor.u32 v2, v32;
	v32 =	vor.u32 v2, v36  }
0x142: {  	s11 =	sadd.s32 $0x150, s29;
	s18 =	sadd.s32 $0x190, s29;
	vm1 =	vgt.s32 v13, $0xFFFFFE5F;
	v49 =	vadd.s32 s12, v1;
	v48 =	vadd.s32 s13, v1;
	[tilespmem:s1+$0x470] =	vst v57;
	v21 =	vld.idx.msk [tilespmem:v21+s7+$0x0], vm8  }
0x143: {  	s19 =	sadd.s32 $0x1A0, s29;
	v39 =	vadd.s32 s18, v1;
	v51 =	vadd.s32 s11, v1;
	vm0 =	vgt.s32 v12, $0xFFFFFEEF;
	v44 =	vld.idx.msk [tilespmem:v44+s7+$0x0], vm12  }
0x144: {  	s16 =	sadd.s32 $0x180, s29;
	s20 =	sadd.s32 $0x1B0, s29;
	s8 =	sadd.s32 $0x130, s30;
	v3 =	vor.u32 v2, v3;
	v29 =	vadd.s32 s19, v1;
	vm2 =	vgt.s32 v10, $0xFFFFFEEF  }
0x145: {  	s12 =	sadd.s32 $0x160, s30;
	s11 =	sadd.s32 $0x150, s30;
	v45 =	vadd.s32 s16, v1;
	v27 =	vadd.s32 s20, v1;
	s16 =	sadd.s32 $0x180, s30;
	v59 =	vadd.s32 s8, v1;
	[tilespmem:s14+$0x800] =	vst v5  }
0x146: {  	s22 =	sadd.s32 $0x1C0, s29;
	s9 =	sadd.s32 $0x140, s30;
	s13 =	sadd.s32 $0x170, s30;
	v54 =	vadd.s32 s12, v1;
	v50 =	vadd.s32 s16, v1;
	v63 =	vadd.s32 s11, v1;
	v32 =	vld.idx.msk [tilespmem:v32+s7+$0x0], vm14  }
0x147: {  	s23 =	sadd.s32 $0x1D0, s29;
	v52 =	vadd.s32 s13, v1;
	v24 =	vadd.s32 s22, v1;
	v62 =	vadd.s32 s9, v1;
	[tilespmem:s31+$0x800] =	vst v21  }
0x148: {  	v23 =	vadd.s32 s23, v1;
	vm13 =	vgt.s32 v13, $0xFFFFFE4F;
	vm11 =	vgt.s32 v13, $0xFFFFFE2F;
	[tilespmem:s1+$0x800] =	vst v44;
	v20 =	vld.idx.msk [tilespmem:v20+s7+$0x0], vm9  }
0x149: {  	v57 =	vand.u32 $0x7F, v56;
	vm12 =	vgt.s32 v13, $0xFFFFFE3F;
	vm8 =	vgt.s32 v13, $0xFFFFFE1F;
	[tilespmem:s0+$0x800] =	vst v6;
	v4 =	vld.idx.msk [tilespmem:v4+s7+$0x0], vm0  }
0x14a: {  	vm15 =	vgt.s32 v12, $0xFFFFFEDF;
	v21 =	vshll.u32 v56, $0x3;
	v44 =	vshll.u32 v58, $0x3;
	v3 =	vld.idx.msk [tilespmem:v3+s7+$0x0], vm2  }
0x14b: {  	v56 =	vand.u32 $0x7F, v58;
	v58 =	vand.u32 $0x7F, v55;
	v21 =	vand.u32 $0xFFFFFC00, v21;
	[tilespmem:s14+$0x810] =	vst v32;
	v32 =	vld [tilespmem:$0x1FFB0]  }
0x14c: {  	v36 =	vand.u32 $0xFFFFFC00, v44;
	vm0 =	vgt.s32 v10, $0xFFFFFEDF;
	v21 =	vor.u32 v21, v57  }
0x14d: {  	vm2 =	vgt.s32 v8, $0xFFFFFEDF;
	v6 =	vor.u32 v36, v56;
	v5 =	vor.u32 v2, v21  }
0x14e: {  	v44 =	vshll.u32 v59, $0x3;
	vm9 =	vgt.s32 v13, $0xFFFFFE0F;
	v6 =	vor.u32 v2, v6;
	[tilespmem:s31+$0x810] =	vst v20  }
0x14f: {  	v57 =	vshll.u32 v55, $0x3;
	v56 =	vand.u32 $0x7F, v59;
	v59 =	vand.u32 $0x7F, v42;
	[tilespmem:s1+$0x810] =	vst v4;
	v55 =	vld.idx.msk [tilespmem:v60+s7+$0x0], vm10  }
0x150: {  	v21 =	vand.u32 $0xFFFFFC00, v57;
	[tilespmem:s0+$0x810] =	vst v3;
	v3 =	vld.idx.msk [tilespmem:v30+s7+$0x0], vm15;
	v60 =	vshll.u32 v42, $0x3;
	vm15 =	vnez.u8 v32  }
0x151: {  	vm14 =	vgt.s32 v12, $0xFFFFFECF;
	v21 =	vor.u32 v21, v58;
	v30 =	vand.u32 $0xFFFFFC00, v60;
	v60 =	vld [tilespmem:$0x1FFC0]  }
0x152: {  	v58 =	vor.u32 v2, v25;
	v20 =	vand.u32 $0xFFFFFC00, v44;
	v5 =	vld.idx.msk [tilespmem:v5+s7+$0x0], vm0;
	vm0 =	vgt.s32 v10, $0xFFFFFECF  }
0x153: {  	v21 =	vor.u32 v2, v21;
	v57 =	vor.u32 v20, v56;
	v6 =	vld.idx.msk [tilespmem:v6+s7+$0x0], vm2;
	vm2 =	vgt.s32 v8, $0xFFFFFECF  }
0x154: {  	v36 =	vshll.u32 v43, $0x3;
	v25 =	vor.u32 v2, v26;
	v4 =	vor.u32 v2, v57  }
0x155: {  	v26 =	vand.u32 $0x7F, v43;
	v43 =	vand.u32 $0x7F, v53;
	vm10 =	vgt.s32 v12, $0xFFFFFEBF;
	[tilespmem:s31+$0x820] =	vst v55  }
0x156: {  	v42 =	vshll.u32 v53, $0x3;
	v57 =	vand.u32 $0x7F, v62;
	[tilespmem:s1+$0x820] =	vst v3;
	v18 =	vld.idx.msk [tilespmem:v18+s7+$0x0], vm15;
	vm15 =	vnez.u8 v60  }
0x157: {  	v13 =	vor.u32 v30, v59;
	v55 =	vshll.u32 v62, $0x3;
	v32 =	vand.u32 $0xFFFFFC00, v42;
	[tilespmem:s0+$0x820] =	vst v5;
	v44 =	vld.idx.msk [tilespmem:v58+s7+$0x0], vm14  }
0x158: {  	vm14 =	vgt.s32 v10, $0xFFFFFEBF;
	v30 =	vand.u32 $0xFFFFFC00, v55;
	v53 =	vor.u32 v32, v43;
	v21 =	vld.idx.msk [tilespmem:v21+s7+$0x0], vm0;
	[tilespmem:s14+$0x820] =	vst v6  }
0x159: {  	s18 =	sadd.s32 $0x1A0, s30;
	s19 =	sadd.s32 $0x1B0, s30;
	v20 =	vor.u32 v30, v57;
	vm0 =	vgt.s32 v8, $0xFFFFFEBF;
	v56 =	vor.u32 v2, v53;
	v4 =	vld.idx.msk [tilespmem:v4+s7+$0x0], vm2  }
0x15a: {  	v46 =	vadd.s32 s18, v1;
	v41 =	vadd.s32 s19, v1;
	v20 =	vor.u32 v2, v20  }
0x15b: {  	v59 =	vand.u32 $0x7F, v51;
	v3 =	vand.u32 $0xFFFFFC00, v36;
	v58 =	vshll.u32 v51, $0x3;
	[tilespmem:s31+$0x830] =	vst v18  }
0x15c: {  	v62 =	vshll.u32 v63, $0x3;
	v3 =	vor.u32 v3, v26;
	v30 =	vand.u32 $0xFFFFFC00, v58;
	[tilespmem:s1+$0x830] =	vst v44;
	v19 =	vld.idx.msk [tilespmem:v19+s7+$0x0], vm15  }
0x15d: {  	vm2 =	vgt.s32 v12, $0xFFFFFEAF;
	[tilespmem:s0+$0x830] =	vst v21;
	v36 =	vld.idx.msk [tilespmem:v25+s7+$0x0], vm10;
	v18 =	vor.u32 v30, v59;
	v30 =	vor.u32 v2, v17  }
0x15e: {  	v26 =	vand.u32 $0xFFFFFC00, v62;
	v32 =	vand.u32 $0x7F, v63;
	[tilespmem:s14+$0x830] =	vst v4;
	v6 =	vld.idx.msk [tilespmem:v56+s7+$0x0], vm14;
	vm15 =	vgt.s32 v10, $0xFFFFFEAF  }
0x15f: {  	s17 =	sadd.s32 $0x190, s30;
	s20 =	sadd.s32 $0x1C0, s30;
	v20 =	vld.idx.msk [tilespmem:v20+s7+$0x0], vm0;
	vm0 =	vgt.s32 v8, $0xFFFFFEAF;
	v17 =	vor.u32 v26, v32;
	v18 =	vor.u32 v2, v18  }
0x160: {  	s21 =	sadd.s32 $0x1D0, s30;
	v37 =	vadd.s32 s20, v1;
	v47 =	vadd.s32 s17, v1;
	v17 =	vor.u32 v2, v17  }
0x161: {  	v0 =	vadd.s32 s21, v1;
	v51 =	vor.u32 v2, v61;
	v55 =	vshll.u32 v54, $0x3;
	[tilespmem:s31+$0x840] =	vst v19  }
0x162: {  	v57 =	vand.u32 $0x7F, v54;
	v53 =	vand.u32 $0x7F, v49;
	v44 =	vshll.u32 v49, $0x3;
	[tilespmem:s1+$0x840] =	vst v36;
	v5 =	vld.idx.msk [tilespmem:v30+s7+$0x0], vm7  }
0x163: {  	v21 =	vand.u32 $0xFFFFFC00, v55;
	vm14 =	vgt.s32 v12, $0xFFFFFE9F;
	v22 =	vld.idx.msk [tilespmem:v22+s7+$0x0], vm2;
	[tilespmem:s0+$0x840] =	vst v6;
	v19 =	vand.u32 $0xFFFFFC00, v44  }
0x164: {  	v56 =	vor.u32 v2, v31;
	[tilespmem:s14+$0x840] =	vst v20;
	v19 =	vor.u32 v19, v53;
	v18 =	vld.idx.msk [tilespmem:v18+s7+$0x0], vm15;
	vm15 =	vgt.s32 v10, $0xFFFFFE9F  }
0x165: {  	vm10 =	vgt.s32 v8, $0xFFFFFE9F;
	v58 =	vor.u32 v21, v57;
	v17 =	vld.idx.msk [tilespmem:v17+s7+$0x0], vm0;
	v19 =	vor.u32 v2, v19  }
0x166: {  	v13 =	vor.u32 v2, v13;
	v42 =	vand.u32 $0x7F, v40;
	v20 =	vor.u32 v2, v58  }
0x167: {  	v62 =	vshll.u32 v52, $0x3;
	v43 =	vshll.u32 v40, $0x3;
	v60 =	vshll.u32 v48, $0x3;
	[tilespmem:s31+$0x850] =	vst v5  }
0x168: {  	v25 =	vand.u32 $0xFFFFFC00, v43;
	v43 =	vshll.u32 v45, $0x3;
	v61 =	vand.u32 $0xFFFFFC00, v60;
	[tilespmem:s1+$0x850] =	vst v22;
	v63 =	vld.idx.msk [tilespmem:v51+s7+$0x0], vm4  }
0x169: {  	v59 =	vand.u32 $0x7F, v48;
	v26 =	vand.u32 $0xFFFFFC00, v62;
	v6 =	vld.idx.msk [tilespmem:v56+s7+$0x0], vm14;
	vm14 =	vgt.s32 v12, $0xFFFFFE8F;
	[tilespmem:s0+$0x850] =	vst v18  }
0x16a: {  	v30 =	vand.u32 $0x7F, v52;
	[tilespmem:s14+$0x850] =	vst v17;
	v5 =	vor.u32 v61, v59;
	v19 =	vld.idx.msk [tilespmem:v19+s7+$0x0], vm15;
	vm15 =	vgt.s32 v10, $0xFFFFFE8F  }
0x16b: {  	v31 =	vor.u32 v26, v30;
	v20 =	vld.idx.msk [tilespmem:v20+s7+$0x0], vm10;
	vm10 =	vgt.s32 v8, $0xFFFFFE8F;
	v5 =	vor.u32 v2, v5  }
0x16c: {  	v32 =	vand.u32 $0x7F, v38;
	v36 =	vshll.u32 v38, $0x3;
	v38 =	vor.u32 v2, v31  }
0x16d: {  	v45 =	vand.u32 $0x7F, v45;
	v4 =	vor.u32 v25, v42;
	v25 =	vand.u32 $0xFFFFFC00, v43;
	[tilespmem:s31+$0x860] =	vst v63  }
0x16e: {  	v3 =	vor.u32 v2, v3;
	v49 =	vshll.u32 v50, $0x3;
	v48 =	vor.u32 v25, v45;
	[tilespmem:s1+$0x860] =	vst v6;
	v14 =	vld.idx.msk [tilespmem:v14+s7+$0x0], vm6  }
0x16f: {  	v22 =	vand.u32 $0xFFFFFC00, v49;
	v18 =	vand.u32 $0xFFFFFC00, v36;
	vm4 =	vgt.s32 v12, $0xFFFFFE7F;
	v13 =	vld.idx.msk [tilespmem:v13+s7+$0x0], vm14;
	[tilespmem:s0+$0x860] =	vst v19  }
0x170: {  	v17 =	vor.u32 v18, v32;
	vm14 =	vgt.s32 v10, $0xFFFFFE7F;
	v51 =	vand.u32 $0x7F, v50;
	[tilespmem:s14+$0x860] =	vst v20;
	v5 =	vld.idx.msk [tilespmem:v5+s7+$0x0], vm15  }
0x171: {  	v20 =	vor.u32 v22, v51;
	v19 =	vor.u32 v2, v48;
	v18 =	vld.idx.msk [tilespmem:v38+s7+$0x0], vm10;
	vm15 =	vgt.s32 v8, $0xFFFFFE7F  }
0x172: {  	v40 =	vand.u32 $0x7F, v35;
	v54 =	vshll.u32 v47, $0x3;
	v20 =	vor.u32 v2, v20  }
0x173: {  	v55 =	vand.u32 $0x7F, v47;
	v42 =	vshll.u32 v35, $0x3;
	v21 =	vand.u32 $0xFFFFFC00, v54;
	[tilespmem:s31+$0x870] =	vst v14  }
0x174: {  	v57 =	vand.u32 $0x7F, v33;
	v60 =	vand.u32 $0x7F, v29;
	v52 =	vshll.u32 v39, $0x3;
	[tilespmem:s1+$0x870] =	vst v13;
	v15 =	vld.idx.msk [tilespmem:v15+s7+$0x0], vm5  }
0x175: {  	v53 =	vand.u32 $0x7F, v39;
	v22 =	vand.u32 $0xFFFFFC00, v52;
	vm10 =	vgt.s32 v12, $0xFFFFFE6F;
	v3 =	vld.idx.msk [tilespmem:v3+s7+$0x0], vm4;
	[tilespmem:s0+$0x870] =	vst v5  }
0x176: {  	v4 =	vor.u32 v2, v4;
	[tilespmem:s14+$0x870] =	vst v18;
	v14 =	vor.u32 v22, v53;
	v19 =	vld.idx.msk [tilespmem:v19+s7+$0x0], vm14;
	vm14 =	vgt.s32 v10, $0xFFFFFE6F  }
0x177: {  	v56 =	vor.u32 v21, v55;
	v14 =	vor.u32 v2, v14;
	v20 =	vld.idx.msk [tilespmem:v20+s7+$0x0], vm15;
	vm15 =	vgt.s32 v8, $0xFFFFFE6F  }
0x178: {  	s22 =	sadd.s32 $0x1F0, s28;
	v35 =	vand.u32 $0x7F, v24;
	v43 =	vshll.u32 v23, $0x3;
	v5 =	vor.u32 v2, v56  }
0x179: {  	v62 =	vand.u32 $0x7F, v46;
	v25 =	vshll.u32 v41, $0x3;
	v45 =	vadd.s32 s22, v1;
	[tilespmem:s31+$0xC00] =	vst v15  }
0x17a: {  	vm2 =	vgt.s32 v12, $0xFFFFFE2F;
	vm7 =	vgt.s32 v10, $0xFFFFFE5F;
	v59 =	vshll.u32 v29, $0x3;
	[tilespmem:s1+$0xC00] =	vst v3;
	v11 =	vld.idx.msk [tilespmem:v11+s7+$0x0], vm3  }
0x17b: {  	v61 =	vshll.u32 v46, $0x3;
	vm6 =	vgt.s32 v12, $0xFFFFFE5F;
	v4 =	vld.idx.msk [tilespmem:v4+s7+$0x0], vm10;
	v15 =	vand.u32 $0xFFFFFC00, v59;
	[tilespmem:s0+$0xC00] =	vst v19  }
0x17c: {  	v17 =	vor.u32 v2, v17;
	[tilespmem:s14+$0xC00] =	vst v20;
	v3 =	vor.u32 v15, v60;
	v15 =	vand.u32 $0xFFFFFC00, v61;
	v14 =	vld.idx.msk [tilespmem:v14+s7+$0x0], vm14  }
0x17d: {  	vm10 =	vgt.s32 v8, $0xFFFFFE5F;
	v5 =	vld.idx.msk [tilespmem:v5+s7+$0x0], vm15;
	v3 =	vor.u32 v2, v3;
	v15 =	vor.u32 v15, v62  }
0x17e: {  	v58 =	vshll.u32 v33, $0x3;
	v44 =	vand.u32 $0xFFFFFC00, v42;
	v15 =	vor.u32 v2, v15  }
0x17f: {  	v42 =	vand.u32 $0x7F, v34;
	v21 =	vshll.u32 v27, $0x3;
	v6 =	vor.u32 v44, v40;
	[tilespmem:s31+$0xC10] =	vst v11  }
0x180: {  	v26 =	vand.u32 $0x7F, v41;
	v30 =	vand.u32 $0x7F, v28;
	v6 =	vor.u32 v2, v6;
	[tilespmem:s1+$0xC10] =	vst v4;
	v9 =	vld.idx.msk [tilespmem:v9+s7+$0x0], vm1  }
0x181: {  	v63 =	vand.u32 $0x7F, v27;
	v22 =	vand.u32 $0xFFFFFC00, v21;
	v17 =	vld.idx.msk [tilespmem:v17+s7+$0x0], vm6;
	[tilespmem:s0+$0xC10] =	vst v14;
	vm1 =	vgt.s32 v12, $0xFFFFFE4F  }
0x182: {  	v19 =	vand.u32 $0xFFFFFC00, v25;
	vm14 =	vgt.s32 v10, $0xFFFFFE4F;
	v11 =	vor.u32 v22, v63;
	[tilespmem:s14+$0xC10] =	vst v5;
	v3 =	vld.idx.msk [tilespmem:v3+s7+$0x0], vm7  }
0x183: {  	v27 =	vor.u32 v19, v26;
	vm15 =	vgt.s32 v8, $0xFFFFFE4F;
	v11 =	vor.u32 v2, v11;
	v15 =	vld.idx.msk [tilespmem:v15+s7+$0x0], vm10  }
0x184: {  	v31 =	vshll.u32 v28, $0x3;
	v18 =	vand.u32 $0xFFFFFC00, v58;
	v4 =	vor.u32 v2, v27  }
0x185: {  	v29 =	vld [tilespmem:$0x1FFD0];
	v40 =	vand.u32 $0x7F, v37;
	v32 =	vshll.u32 v24, $0x3;
	v13 =	vor.u32 v18, v57;
	[tilespmem:s31+$0xC20] =	vst v9  }
0x186: {  	v38 =	vshll.u32 v37, $0x3;
	v18 =	vand.u32 $0xFFFFFC00, v31;
	v39 =	vor.u32 v2, v13;
	[tilespmem:s1+$0xC20] =	vst v17;
	v16 =	vld.idx.msk [tilespmem:v16+s7+$0x0], vm13  }
0x187: {  	v5 =	vor.u32 v18, v30;
	v18 =	vand.u32 $0xFFFFFC00, v32;
	vm10 =	vgt.s32 v12, $0xFFFFFE3F;
	[tilespmem:s0+$0xC20] =	vst v3;
	v3 =	vld.idx.msk [tilespmem:v6+s7+$0x0], vm1  }
0x188: {  	v36 =	vor.u32 v18, v35;
	v18 =	vand.u32 $0xFFFFFC00, v38;
	[tilespmem:s14+$0xC20] =	vst v15;
	v11 =	vld.idx.msk [tilespmem:v11+s7+$0x0], vm14;
	vm13 =	vgt.s32 v10, $0xFFFFFE3F  }
0x189: {  	v13 =	vor.u32 v18, v40;
	v17 =	vor.u32 v2, v36;
	vm14 =	vgt.s32 v8, $0xFFFFFE3F;
	v4 =	vld.idx.msk [tilespmem:v4+s7+$0x0], vm15  }
0x18a: {  	s28 =	sadd.s32 $0x1E0, s30;
	vm0 =	vgt.s32 v12, $0xFFFFFE1F;
	v41 =	vshll.u32 v34, $0x3;
	v13 =	vor.u32 v2, v13  }
0x18b: {  	s23 =	sadd.s32 $0x1E0, s29;
	v33 =	vld [tilespmem:$0x1FFE0];
	v44 =	vand.u32 $0x7F, v23;
	v46 =	vshll.u32 v0, $0x3;
	v51 =	vadd.s32 s28, v1;
	[tilespmem:s31+$0xC30] =	vst v16  }
0x18c: {  	v0 =	vand.u32 $0x7F, v0;
	v48 =	vadd.s32 s23, v1;
	v54 =	vshll.u32 v51, $0x3;
	[tilespmem:s1+$0xC30] =	vst v3;
	v3 =	vld.idx.msk [tilespmem:v7+s7+$0x0], vm12  }
0x18d: {  	v14 =	vor.u32 v2, v29;
	v5 =	vor.u32 v2, v5;
	v16 =	vand.u32 $0xFFFFFC00, v43;
	[tilespmem:s0+$0xC30] =	vst v11;
	v6 =	vld.idx.msk [tilespmem:v39+s7+$0x0], vm10  }
0x18e: {  	vm15 =	vgt.s32 v10, $0xFFFFFE2F;
	v7 =	vor.u32 v16, v44;
	[tilespmem:s14+$0xC30] =	vst v4;
	v47 =	vld.idx.msk [tilespmem:v17+s7+$0x0], vm13;
	v16 =	vand.u32 $0xFFFFFC00, v46  }
0x18f: {  	vm7 =	vgt.s32 v8, $0xFFFFFE2F;
	v7 =	vor.u32 v2, v7;
	v13 =	vld.idx.msk [tilespmem:v13+s7+$0x0], vm14;
	v0 =	vor.u32 v16, v0  }
0x190: {  	v55 =	vand.u32 $0x7F, v51;
	v49 =	vshll.u32 v48, $0x3;
	v0 =	vor.u32 v2, v0  }
0x191: {  	s29 =	sadd.s32 $0x1F0, s29;
	v50 =	vand.u32 $0x7F, v48;
	v53 =	vshll.u32 v45, $0x3;
	v61 =	vld [tilespmem:$0x1FFF0];
	v15 =	vand.u32 $0xFFFFFC00, v41;
	[tilespmem:s31+$0xC40] =	vst v3  }
0x192: {  	v56 =	vadd.s32 s29, v1;
	v9 =	vor.u32 v2, v33;
	v15 =	vor.u32 v15, v42;
	[tilespmem:s1+$0xC40] =	vst v6;
	v14 =	vld.idx.msk [tilespmem:v14+s7+$0x0], vm11  }
0x193: {  	v15 =	vor.u32 v2, v15;
	vm10 =	vgt.s32 v12, $0xFFFFFE0F;
	v12 =	vand.u32 $0xFFFFFC00, v49;
	[tilespmem:s0+$0xC40] =	vst v47;
	v52 =	vld.idx.msk [tilespmem:v5+s7+$0x0], vm2  }
0x194: {  	v11 =	vand.u32 $0xFFFFFC00, v54;
	vm12 =	vgt.s32 v10, $0xFFFFFE1F;
	v6 =	vor.u32 v12, v50;
	[tilespmem:s14+$0xC40] =	vst v13;
	v7 =	vld.idx.msk [tilespmem:v7+s7+$0x0], vm15  }
0x195: {  	vm13 =	vgt.s32 v8, $0xFFFFFE1F;
	v11 =	vor.u32 v11, v55;
	v6 =	vor.u32 v2, v6;
	v0 =	vld.idx.msk [tilespmem:v0+s7+$0x0], vm7  }
0x196: {  	s30 =	sadd.s32 $0x1F0, s30;
	v57 =	vshll.u32 v56, $0x3;
	v58 =	vand.u32 $0x7F, v56;
	v11 =	vor.u32 v2, v11  }
0x197: {  	v59 =	vadd.s32 s30, v1;
	v3 =	vand.u32 $0x7F, v45;
	v5 =	vand.u32 $0xFFFFFC00, v53;
	[tilespmem:s31+$0xC50] =	vst v14  }
0x198: {  	v62 =	vshll.u32 v59, $0x3;
	v3 =	vor.u32 v5, v3;
	v5 =	vand.u32 $0xFFFFFC00, v57;
	[tilespmem:s1+$0xC50] =	vst v52;
	v9 =	vld.idx.msk [tilespmem:v9+s7+$0x0], vm8  }
0x199: {  	vm14 =	vgt.s32 v10, $0xFFFFFE0F;
	v4 =	vor.u32 v5, v58;
	[tilespmem:s0+$0xC50] =	vst v7;
	v7 =	vor.u32 v2, v61;
	v60 =	vld.idx.msk [tilespmem:v15+s7+$0x0], vm0  }
0x19a: {  	v5 =	vand.u32 $0xFFFFFC00, v62;
	v6 =	vld.idx.msk [tilespmem:v6+s7+$0x0], vm12;
	[tilespmem:s14+$0xC50] =	vst v0;
	v0 =	vor.u32 v2, v3;
	v3 =	vand.u32 $0x7F, v59  }
0x19b: {  	vm15 =	vgt.s32 v8, $0xFFFFFE0F;
	v4 =	vor.u32 v2, v4;
	v63 =	vld.idx.msk [tilespmem:v11+s7+$0x0], vm13;
	v3 =	vor.u32 v5, v3  }
0x19c: {  	v2 =	vor.u32 v2, v3  }
0x19d: {  	[tilespmem:s31+$0xC60] =	vst v9  }
0x19e: {  	[tilespmem:s1+$0xC60] =	vst v60;
	v3 =	vld.idx.msk [tilespmem:v7+s7+$0x0], vm9  }
0x19f: {  	[tilespmem:s0+$0xC60] =	vst v6;
	v0 =	vld.idx.msk [tilespmem:v0+s7+$0x0], vm10  }
0x1a0: {  	v4 =	vld.idx.msk [tilespmem:v4+s7+$0x0], vm14;
	[tilespmem:s14+$0xC60] =	vst v63  }
0x1a1: {  	p0 =	slt.u32 s25, $0x3C;
	v2 =	vld.idx.msk [tilespmem:v2+s7+$0x0], vm15  }
.Ltmp1:
0x1a2: {  	_ = 	snop;
	(pc) =	sbr.rel @p0 .LBB2_5-.Ltmp1, $4  }
0x1a3: {  	[tilespmem:s31+$0xC70] =	vst v3  }
0x1a4: {  	[tilespmem:s1+$0xC70] =	vst v0  }
0x1a5: {  	[tilespmem:s0+$0xC70] =	vst v4  }
0x1a6: {  	[tilespmem:s14+$0xC70] =	vst v2  }
0x1a7: {  	s4 =	rddreg [dreg:$0x1f]  }
0x1a8: {  	s0 =	rddreg [dreg:$0x17];
	s1 =	sshll.u32 s4, $0x15  }
0x1a9: {  	s19 =	rddreg [dreg:$0x1];
	s20 =	simm.s32 $0x1000;
	s0 =	sor.u32 s0, s1  }
0x1aa: {  	s2 =	simm.s32 $0x40000;
	s3 =	simm.s32 $0xCC00;
	s0 =	sshrl.u32 s0, $0x3  }
0x1ab: {  	s21 =	simm.s32 $0x2;
	[smem:$0x7FD] =	sst s1;
	s0 =	sadd.s32 s19, s0  }
0x1ac: {  	[hbm4b:s0+s20] =	stream.strided.scatter [tilespmem:s3], [sflag:$0x3], $0x8000, s2, s20, $0x38;
	[tilespmem:$0x1CC00] =	vst v63  }
0x1ad: {  	p0 =	seq.s32 s4, $0xF;
	_ =	swait.ge [sflag:s21], $0x4400  }
0x1ae: {  	p1 =	seq.s32 @!p0 s4, $0x0;
	[sflag:s21] =	ssyncset.done $0x0;
	s0 =	rddreg [dreg:$0x1c]  }
0x1af: {  	s1 =	simm.s32 @!p0 $0x0;
	[sflag:s21] =	ssyncadd.s32 $0xFFFFBC00;
	s0 =	sadd.s32 @!p0 s26, s0  }
0x1b0: {  	[tilespmem:s1], [sflag:$0x1] =	stream.linear.gather @!p0 [hbm4b:s0+s1], $0x8800, $0x38;
	[tilespmem:$0x1CC00] =	vst v63  }
0x1b1: {  	p0 =	por p0, !p1  }
0x1b2: {  	s26 =	simm.s32 $0x0;
	s0 =	simm.s32 @p0 $0x4  }
0x1b3: {  	s1 =	sand.u32 $0x4, s26;
	_ =	swait.ge @p0 [sflag:s0], $0x8000  }
0x1b4: {  	s18 =	simm.s32 $0x0;
	s3 =	sor.u32 $0x1, s1;
	s8 =	rddreg [dreg:$0x3]  }
0x1b5: {  	s2 =	sor.u32 $0x2, s1;
	[sflag:s0] =	ssyncset.done @p0 $0x0;
	s19 =	rddreg [dreg:$0x4]  }
0x1b6: {  	[sflag:s0] =	ssyncadd.s32 @p0 $0xFFFF8000;
	s0 =	sor.u32 $0x3, s1;
	s22 =	sor.u32 s8, s3  }
0x1b7: {  	s10 =	sor.u32 s8, s2;
	s11 =	sor.u32 s8, s1;
	s9 =	sor.u32 s8, s0  }
0x1b8: {  	s6 =	sadd.s32 $0xFFFFFFFF, s22;
	s7 =	sadd.s32 $0xFFFFFFFF, s11;
	s12 =	sadd.s32 $0xFFFFFFFF, s10  }
0x1b9: {  	s14 =	sadd.s32 s19, s22;
	s24 =	sadd.s32 s19, s10;
	s6 =	smul.u32 s22, s6  }
0x1ba: {  	s25 =	sadd.s32 s19, s11;
	s17 =	sshll.u32 s22, $0x9;
	s12 =	smul.u32 s10, s12  }
0x1bb: {  	s20 =	sshll.u32 s10, $0x9;
	s5 =	sadd.s32 $0xFFFFFFFF, s9;
	s16 =	smul.u32 s11, s7  }
0x1bc: {  	s13 =	sadd.s32 s19, s9;
	s23 =	sshll.u32 s9, $0x9;
	s5 =	smul.u32 s9, s5  }
0x1bd: {  	v4 =	vmov s22;
	v0 =	vmov s10;
	s22 =	sshll.u32 s11, $0x9;
	s6 =	sshrl.u32 s6, $0x1;
	s12 =	sshrl.u32 s12, $0x1  }
0x1be: {  	[tilespmem:$0x1FF40] =	vst v0;
	v0 =	vmov s11;
	v6 =	vmov s9;
	s31 =	sshrl.u32 s16, $0x1;
	s5 =	sshrl.u32 s5, $0x1;
	s6 =	sadd.s32 s6, s14  }
0x1bf: {  	[tilespmem:$0x1FF50] =	vst v0;
	v0 =	vmov s18;
	v10 =	vsub.s32 v1, v6;
	s16 =	sadd.s32 s31, s25;
	s5 =	sadd.s32 s5, s13;
	s6 =	ssub.s32 s17, s6  }
0x1c0: {  	v0 =	vshll.u32 v0, $0x7;
	vm0 =	vgt.u32 v10, $0xFFFFFEFF;
	vm2 =	vgt.u32 v10, $0xFFFFFEEF;
	s7 =	ssub.s32 s23, s5;
	s5 =	sadd.s32 s12, s24;
	s23 =	sadd.s32 $0x100, s6  }
0x1c1: {  	vm1 =	vgt.u32 v10, $0xFFFFFEDF;
	vm13 =	vgt.u32 v10, $0xFFFFFECF;
	v0 =	vand.u32 $0x380, v0;
	s31 =	sadd.s32 $0x110, s6;
	s17 =	sadd.s32 $0x120, s6;
	s21 =	sadd.s32 $0x100, s7  }
0x1c2: {  	v2 =	vbroadcast v0, $0x0;
	s4 =	ssub.s32 s20, s5;
	s5 =	ssub.s32 s22, s16;
	v7 =	vadd.s32 s23, v1;
	s12 =	sadd.s32 $0x110, s7;
	v23 =	vadd.s32 s31, v1  }
0x1c3: {  	s16 =	sadd.s32 $0x120, s7;
	s20 =	sadd.s32 $0x130, s7;
	v27 =	vadd.s32 s17, v1;
	s23 =	sadd.s32 $0x140, s7;
	v5 =	vadd.s32 s21, v1;
	v22 =	vadd.s32 s12, v1  }
0x1c4: {  	s22 =	sadd.s32 $0x130, s6;
	s11 =	sadd.s32 $0x150, s7;
	v26 =	vadd.s32 s16, v1;
	v29 =	vadd.s32 s20, v1;
	v52 =	vadd.s32 s23, v1  }
0x1c5: {  	s24 =	sadd.s32 $0x100, s4;
	s25 =	sadd.s32 $0x100, s5;
	v53 =	vadd.s32 s22, v1;
	v20 =	vadd.s32 s11, v1;
	v32 =	vand.u32 $0x7F, v7  }
0x1c6: {  	s13 =	sadd.s32 $0x110, s4;
	s14 =	sadd.s32 $0x110, s5;
	s18 =	sadd.s32 $0x120, s4;
	v51 =	vand.u32 $0x7F, v27;
	v11 =	vadd.s32 s24, v1;
	v12 =	vadd.s32 s25, v1  }
0x1c7: {  	s21 =	sadd.s32 $0x120, s5;
	s31 =	sadd.s32 $0x140, s5;
	v24 =	vadd.s32 s14, v1;
	v25 =	vadd.s32 s13, v1;
	v28 =	vadd.s32 s18, v1  }
0x1c8: {  	s12 =	sadd.s32 $0x140, s6;
	s17 =	sadd.s32 $0x150, s5;
	v37 =	vadd.s32 s21, v1;
	v13 =	vadd.s32 s31, v1;
	v0 =	vshll.u32 v5, $0x3  }
0x1c9: {  	s23 =	sadd.s32 $0x160, s4;
	v18 =	vadd.s32 s12, v1;
	v5 =	vand.u32 $0x7F, v5;
	v8 =	vadd.s32 s17, v1  }
0x1ca: {  	v34 =	vshll.u32 v22, $0x3;
	v40 =	vadd.s32 s23, v1;
	v58 =	vshll.u32 v26, $0x3  }
0x1cb: {  	s24 =	sadd.s32 $0x130, s5;
	s25 =	sadd.s32 $0x130, s4;
	v26 =	vand.u32 $0x7F, v26;
	v59 =	vshll.u32 v29, $0x3;
	v61 =	vand.u32 $0x7F, v29  }
0x1cc: {  	s13 =	sadd.s32 $0x140, s4;
	s14 =	sadd.s32 $0x160, s7;
	v21 =	vadd.s32 s25, v1;
	v55 =	vadd.s32 s24, v1;
	v0 =	vand.u32 $0xFFFFFC00, v0  }
0x1cd: {  	s18 =	sadd.s32 $0x150, s4;
	v17 =	vadd.s32 s13, v1;
	v19 =	vadd.s32 s14, v1;
	v15 =	vshll.u32 v11, $0x3  }
0x1ce: {  	v16 =	vshll.u32 v12, $0x3;
	v9 =	vadd.s32 s18, v1;
	v33 =	vand.u32 $0x7F, v12  }
0x1cf: {  	v12 =	vand.u32 $0x7F, v11;
	v54 =	vand.u32 $0xFFFFFC00, v34;
	v56 =	vshll.u32 v25, $0x3  }
0x1d0: {  	v57 =	vshll.u32 v24, $0x3;
	v24 =	vand.u32 $0x7F, v24;
	v25 =	vand.u32 $0x7F, v25  }
0x1d1: {  	s16 =	sadd.s32 $0x150, s6;
	v60 =	vshll.u32 v28, $0x3;
	v62 =	vshll.u32 v37, $0x3;
	v0 =	vor.u32 v0, v5  }
0x1d2: {  	s21 =	sadd.s32 $0x180, s7;
	s24 =	sadd.s32 $0x160, s5;
	v5 =	vadd.s32 s16, v1;
	v30 =	vand.u32 $0xFFFFFC00, v15;
	v31 =	vand.u32 $0xFFFFFC00, v16  }
0x1d3: {  	s18 =	sadd.s32 $0x1C0, s7;
	v16 =	vadd.s32 s21, v1;
	v39 =	vadd.s32 s24, v1;
	v63 =	vand.u32 $0xFFFFFC00, v60  }
0x1d4: {  	s22 =	sadd.s32 $0x160, s6;
	v29 =	vand.u32 $0xFFFFFC00, v62;
	v34 =	vadd.s32 s18, v1;
	v62 =	vand.u32 $0x7F, v53  }
0x1d5: {  	v14 =	vor.u32 v2, v0;
	v0 =	vshll.u32 v7, $0x3;
	v7 =	vadd.s32 s22, v1  }
0x1d6: {  	v12 =	vor.u32 v30, v12;
	v43 =	vor.u32 v31, v33;
	v30 =	vand.u32 $0xFFFFFC00, v57  }
0x1d7: {  	v31 =	vand.u32 $0xFFFFFC00, v58;
	v57 =	vand.u32 $0x7F, v37;
	v58 =	vand.u32 $0x7F, v52  }
0x1d8: {  	s17 =	sadd.s32 $0x180, s5;
	s16 =	sadd.s32 $0x180, s4;
	v0 =	vand.u32 $0xFFFFFC00, v0;
	v26 =	vor.u32 v31, v26;
	v44 =	vor.u32 v30, v24  }
0x1d9: {  	v31 =	vadd.s32 s16, v1;
	v30 =	vadd.s32 s17, v1;
	v11 =	vor.u32 v0, v32  }
0x1da: {  	v0 =	vand.u32 $0x7F, v22;
	v22 =	vand.u32 $0xFFFFFC00, v56;
	v56 =	vand.u32 $0x7F, v28  }
0x1db: {  	v0 =	vor.u32 v54, v0;
	v45 =	vor.u32 v22, v25;
	v22 =	vand.u32 $0xFFFFFC00, v59  }
0x1dc: {  	v47 =	vor.u32 v63, v56;
	v59 =	vshll.u32 v53, $0x3;
	v63 =	vand.u32 $0x7F, v55  }
0x1dd: {  	v49 =	vor.u32 v2, v0;
	v0 =	vshll.u32 v23, $0x3;
	v23 =	vand.u32 $0x7F, v23  }
0x1de: {  	v54 =	vor.u32 v22, v61;
	v60 =	vand.u32 $0xFFFFFC00, v59;
	v0 =	vand.u32 $0xFFFFFC00, v0  }
0x1df: {  	v61 =	vshll.u32 v21, $0x3;
	v21 =	vand.u32 $0x7F, v21;
	v46 =	vor.u32 v0, v23  }
0x1e0: {  	s20 =	sadd.s32 $0x170, s7;
	v0 =	vshll.u32 v27, $0x3;
	v23 =	vand.u32 $0xFFFFFC00, v61;
	v61 =	vshll.u32 v18, $0x3  }
0x1e1: {  	s12 =	sadd.s32 $0x1A0, s7;
	s23 =	sadd.s32 $0x1D0, s7;
	s25 =	sadd.s32 $0x190, s7;
	v18 =	vand.u32 $0x7F, v18;
	v0 =	vand.u32 $0xFFFFFC00, v0;
	v53 =	vor.u32 v23, v21  }
0x1e2: {  	s13 =	sadd.s32 $0x1B0, s7;
	s24 =	sadd.s32 $0x1E0, s7;
	s7 =	sadd.s32 $0x1F0, s7;
	v56 =	vand.u32 $0xFFFFFC00, v61;
	v50 =	vor.u32 v0, v51;
	v0 =	vshll.u32 v52, $0x3  }
0x1e3: {  	v23 =	vadd.s32 s7, v1;
	v51 =	vor.u32 v29, v57;
	v0 =	vand.u32 $0xFFFFFC00, v0  }
0x1e4: {  	v57 =	vor.u32 v60, v62;
	v52 =	vor.u32 v0, v58;
	v0 =	vshll.u32 v55, $0x3  }
0x1e5: {  	v60 =	vshll.u32 v20, $0x3;
	v62 =	vshll.u32 v17, $0x3;
	v0 =	vand.u32 $0xFFFFFC00, v0  }
0x1e6: {  	v17 =	vand.u32 $0x7F, v17;
	v58 =	vor.u32 v0, v63;
	v63 =	vshll.u32 v19, $0x3  }
0x1e7: {  	v21 =	vand.u32 $0xFFFFFC00, v60;
	v0 =	vshll.u32 v13, $0x3;
	v60 =	vand.u32 $0xFFFFFC00, v63;
	v63 =	vld.idx.msk [tilespmem:v14+s15+$0x0], vm0  }
0x1e8: {  	s18 =	simm.s32 $0x0;
	s16 =	sadd.s32 $0x1C0, s5;
	v59 =	vand.u32 $0xFFFFFC00, v62;
	v13 =	vand.u32 $0x7F, v13;
	v0 =	vand.u32 $0xFFFFFC00, v0  }
0x1e9: {  	s17 =	sadd.s32 $0x1C0, s4;
	s7 =	sand.u32 $0x3FFFF000, s18;
	v59 =	vor.u32 v59, v17;
	v17 =	vor.u32 v0, v13;
	v0 =	vadd.s32 s16, v1  }
0x1ea: {  	s0 =	sshll.u32 s0, $0x7;
	v37 =	vadd.s32 s23, v1;
	v61 =	vor.u32 v56, v18;
	s7 =	sadd.s32 $0x14C00, s7;
	[tilespmem:$0x1FF60] =	vst v0;
	v0 =	vadd.s32 s17, v1  }
0x1eb: {  	v56 =	vshll.u32 v5, $0x3;
	v5 =	vand.u32 $0x7F, v5;
	s0 =	sor.u32 s0, s7;
	[tilespmem:$0x1FF70] =	vst v0;
	v0 =	vshll.u32 v8, $0x3  }
0x1ec: {  	v56 =	vand.u32 $0xFFFFFC00, v56;
	v8 =	vand.u32 $0x7F, v8;
	v0 =	vand.u32 $0xFFFFFC00, v0;
	[tilespmem:s0+$0x800] =	vst v63  }
0x1ed: {  	v13 =	vor.u32 v56, v5;
	v5 =	vshll.u32 v16, $0x3;
	v63 =	vor.u32 v0, v8;
	v0 =	vld.idx.msk [tilespmem:v49+s15+$0x0], vm2  }
0x1ee: {  	v62 =	vshll.u32 v9, $0x3;
	v56 =	vand.u32 $0x7F, v16;
	v5 =	vand.u32 $0xFFFFFC00, v5  }
0x1ef: {  	s23 =	sadd.s32 $0x1E0, s6;
	v9 =	vand.u32 $0x7F, v9;
	v3 =	vand.u32 $0xFFFFFC00, v62;
	v56 =	vor.u32 v5, v56  }
0x1f0: {  	v5 =	vadd.s32 s23, v1;
	v8 =	vor.u32 v3, v9;
	v3 =	vshll.u32 v7, $0x3  }
0x1f1: {  	vm14 =	vgt.u32 v10, $0xFFFFFEAF;
	s10 =	sadd.s32 $0x170, s5;
	v7 =	vand.u32 $0x7F, v7;
	[tilespmem:$0x1FF80] =	vst v5;
	v3 =	vand.u32 $0xFFFFFC00, v3  }
0x1f2: {  	vm15 =	vgt.u32 v10, $0xFFFFFE9F;
	s11 =	sadd.s32 $0x170, s4;
	v38 =	vadd.s32 s10, v1;
	v49 =	vor.u32 v3, v7;
	v3 =	vld [tilespmem:$0x1FF40];
	[tilespmem:s0+$0x810] =	vst v0  }
0x1f3: {  	v35 =	vadd.s32 s11, v1;
	v42 =	vadd.s32 s12, v1;
	s14 =	sadd.s32 $0x180, s6;
	v15 =	vadd.s32 s20, v1;
	v0 =	vld [tilespmem:$0x1FF50]  }
0x1f4: {  	s31 =	sadd.s32 $0x170, s6;
	v41 =	vadd.s32 s25, v1;
	v36 =	vadd.s32 s13, v1;
	s20 =	sadd.s32 $0x190, s6;
	v33 =	vadd.s32 s14, v1  }
0x1f5: {  	s25 =	sadd.s32 $0x1A0, s6;
	v24 =	vadd.s32 s20, v1;
	v32 =	vadd.s32 s31, v1;
	v48 =	vor.u32 v2, v26  }
0x1f6: {  	s22 =	sadd.s32 $0x190, s4;
	v26 =	vadd.s32 s25, v1;
	v44 =	vor.u32 v2, v44;
	v5 =	vsub.s32 v1, v4  }
0x1f7: {  	v25 =	vadd.s32 s22, v1;
	vm0 =	vgt.u32 v5, $0xFFFFFEFF;
	v4 =	vsub.s32 v1, v3  }
0x1f8: {  	s31 =	sadd.s32 $0x1A0, s4;
	vm11 =	vgt.u32 v4, $0xFFFFFEFF;
	v3 =	vsub.s32 v1, v0;
	v0 =	vor.u32 v2, v11  }
0x1f9: {  	s11 =	sadd.s32 $0x1B0, s6;
	v28 =	vadd.s32 s31, v1;
	v11 =	vor.u32 v2, v12;
	vm12 =	vgt.u32 v3, $0xFFFFFEFF  }
0x1fa: {  	v22 =	vadd.s32 s11, v1;
	v45 =	vor.u32 v2, v45;
	v12 =	vld.idx.msk [tilespmem:v48+s15+$0x0], vm1;
	v48 =	vor.u32 v2, v43  }
0x1fb: {  	s21 =	sadd.s32 $0x190, s5;
	v47 =	vor.u32 v2, v47;
	v54 =	vor.u32 v2, v54;
	v27 =	vadd.s32 s24, v1  }
0x1fc: {  	s13 =	sadd.s32 $0x1C0, s6;
	v46 =	vor.u32 v2, v46;
	v29 =	vadd.s32 s21, v1;
	v20 =	vand.u32 $0x7F, v20  }
0x1fd: {  	v18 =	vadd.s32 s13, v1;
	v50 =	vor.u32 v2, v50;
	vm10 =	vgt.u32 v5, $0xFFFFFEEF;
	v0 =	vld.idx.msk [tilespmem:v0+s15+$0x0], vm0  }
0x1fe: {  	s10 =	sadd.s32 $0x1A0, s5;
	v51 =	vor.u32 v2, v51;
	v57 =	vor.u32 v2, v57;
	vm9 =	vgt.u32 v4, $0xFFFFFEEF;
	v6 =	vld.idx.msk [tilespmem:v11+s15+$0x0], vm11  }
0x1ff: {  	s12 =	sadd.s32 $0x1B0, s5;
	s21 =	sadd.s32 $0x1D0, s5;
	v55 =	vor.u32 v21, v20;
	v21 =	vadd.s32 s10, v1;
	vm7 =	vgt.u32 v3, $0xFFFFFEEF;
	[tilespmem:s0+$0x820] =	vst v12;
	v48 =	vld.idx.msk [tilespmem:v48+s15+$0x0], vm12  }
0x200: {  	s3 =	sshll.u32 s3, $0x7;
	v20 =	vadd.s32 s12, v1;
	v62 =	vadd.s32 s21, v1;
	v54 =	vld.idx.msk [tilespmem:v54+s15+$0x0], vm13;
	vm12 =	vgt.u32 v10, $0xFFFFFEBF  }
0x201: {  	s2 =	sshll.u32 s2, $0x7;
	s14 =	sadd.s32 $0x1B0, s4;
	s29 =	sor.u32 s3, s7;
	v52 =	vor.u32 v2, v52;
	v19 =	vand.u32 $0x7F, v19;
	v14 =	vshll.u32 v15, $0x3  }
0x202: {  	s1 =	sshll.u32 s1, $0x7;
	s22 =	sadd.s32 $0x1D0, s4;
	s30 =	sor.u32 s2, s7;
	v15 =	vand.u32 $0x7F, v15;
	v60 =	vor.u32 v60, v19;
	v19 =	vadd.s32 s14, v1;
	[tilespmem:s29+$0x800] =	vst v0  }
0x203: {  	s20 =	sadd.s32 $0x1D0, s6;
	s28 =	sor.u32 s1, s7;
	v14 =	vand.u32 $0xFFFFFC00, v14;
	v16 =	vadd.s32 s22, v1;
	vm8 =	vgt.u32 v5, $0xFFFFFEDF;
	[tilespmem:s30+$0x800] =	vst v6;
	v6 =	vld.idx.msk [tilespmem:v46+s15+$0x0], vm10  }
0x204: {  	v15 =	vor.u32 v14, v15;
	v14 =	vadd.s32 s20, v1;
	vm6 =	vgt.u32 v4, $0xFFFFFEDF;
	v45 =	vld.idx.msk [tilespmem:v45+s15+$0x0], vm9;
	[tilespmem:s28+$0x800] =	vst v48  }
0x205: {  	v17 =	vor.u32 v2, v17;
	v13 =	vor.u32 v2, v13;
	vm5 =	vgt.u32 v3, $0xFFFFFEDF;
	[tilespmem:s0+$0x830] =	vst v54;
	v44 =	vld.idx.msk [tilespmem:v44+s15+$0x0], vm7  }
0x206: {  	v15 =	vor.u32 v2, v15;
	v8 =	vor.u32 v2, v8;
	vm4 =	vgt.u32 v5, $0xFFFFFECF;
	v52 =	vld.idx.msk [tilespmem:v52+s15+$0x0], vm12  }
0x207: {  	vm3 =	vgt.u32 v4, $0xFFFFFECF;
	v46 =	vor.u32 v2, v53;
	v53 =	vor.u32 v2, v55  }
0x208: {  	vm1 =	vgt.u32 v5, $0xFFFFFEBF;
	vm2 =	vgt.u32 v3, $0xFFFFFECF;
	vm0 =	vgt.u32 v4, $0xFFFFFEBF;
	[tilespmem:s29+$0x810] =	vst v6  }
0x209: {  	vm11 =	vgt.u32 v4, $0xFFFFFE8F;
	v54 =	vor.u32 v2, v60;
	v60 =	vshll.u32 v41, $0x3;
	[tilespmem:s30+$0x810] =	vst v45;
	v45 =	vld.idx.msk [tilespmem:v50+s15+$0x0], vm8  }
0x20a: {  	v0 =	vor.u32 v2, v58;
	v58 =	vshll.u32 v40, $0x3;
	v48 =	vand.u32 $0xFFFFFC00, v60;
	v60 =	vld.idx.msk [tilespmem:v47+s15+$0x0], vm6;
	[tilespmem:s28+$0x810] =	vst v44  }
0x20b: {  	vm13 =	vgt.u32 v5, $0xFFFFFEAF;
	v40 =	vand.u32 $0x7F, v40;
	v58 =	vand.u32 $0xFFFFFC00, v58;
	[tilespmem:s0+$0x840] =	vst v52;
	v47 =	vld.idx.msk [tilespmem:v51+s15+$0x0], vm5  }
0x20c: {  	v55 =	vor.u32 v2, v61;
	v41 =	vand.u32 $0x7F, v41;
	v61 =	vshll.u32 v39, $0x3;
	v52 =	vld.idx.msk [tilespmem:v53+s15+$0x0], vm14  }
0x20d: {  	v39 =	vand.u32 $0x7F, v39;
	vm9 =	vgt.u32 v5, $0xFFFFFE9F;
	v40 =	vor.u32 v58, v40  }
0x20e: {  	v58 =	vor.u32 v2, v59;
	v59 =	vshll.u32 v42, $0x3;
	v6 =	vand.u32 $0xFFFFFC00, v61;
	[tilespmem:s29+$0x820] =	vst v45  }
0x20f: {  	vm10 =	vgt.u32 v4, $0xFFFFFE9F;
	v6 =	vor.u32 v6, v39;
	v39 =	vand.u32 $0xFFFFFC00, v59;
	[tilespmem:s30+$0x820] =	vst v60;
	v59 =	vld.idx.msk [tilespmem:v57+s15+$0x0], vm4  }
0x210: {  	v42 =	vand.u32 $0x7F, v42;
	v41 =	vor.u32 v48, v41;
	vm7 =	vgt.u32 v3, $0xFFFFFEBF;
	v46 =	vld.idx.msk [tilespmem:v46+s15+$0x0], vm3;
	[tilespmem:s28+$0x820] =	vst v47  }
0x211: {  	vm12 =	vgt.u32 v10, $0xFFFFFE8F;
	v40 =	vor.u32 v2, v40;
	v41 =	vor.u32 v2, v41;
	[tilespmem:s0+$0x850] =	vst v52;
	v0 =	vld.idx.msk [tilespmem:v0+s15+$0x0], vm2  }
0x212: {  	v61 =	vshll.u32 v38, $0x3;
	v38 =	vand.u32 $0x7F, v38;
	v45 =	vor.u32 v2, v63;
	v63 =	vld.idx.msk [tilespmem:v54+s15+$0x0], vm15  }
0x213: {  	v39 =	vor.u32 v39, v42;
	v42 =	vand.u32 $0xFFFFFC00, v61;
	v61 =	vshll.u32 v36, $0x3  }
0x214: {  	v36 =	vand.u32 $0x7F, v36;
	v6 =	vor.u32 v2, v6;
	v38 =	vor.u32 v42, v38;
	[tilespmem:s29+$0x830] =	vst v59  }
0x215: {  	v53 =	vshll.u32 v32, $0x3;
	v32 =	vand.u32 $0x7F, v32;
	vm14 =	vgt.u32 v3, $0xFFFFFEAF;
	[tilespmem:s30+$0x830] =	vst v46;
	v44 =	vld.idx.msk [tilespmem:v55+s15+$0x0], vm1  }
0x216: {  	v42 =	vand.u32 $0xFFFFFC00, v53;
	v53 =	vshll.u32 v33, $0x3;
	vm3 =	vgt.u32 v4, $0xFFFFFEAF;
	[tilespmem:s28+$0x830] =	vst v0;
	v0 =	vld.idx.msk [tilespmem:v58+s15+$0x0], vm0  }
0x217: {  	v33 =	vand.u32 $0x7F, v33;
	v32 =	vor.u32 v42, v32;
	v60 =	vshll.u32 v35, $0x3;
	[tilespmem:s0+$0x860] =	vst v63;
	v17 =	vld.idx.msk [tilespmem:v17+s15+$0x0], vm7  }
0x218: {  	v35 =	vand.u32 $0x7F, v35;
	v32 =	vor.u32 v2, v32;
	vm15 =	vgt.u32 v10, $0xFFFFFE7F;
	v15 =	vld.idx.msk [tilespmem:v15+s15+$0x0], vm12  }
0x219: {  	v42 =	vand.u32 $0xFFFFFC00, v60;
	v57 =	vshll.u32 v30, $0x3;
	v52 =	vor.u32 v2, v56  }
0x21a: {  	v30 =	vand.u32 $0x7F, v30;
	v60 =	vshll.u32 v29, $0x3;
	v29 =	vand.u32 $0x7F, v29;
	[tilespmem:s29+$0x840] =	vst v44  }
0x21b: {  	vm4 =	vgt.u32 v10, $0xFFFFFE4F;
	v35 =	vor.u32 v42, v35;
	v42 =	vand.u32 $0xFFFFFC00, v61;
	[tilespmem:s30+$0x840] =	vst v0;
	v0 =	vld.idx.msk [tilespmem:v13+s15+$0x0], vm13  }
0x21c: {  	v56 =	vshll.u32 v34, $0x3;
	v34 =	vand.u32 $0x7F, v34;
	v54 =	vor.u32 v2, v49;
	[tilespmem:s28+$0x840] =	vst v17;
	v8 =	vld.idx.msk [tilespmem:v8+s15+$0x0], vm3  }
0x21d: {  	v36 =	vor.u32 v42, v36;
	v42 =	vand.u32 $0xFFFFFC00, v53;
	vm1 =	vgt.u32 v3, $0xFFFFFE9F;
	[tilespmem:s0+$0x870] =	vst v15;
	v15 =	vld.idx.msk [tilespmem:v45+s15+$0x0], vm14  }
0x21e: {  	vm2 =	vgt.u32 v10, $0xFFFFFE6F;
	v35 =	vor.u32 v2, v35;
	v33 =	vor.u32 v42, v33;
	v61 =	vld.idx.msk [tilespmem:v52+s15+$0x0], vm15  }
0x21f: {  	v48 =	vor.u32 v2, v36;
	v47 =	vor.u32 v2, v33;
	v55 =	vshll.u32 v31, $0x3  }
0x220: {  	v59 =	vor.u32 v2, v39;
	v31 =	vand.u32 $0x7F, v31;
	v42 =	vand.u32 $0xFFFFFC00, v55;
	[tilespmem:s29+$0x850] =	vst v0  }
0x221: {  	v58 =	vshll.u32 v37, $0x3;
	vm0 =	vgt.u32 v10, $0xFFFFFE5F;
	vm3 =	vgt.u32 v5, $0xFFFFFE8F;
	[tilespmem:s30+$0x850] =	vst v8;
	v8 =	vld.idx.msk [tilespmem:v54+s15+$0x0], vm9  }
0x222: {  	v63 =	vshll.u32 v24, $0x3;
	v31 =	vor.u32 v42, v31;
	v42 =	vand.u32 $0xFFFFFC00, v56;
	[tilespmem:s28+$0x850] =	vst v15;
	v15 =	vld.idx.msk [tilespmem:v40+s15+$0x0], vm10  }
0x223: {  	v34 =	vor.u32 v42, v34;
	v42 =	vand.u32 $0xFFFFFC00, v57;
	[tilespmem:s0+$0xC00] =	vst v61;
	v6 =	vld.idx.msk [tilespmem:v6+s15+$0x0], vm1;
	vm1 =	vgt.u32 v3, $0xFFFFFE8F  }
0x224: {  	v24 =	vand.u32 $0x7F, v24;
	v13 =	vor.u32 v42, v30;
	v0 =	vor.u32 v2, v38;
	v42 =	vld.idx.msk [tilespmem:v41+s15+$0x0], vm2  }
0x225: {  	v55 =	vshll.u32 v20, $0x3;
	v20 =	vand.u32 $0x7F, v20;
	vm12 =	vgt.u32 v5, $0xFFFFFE7F  }
0x226: {  	v31 =	vor.u32 v2, v31;
	v57 =	vshll.u32 v19, $0x3;
	v19 =	vand.u32 $0x7F, v19;
	[tilespmem:s29+$0x860] =	vst v8  }
0x227: {  	v50 =	vor.u32 v2, v34;
	v44 =	vshll.u32 v26, $0x3;
	v26 =	vand.u32 $0x7F, v26;
	[tilespmem:s30+$0x860] =	vst v15;
	v46 =	vld.idx.msk [tilespmem:v32+s15+$0x0], vm3  }
0x228: {  	v30 =	vand.u32 $0xFFFFFC00, v58;
	v39 =	vand.u32 $0xFFFFFC00, v44;
	vm13 =	vgt.u32 v4, $0xFFFFFE7F;
	[tilespmem:s28+$0x860] =	vst v6;
	v6 =	vld.idx.msk [tilespmem:v35+s15+$0x0], vm11  }
0x229: {  	v17 =	vand.u32 $0x7F, v37;
	v13 =	vor.u32 v2, v13;
	vm14 =	vgt.u32 v3, $0xFFFFFE7F;
	[tilespmem:s0+$0xC10] =	vst v42;
	v0 =	vld.idx.msk [tilespmem:v0+s15+$0x0], vm1  }
0x22a: {  	v17 =	vor.u32 v30, v17;
	v30 =	vand.u32 $0xFFFFFC00, v60;
	v45 =	vshll.u32 v28, $0x3;
	v49 =	vld.idx.msk [tilespmem:v59+s15+$0x0], vm0  }
0x22b: {  	v28 =	vand.u32 $0x7F, v28;
	vm15 =	vgt.u32 v5, $0xFFFFFE6F;
	v52 =	vshll.u32 v21, $0x3  }
0x22c: {  	v29 =	vor.u32 v30, v29;
	v30 =	vand.u32 $0xFFFFFC00, v63;
	v38 =	vshll.u32 v25, $0x3;
	[tilespmem:s29+$0x870] =	vst v46  }
0x22d: {  	v24 =	vor.u32 v30, v24;
	v25 =	vand.u32 $0x7F, v25;
	v30 =	vand.u32 $0xFFFFFC00, v38;
	[tilespmem:s30+$0x870] =	vst v6;
	v6 =	vld.idx.msk [tilespmem:v47+s15+$0x0], vm12  }
0x22e: {  	v24 =	vor.u32 v2, v24;
	v25 =	vor.u32 v30, v25;
	vm12 =	vgt.u32 v4, $0xFFFFFE6F;
	[tilespmem:s28+$0x870] =	vst v0;
	v0 =	vld.idx.msk [tilespmem:v31+s15+$0x0], vm13  }
0x22f: {  	v21 =	vand.u32 $0x7F, v21;
	v25 =	vor.u32 v2, v25;
	[tilespmem:s0+$0xC20] =	vst v49;
	vm13 =	vgt.u32 v3, $0xFFFFFE6F;
	v13 =	vld.idx.msk [tilespmem:v13+s15+$0x0], vm14  }
0x230: {  	v17 =	vor.u32 v2, v17;
	v51 =	vor.u32 v2, v29;
	vm3 =	vgt.u32 v10, $0xFFFFFE3F;
	v53 =	vld.idx.msk [tilespmem:v48+s15+$0x0], vm4  }
0x231: {  	v54 =	vshll.u32 v22, $0x3;
	v22 =	vand.u32 $0x7F, v22;
	vm9 =	vgt.u32 v3, $0xFFFFFE5F  }
0x232: {  	vm2 =	vgt.u32 v10, $0xFFFFFE2F;
	v8 =	vand.u32 $0xFFFFFC00, v45;
	v15 =	vor.u32 v39, v26;
	[tilespmem:s29+$0xC00] =	vst v6  }
0x233: {  	v8 =	vor.u32 v8, v28;
	v15 =	vor.u32 v2, v15;
	vm14 =	vgt.u32 v5, $0xFFFFFE5F;
	[tilespmem:s30+$0xC00] =	vst v0;
	v0 =	vld.idx.msk [tilespmem:v24+s15+$0x0], vm15  }
0x234: {  	vm1 =	vgt.u32 v10, $0xFFFFFE1F;
	vm0 =	vgt.u32 v10, $0xFFFFFE0F;
	v10 =	vshll.u32 v23, $0x3;
	[tilespmem:s28+$0xC00] =	vst v13;
	v13 =	vld.idx.msk [tilespmem:v25+s15+$0x0], vm12  }
0x235: {  	v23 =	vand.u32 $0x7F, v23;
	v10 =	vand.u32 $0xFFFFFC00, v10;
	vm15 =	vgt.u32 v4, $0xFFFFFE5F;
	[tilespmem:s0+$0xC30] =	vst v53;
	v56 =	vld.idx.msk [tilespmem:v51+s15+$0x0], vm13  }
0x236: {  	v8 =	vor.u32 v2, v8;
	v10 =	vor.u32 v10, v23;
	v6 =	vand.u32 $0xFFFFFC00, v54;
	v58 =	vld.idx.msk [tilespmem:v50+s15+$0x0], vm3  }
0x237: {  	v23 =	vand.u32 $0xFFFFFC00, v52;
	v6 =	vor.u32 v6, v22;
	v22 =	vand.u32 $0xFFFFFC00, v55  }
0x238: {  	v21 =	vor.u32 v23, v21;
	v20 =	vor.u32 v22, v20;
	v22 =	vand.u32 $0xFFFFFC00, v57;
	[tilespmem:s29+$0xC10] =	vst v0  }
0x239: {  	v40 =	vshll.u32 v27, $0x3;
	v21 =	vor.u32 v2, v21;
	v19 =	vor.u32 v22, v19;
	[tilespmem:s30+$0xC10] =	vst v13;
	v13 =	vld.idx.msk [tilespmem:v15+s15+$0x0], vm14  }
0x23a: {  	v27 =	vand.u32 $0x7F, v27;
	vm3 =	vgt.u32 v5, $0xFFFFFE4F;
	v15 =	vor.u32 v2, v19;
	v19 =	vld [tilespmem:$0x1FF60];
	[tilespmem:s28+$0xC10] =	vst v56  }
0x23b: {  	vm10 =	vgt.u32 v4, $0xFFFFFE4F;
	v30 =	vand.u32 $0xFFFFFC00, v40;
	v6 =	vor.u32 v2, v6;
	v8 =	vld.idx.msk [tilespmem:v8+s15+$0x0], vm15;
	[tilespmem:s0+$0xC40] =	vst v58  }
0x23c: {  	v61 =	vshll.u32 v14, $0x3;
	v14 =	vand.u32 $0x7F, v14;
	v27 =	vor.u32 v30, v27;
	v60 =	vld [tilespmem:$0x1FF70]  }
0x23d: {  	v27 =	vor.u32 v2, v27;
	vm11 =	vgt.u32 v3, $0xFFFFFE4F;
	v59 =	vshll.u32 v18, $0x3  }
0x23e: {  	v18 =	vand.u32 $0x7F, v18;
	vm12 =	vgt.u32 v4, $0xFFFFFE3F;
	v0 =	vand.u32 $0xFFFFFC00, v59;
	v21 =	vld.idx.msk [tilespmem:v21+s15+$0x0], vm9  }
0x23f: {  	v20 =	vor.u32 v2, v20;
	v0 =	vor.u32 v0, v18;
	v17 =	vld.idx.msk [tilespmem:v17+s15+$0x0], vm2;
	[tilespmem:s29+$0xC20] =	vst v13;
	v18 =	vshll.u32 v19, $0x3  }
0x240: {  	v13 =	vand.u32 $0xFFFFFC00, v61;
	v19 =	vand.u32 $0x7F, v19;
	[tilespmem:s30+$0xC20] =	vst v8;
	v6 =	vld.idx.msk [tilespmem:v6+s15+$0x0], vm3;
	v18 =	vand.u32 $0xFFFFFC00, v18  }
0x241: {  	v8 =	vor.u32 v13, v14;
	v14 =	vld.idx.msk [tilespmem:v15+s15+$0x0], vm10;
	v18 =	vor.u32 v18, v19;
	v19 =	vshll.u32 v60, $0x3  }
0x242: {  	v0 =	vor.u32 v2, v0;
	v22 =	vand.u32 $0x7F, v60;
	v19 =	vand.u32 $0xFFFFFC00, v19  }
0x243: {  	vm2 =	vgt.u32 v5, $0xFFFFFE3F;
	v13 =	vshll.u32 v62, $0x3;
	[tilespmem:s28+$0xC20] =	vst v21;
	v19 =	vor.u32 v19, v22  }
0x244: {  	v13 =	vand.u32 $0xFFFFFC00, v13;
	[tilespmem:s0+$0xC50] =	vst v17;
	v15 =	vor.u32 v2, v19;
	v19 =	vand.u32 $0x7F, v62  }
0x245: {  	vm13 =	vgt.u32 v3, $0xFFFFFE3F;
	v17 =	vld.idx.msk [tilespmem:v20+s15+$0x0], vm11;
	[tilespmem:s29+$0xC30] =	vst v6;
	v13 =	vor.u32 v13, v19;
	v19 =	vshll.u32 v16, $0x3  }
0x246: {  	s25 =	sadd.s32 $0x1E0, s4;
	v18 =	vor.u32 v2, v18;
	v16 =	vand.u32 $0x7F, v16;
	[tilespmem:s30+$0xC30] =	vst v14;
	v19 =	vand.u32 $0xFFFFFC00, v19  }
0x247: {  	s6 =	sadd.s32 $0x1F0, s6;
	s24 =	sadd.s32 $0x1E0, s5;
	s5 =	sadd.s32 $0x1F0, s5;
	v9 =	vadd.s32 s25, v1;
	v16 =	vor.u32 v19, v16;
	v19 =	vld [tilespmem:$0x1FF80]  }
0x248: {  	s31 =	sadd.s32 $0x1F0, s4;
	v7 =	vadd.s32 s24, v1;
	v43 =	vadd.s32 s6, v1;
	v11 =	vadd.s32 s5, v1;
	v63 =	vld.idx.msk [tilespmem:v27+s15+$0x0], vm1  }
0x249: {  	v12 =	vadd.s32 s31, v1;
	v10 =	vor.u32 v2, v10;
	vm14 =	vgt.u32 v5, $0xFFFFFE2F;
	v0 =	vld.idx.msk [tilespmem:v0+s15+$0x0], vm2  }
0x24a: {  	vm15 =	vgt.u32 v4, $0xFFFFFE2F;
	vm3 =	vgt.u32 v3, $0xFFFFFE2F;
	v6 =	vor.u32 v2, v8;
	[tilespmem:s28+$0xC30] =	vst v17;
	v15 =	vld.idx.msk [tilespmem:v15+s15+$0x0], vm12  }
0x24b: {  	vm1 =	vgt.u32 v4, $0xFFFFFE1F;
	vm2 =	vgt.u32 v5, $0xFFFFFE1F;
	v16 =	vor.u32 v2, v16;
	v18 =	vld.idx.msk [tilespmem:v18+s15+$0x0], vm13  }
0x24c: {  	v14 =	vor.u32 v2, v13;
	v13 =	vshll.u32 v7, $0x3;
	v8 =	vshll.u32 v19, $0x3  }
0x24d: {  	v7 =	vand.u32 $0x7F, v7;
	[tilespmem:s0+$0xC60] =	vst v63;
	v17 =	vand.u32 $0x7F, v19;
	v8 =	vand.u32 $0xFFFFFC00, v8  }
0x24e: {  	v13 =	vand.u32 $0xFFFFFC00, v13;
	v10 =	vld.idx.msk [tilespmem:v10+s15+$0x0], vm0;
	[tilespmem:s29+$0xC40] =	vst v0;
	v8 =	vor.u32 v8, v17;
	v17 =	vshll.u32 v9, $0x3  }
0x24f: {  	v19 =	vor.u32 v13, v7;
	v13 =	vld.idx.msk [tilespmem:v6+s15+$0x0], vm14;
	v9 =	vand.u32 $0x7F, v9;
	[tilespmem:s30+$0xC40] =	vst v15;
	v17 =	vand.u32 $0xFFFFFC00, v17  }
0x250: {  	vm0 =	vgt.u32 v3, $0xFFFFFE1F;
	v0 =	vshll.u32 v43, $0x3;
	[tilespmem:s28+$0xC40] =	vst v18;
	v7 =	vor.u32 v17, v9;
	v9 =	vld.idx.msk [tilespmem:v16+s15+$0x0], vm15  }
0x251: {  	v6 =	vor.u32 v2, v19;
	v15 =	vshll.u32 v11, $0x3;
	v14 =	vld.idx.msk [tilespmem:v14+s15+$0x0], vm3;
	v8 =	vor.u32 v2, v8  }
0x252: {  	v16 =	vand.u32 $0xFFFFFC00, v0;
	v0 =	vshll.u32 v12, $0x3;
	v7 =	vor.u32 v2, v7  }
0x253: {  	[tilespmem:s0+$0xC70] =	vst v10;
	v15 =	vand.u32 $0xFFFFFC00, v15;
	v17 =	vand.u32 $0x7F, v43;
	v10 =	vand.u32 $0xFFFFFC00, v0  }
.LBB2_7:
0x254: {  	s26 =	sadd.s32 $0x4, s26;
	[tilespmem:s29+$0xC50] =	vst v13  }
0x255: {  	v0 =	vand.u32 $0x7F, v11;
	v11 =	vor.u32 v16, v17;
	v12 =	vand.u32 $0x7F, v12;
	s1 =	sand.u32 $0x4, s26;
	[tilespmem:s30+$0xC50] =	vst v9  }
0x256: {  	v0 =	vor.u32 v15, v0;
	v8 =	vld.idx.msk [tilespmem:v8+s15+$0x0], vm2;
	vm2 =	vgt.u32 v5, $0xFFFFFE0F;
	v5 =	vor.u32 v10, v12;
	s17 =	sshrl.u32 s26, $0x3;
	s4 =	sor.u32 $0x1, s1;
	[tilespmem:s28+$0xC50] =	vst v14  }
0x257: {  	s2 =	sor.u32 $0x2, s1;
	s3 =	sor.u32 $0x3, s1;
	v9 =	vor.u32 v2, v11;
	v10 =	vor.u32 v2, v5;
	v0 =	vor.u32 v2, v0;
	v7 =	vld.idx.msk [tilespmem:v7+s15+$0x0], vm1;
	s5 =	sor.u32 s8, s4  }
0x258: {  	s9 =	sor.u32 s8, s1;
	vm1 =	vgt.u32 v4, $0xFFFFFE0F;
	s6 =	sor.u32 s8, s2;
	s7 =	sor.u32 s8, s3;
	v6 =	vld.idx.msk [tilespmem:v6+s15+$0x0], vm0;
	vm0 =	vgt.u32 v3, $0xFFFFFE0F;
	v2 =	vmov s5  }
0x259: {  	s11 =	sadd.s32 $0xFFFFFFFF, s9;
	v11 =	vmov s9;
	s23 =	sadd.s32 s19, s9;
	s25 =	sshll.u32 s9, $0x9;
	v3 =	vmov s6;
	v5 =	vsub.s32 v1, v2  }
0x25a: {  	s0 =	sadd.s32 $0xFFFFFFFF, s5;
	s10 =	sadd.s32 $0xFFFFFFFF, s7;
	s11 =	smul.u32 s9, s11;
	v4 =	vsub.s32 v1, v3;
	v3 =	vsub.s32 v1, v11;
	v2 =	vmov s17  }
0x25b: {  	s12 =	sadd.s32 $0xFFFFFFFF, s6;
	s13 =	sadd.s32 s19, s5;
	s10 =	smul.u32 s7, s10;
	vm13 =	vgt.u32 v5, $0xFFFFFEFF;
	vm12 =	vgt.u32 v4, $0xFFFFFEFF;
	vm11 =	vgt.u32 v3, $0xFFFFFEFF  }
0x25c: {  	s14 =	sadd.s32 s19, s6;
	s16 =	sadd.s32 s19, s7;
	s0 =	smul.u32 s5, s0;
	vm10 =	vgt.u32 v5, $0xFFFFFEEF;
	vm8 =	vgt.u32 v4, $0xFFFFFEEF;
	[tilespmem:s29+$0xC60] =	vst v8;
	vm9 =	vgt.u32 v3, $0xFFFFFEEF  }
0x25d: {  	s18 =	sshll.u32 s7, $0x9;
	s12 =	smul.u32 s6, s12;
	vm7 =	vgt.u32 v5, $0xFFFFFEDF;
	vm5 =	vgt.u32 v4, $0xFFFFFEDF;
	vm6 =	vgt.u32 v3, $0xFFFFFEDF;
	s10 =	sshrl.u32 s10, $0x1;
	v8 =	vld.idx.msk [tilespmem:v9+s15+$0x0], vm2  }
0x25e: {  	s5 =	sshll.u32 s5, $0x9;
	vm4 =	vgt.u32 v5, $0xFFFFFECF;
	v2 =	vshll.u32 v2, $0x7;
	vm3 =	vgt.u32 v4, $0xFFFFFECF;
	s22 =	sshrl.u32 s0, $0x1;
	s10 =	sadd.s32 s10, s16;
	[tilespmem:s30+$0xC60] =	vst v7  }
0x25f: {  	s6 =	sshll.u32 s6, $0x9;
	vm2 =	vgt.u32 v3, $0xFFFFFECF;
	v2 =	vand.u32 $0x380, v2;
	[tilespmem:s28+$0xC60] =	vst v6;
	s13 =	sadd.s32 s22, s13;
	v6 =	vmov s7;
	s0 =	ssub.s32 s18, s10;
	v7 =	vld.idx.msk [tilespmem:v10+s15+$0x0], vm1  }
0x260: {  	s12 =	sshrl.u32 s12, $0x1;
	v2 =	vbroadcast v2, $0x0;
	v0 =	vld.idx.msk [tilespmem:v0+s15+$0x0], vm0;
	vm0 =	vgt.u32 v5, $0xFFFFFEBF;
	s16 =	ssub.s32 s5, s13;
	v6 =	vsub.s32 v1, v6;
	s24 =	sadd.s32 $0x100, s0  }
0x261: {  	s11 =	sshrl.u32 s11, $0x1;
	s12 =	sadd.s32 s12, s14;
	vm1 =	vgt.u32 v4, $0xFFFFFEBF;
	s5 =	sadd.s32 $0x100, s16;
	vm14 =	vgt.u32 v6, $0xFFFFFEFF;
	v9 =	vadd.s32 s24, v1  }
0x262: {  	s8 =	sshll.u32 s26, $0x9;
	s10 =	sadd.s32 s11, s23;
	s13 =	ssub.s32 s6, s12;
	vm15 =	vgt.u32 v6, $0xFFFFFEAF;
	v10 =	vshll.u32 v9, $0x3;
	[tilespmem:s29+$0xC70] =	vst v8;
	v8 =	vadd.s32 s5, v1  }
0x263: {  	s19 =	ssub.s32 s25, s10;
	v9 =	vand.u32 $0x7F, v9;
	s29 =	sand.u32 $0x3FFFF000, s8;
	s8 =	sadd.s32 $0x120, s0;
	v10 =	vand.u32 $0xFFFFFC00, v10;
	v11 =	vshll.u32 v8, $0x3  }
0x264: {  	s6 =	sadd.s32 $0x100, s13;
	s31 =	sadd.s32 $0x100, s19;
	v8 =	vand.u32 $0x7F, v8;
	v17 =	vadd.s32 s8, v1;
	v9 =	vor.u32 v10, v9  }
0x265: {  	v10 =	vadd.s32 s6, v1;
	[tilespmem:s30+$0xC70] =	vst v7;
	v7 =	vadd.s32 s31, v1;
	v11 =	vand.u32 $0xFFFFFC00, v11  }
0x266: {  	s6 =	sshll.u32 s2, $0x7;
	[tilespmem:s28+$0xC70] =	vst v0;
	s2 =	sadd.s32 $0x110, s0;
	v9 =	vor.u32 v2, v9;
	v12 =	vshll.u32 v10, $0x3;
	v0 =	vshll.u32 v7, $0x3  }
0x267: {  	v13 =	vadd.s32 s2, v1;
	v7 =	vand.u32 $0x7F, v7;
	v10 =	vand.u32 $0x7F, v10  }
0x268: {  	s8 =	sadd.s32 $0x180, s16;
	v8 =	vor.u32 v11, v8;
	v12 =	vand.u32 $0xFFFFFC00, v12;
	v14 =	vshll.u32 v13, $0x3  }
0x269: {  	s7 =	sadd.s32 $0x110, s13;
	[dreg:$0x14] =	wrdreg s8;
	s8 =	sadd.s32 $0x190, s19;
	v0 =	vand.u32 $0xFFFFFC00, v0;
	v11 =	vand.u32 $0x7F, v13;
	v13 =	vand.u32 $0xFFFFFC00, v14  }
0x26a: {  	s18 =	sadd.s32 $0x110, s19;
	[dreg:$0x12] =	wrdreg s8;
	s8 =	sadd.s32 $0x1A0, s16;
	v10 =	vor.u32 v12, v10;
	v0 =	vor.u32 v0, v7;
	v7 =	vor.u32 v2, v8  }
0x26b: {  	[dreg:$0xf] =	wrdreg s8;
	s8 =	sadd.s32 $0x190, s13;
	v12 =	vadd.s32 s18, v1;
	v14 =	vadd.s32 s7, v1;
	v11 =	vor.u32 v13, v11  }
0x26c: {  	[dreg:$0x13] =	wrdreg s8;
	s8 =	sadd.s32 $0x1A0, s19;
	v0 =	vor.u32 v2, v0;
	v10 =	vor.u32 v2, v10;
	v15 =	vshll.u32 v12, $0x3  }
0x26d: {  	s5 =	sadd.s32 $0x110, s16;
	v16 =	vshll.u32 v14, $0x3;
	v12 =	vand.u32 $0x7F, v12;
	[dreg:$0xe] =	wrdreg s8;
	s8 =	sadd.s32 $0x1B0, s16;
	v14 =	vand.u32 $0x7F, v14  }
0x26e: {  	v8 =	vor.u32 v2, v11;
	v11 =	vadd.s32 s5, v1;
	v16 =	vand.u32 $0xFFFFFC00, v16;
	[dreg:$0xb] =	wrdreg s8;
	s8 =	sadd.s32 $0x1A0, s13  }
0x26f: {  	s9 =	sadd.s32 $0x120, s13;
	v15 =	vand.u32 $0xFFFFFC00, v15;
	v9 =	vld.idx.msk [tilespmem:v9+s15+$0x0], vm14;
	vm14 =	vgt.u32 v6, $0xFFFFFEEF;
	v13 =	vshll.u32 v11, $0x3;
	[dreg:$0x10] =	wrdreg s8;
	s8 =	sadd.s32 $0x1B0, s19  }
0x270: {  	s3 =	sshll.u32 s3, $0x7;
	v11 =	vand.u32 $0x7F, v11;
	v12 =	vor.u32 v15, v12;
	v15 =	vadd.s32 s9, v1;
	[dreg:$0xc] =	wrdreg s8;
	s8 =	sadd.s32 $0x1C0, s16  }
0x271: {  	s24 =	sadd.s32 $0x120, s16;
	v13 =	vand.u32 $0xFFFFFC00, v13;
	v12 =	vor.u32 v2, v12;
	v7 =	vld.idx.msk [tilespmem:v7+s15+$0x0], vm13;
	vm13 =	vgt.u32 v6, $0xFFFFFEDF;
	[dreg:$0x8] =	wrdreg s8;
	s8 =	sadd.s32 $0x1B0, s13  }
0x272: {  	s30 =	sadd.s32 $0x14C00, s29;
	v11 =	vor.u32 v13, v11;
	v13 =	vor.u32 v16, v14;
	v14 =	vadd.s32 s24, v1;
	v10 =	vld.idx.msk [tilespmem:v10+s15+$0x0], vm12;
	[dreg:$0xd] =	wrdreg s8;
	s8 =	sadd.s32 $0x1C0, s19  }
0x273: {  	s18 =	sor.u32 s3, s30;
	v0 =	vld.idx.msk [tilespmem:v0+s15+$0x0], vm11;
	v11 =	vor.u32 v2, v11;
	v13 =	vor.u32 v2, v13;
	v18 =	vshll.u32 v14, $0x3;
	[dreg:$0x9] =	wrdreg s8;
	s8 =	sadd.s32 $0x1C0, s13  }
0x274: {  	s10 =	sshll.u32 s4, $0x7;
	v14 =	vand.u32 $0x7F, v14;
	[tilespmem:s18+$0x800] =	vst v9;
	v9 =	vshll.u32 v17, $0x3;
	v17 =	vand.u32 $0x7F, v17;
	[dreg:$0xa] =	wrdreg s8;
	s8 =	sadd.s32 $0x130, s0  }
0x275: {  	s25 =	sadd.s32 $0x120, s19;
	s28 =	sshll.u32 s1, $0x7;
	s29 =	sor.u32 s10, s30;
	v8 =	vld.idx.msk [tilespmem:v8+s15+$0x0], vm14;
	v9 =	vand.u32 $0xFFFFFC00, v9;
	v16 =	vadd.s32 s8, v1;
	vm14 =	vgt.u32 v6, $0xFFFFFEBF  }
0x276: {  	s28 =	sor.u32 s28, s30;
	s30 =	sor.u32 s6, s30;
	v9 =	vor.u32 v9, v17;
	v17 =	vadd.s32 s25, v1;
	[tilespmem:s29+$0x800] =	vst v7;
	v7 =	vshll.u32 v15, $0x3  }
0x277: {  	v15 =	vand.u32 $0x7F, v15;
	v9 =	vor.u32 v2, v9;
	[tilespmem:s30+$0x800] =	vst v10;
	v10 =	vand.u32 $0xFFFFFC00, v18  }
0x278: {  	v19 =	vshll.u32 v17, $0x3;
	[tilespmem:s28+$0x800] =	vst v0;
	v0 =	vld.idx.msk [tilespmem:v11+s15+$0x0], vm10;
	v7 =	vand.u32 $0xFFFFFC00, v7;
	v10 =	vor.u32 v10, v14  }
0x279: {  	s8 =	sadd.s32 $0x140, s0;
	v11 =	vand.u32 $0xFFFFFC00, v19;
	v13 =	vld.idx.msk [tilespmem:v13+s15+$0x0], vm8;
	v7 =	vor.u32 v7, v15;
	v10 =	vor.u32 v2, v10  }
0x27a: {  	s17 =	sadd.s32 $0x130, s16;
	v14 =	vadd.s32 s8, v1;
	v7 =	vor.u32 v2, v7;
	[tilespmem:s18+$0x810] =	vst v8;
	v8 =	vshll.u32 v16, $0x3  }
0x27b: {  	v15 =	vadd.s32 s17, v1;
	v16 =	vand.u32 $0x7F, v16;
	v8 =	vand.u32 $0xFFFFFC00, v8  }
0x27c: {  	s11 =	sadd.s32 $0x130, s13;
	s17 =	sadd.s32 $0x150, s0;
	v9 =	vld.idx.msk [tilespmem:v9+s15+$0x0], vm13;
	vm13 =	vgt.u32 v6, $0xFFFFFECF;
	v8 =	vor.u32 v8, v16;
	v16 =	vand.u32 $0x7F, v17  }
0x27d: {  	v12 =	vld.idx.msk [tilespmem:v12+s15+$0x0], vm9;
	[tilespmem:s29+$0x810] =	vst v0;
	v0 =	vadd.s32 s11, v1;
	v17 =	vadd.s32 s17, v1;
	v8 =	vor.u32 v2, v8  }
0x27e: {  	v11 =	vor.u32 v11, v16;
	v16 =	vshll.u32 v15, $0x3;
	[tilespmem:s30+$0x810] =	vst v13;
	v15 =	vand.u32 $0x7F, v15;
	v10 =	vld.idx.msk [tilespmem:v10+s15+$0x0], vm7  }
0x27f: {  	v11 =	vor.u32 v2, v11;
	v13 =	vand.u32 $0xFFFFFC00, v16;
	v16 =	vshll.u32 v0, $0x3;
	v7 =	vld.idx.msk [tilespmem:v7+s15+$0x0], vm5  }
0x280: {  	v0 =	vand.u32 $0x7F, v0;
	v16 =	vand.u32 $0xFFFFFC00, v16;
	v13 =	vor.u32 v13, v15  }
0x281: {  	v0 =	vor.u32 v16, v0;
	v13 =	vor.u32 v2, v13;
	[tilespmem:s18+$0x820] =	vst v9;
	v9 =	vshll.u32 v14, $0x3  }
0x282: {  	s12 =	sadd.s32 $0x130, s19;
	s20 =	sadd.s32 $0x140, s19;
	[tilespmem:s28+$0x810] =	vst v12;
	v14 =	vand.u32 $0x7F, v14;
	v0 =	vor.u32 v2, v0;
	v9 =	vand.u32 $0xFFFFFC00, v9  }
0x283: {  	s14 =	sadd.s32 $0x140, s13;
	v8 =	vld.idx.msk [tilespmem:v8+s15+$0x0], vm13;
	v9 =	vor.u32 v9, v14;
	v14 =	vadd.s32 s12, v1;
	[tilespmem:s29+$0x820] =	vst v10;
	v10 =	vadd.s32 s20, v1  }
0x284: {  	v11 =	vld.idx.msk [tilespmem:v11+s15+$0x0], vm6;
	[tilespmem:s30+$0x820] =	vst v7;
	v7 =	vadd.s32 s14, v1;
	v9 =	vor.u32 v2, v9;
	v12 =	vshll.u32 v14, $0x3  }
0x285: {  	v14 =	vand.u32 $0x7F, v14;
	v16 =	vshll.u32 v7, $0x3;
	v12 =	vand.u32 $0xFFFFFC00, v12  }
0x286: {  	v7 =	vand.u32 $0x7F, v7;
	v16 =	vand.u32 $0xFFFFFC00, v16;
	v13 =	vld.idx.msk [tilespmem:v13+s15+$0x0], vm4;
	v12 =	vor.u32 v12, v14  }
0x287: {  	s20 =	sadd.s32 $0x160, s0;
	v14 =	vand.u32 $0x7F, v17;
	v0 =	vld.idx.msk [tilespmem:v0+s15+$0x0], vm3;
	vm3 =	vgt.u32 v6, $0xFFFFFE9F;
	v7 =	vor.u32 v16, v7  }
0x288: {  	[tilespmem:s18+$0x830] =	vst v8;
	v8 =	vshll.u32 v17, $0x3;
	v12 =	vor.u32 v2, v12;
	v17 =	vadd.s32 s20, v1  }
0x289: {  	s22 =	sadd.s32 $0x140, s16;
	v7 =	vor.u32 v2, v7;
	v8 =	vand.u32 $0xFFFFFC00, v8;
	[tilespmem:s28+$0x820] =	vst v11;
	v11 =	vshll.u32 v10, $0x3;
	v9 =	vld.idx.msk [tilespmem:v9+s15+$0x0], vm14  }
0x28a: {  	v10 =	vand.u32 $0x7F, v10;
	v8 =	vor.u32 v8, v14;
	v14 =	vadd.s32 s22, v1  }
0x28b: {  	v11 =	vand.u32 $0xFFFFFC00, v11;
	v8 =	vor.u32 v2, v8;
	v15 =	vshll.u32 v14, $0x3  }
0x28c: {  	s21 =	sadd.s32 $0x150, s13;
	s22 =	sadd.s32 $0x170, s0;
	v14 =	vand.u32 $0x7F, v14;
	v10 =	vor.u32 v11, v10;
	[tilespmem:s29+$0x830] =	vst v13;
	v15 =	vand.u32 $0xFFFFFC00, v15  }
0x28d: {  	v13 =	vadd.s32 s21, v1;
	v16 =	vadd.s32 s22, v1;
	[tilespmem:s30+$0x830] =	vst v0;
	v14 =	vor.u32 v15, v14  }
0x28e: {  	v12 =	vld.idx.msk [tilespmem:v12+s15+$0x0], vm2;
	vm2 =	vgt.u32 v3, $0xFFFFFEBF;
	v11 =	vor.u32 v2, v14;
	[tilespmem:s18+$0x840] =	vst v9;
	v9 =	vshll.u32 v17, $0x3  }
0x28f: {  	v10 =	vor.u32 v2, v10;
	v7 =	vld.idx.msk [tilespmem:v7+s15+$0x0], vm1;
	v17 =	vand.u32 $0x7F, v17;
	v9 =	vand.u32 $0xFFFFFC00, v9  }
0x290: {  	s23 =	sadd.s32 $0x150, s19;
	s31 =	sadd.s32 $0x150, s16;
	v18 =	vshll.u32 v13, $0x3;
	v13 =	vand.u32 $0x7F, v13;
	v8 =	vld.idx.msk [tilespmem:v8+s15+$0x0], vm15;
	v9 =	vor.u32 v9, v17  }
0x291: {  	s4 =	sadd.s32 $0x160, s16;
	v15 =	vadd.s32 s23, v1;
	v14 =	vadd.s32 s31, v1;
	v9 =	vor.u32 v2, v9  }
0x292: {  	[dreg:$0x15] =	wrdreg s4;
	vm1 =	vgt.u32 v5, $0xFFFFFEAF;
	v19 =	vshll.u32 v15, $0x3;
	v17 =	vshll.u32 v14, $0x3  }
0x293: {  	s12 =	sadd.s32 $0x190, s0;
	v15 =	vand.u32 $0x7F, v15;
	s31 =	rddreg [dreg:$0x15];
	v14 =	vand.u32 $0x7F, v14;
	[tilespmem:s28+$0x830] =	vst v12;
	v12 =	vand.u32 $0xFFFFFC00, v17;
	v11 =	vld.idx.msk [tilespmem:v11+s15+$0x0], vm0  }
0x294: {  	s23 =	sadd.s32 $0x180, s0;
	[tilespmem:s30+$0x840] =	vst v7;
	v7 =	vadd.s32 s31, v1;
	v17 =	vadd.s32 s12, v1;
	vm0 =	vgt.u32 v6, $0xFFFFFE8F;
	v10 =	vld.idx.msk [tilespmem:v10+s15+$0x0], vm2  }
0x295: {  	v12 =	vor.u32 v12, v14;
	v14 =	vadd.s32 s23, v1;
	[tilespmem:s18+$0x850] =	vst v8;
	v8 =	vshll.u32 v16, $0x3  }
0x296: {  	vm2 =	vgt.u32 v4, $0xFFFFFEAF;
	v8 =	vand.u32 $0xFFFFFC00, v8;
	v0 =	vld.idx.msk [tilespmem:v9+s15+$0x0], vm3;
	v9 =	vand.u32 $0x7F, v16  }
0x297: {  	v12 =	vor.u32 v2, v12;
	v16 =	vand.u32 $0xFFFFFC00, v18;
	v8 =	vor.u32 v8, v9  }
0x298: {  	s1 =	sadd.s32 $0x160, s13;
	vm3 =	vgt.u32 v6, $0xFFFFFE7F;
	v9 =	vand.u32 $0xFFFFFC00, v19;
	[tilespmem:s29+$0x840] =	vst v11;
	v8 =	vor.u32 v2, v8  }
0x299: {  	v13 =	vor.u32 v16, v13;
	v11 =	vand.u32 $0x7F, v14;
	[tilespmem:s28+$0x840] =	vst v10;
	v10 =	vadd.s32 s1, v1  }
0x29a: {  	v9 =	vor.u32 v9, v15;
	v13 =	vor.u32 v2, v13;
	v15 =	vshll.u32 v10, $0x3  }
0x29b: {  	v10 =	vand.u32 $0x7F, v10;
	v15 =	vand.u32 $0xFFFFFC00, v15;
	[tilespmem:s18+$0x860] =	vst v0;
	v0 =	vshll.u32 v14, $0x3  }
0x29c: {  	v12 =	vld.idx.msk [tilespmem:v12+s15+$0x0], vm1;
	v9 =	vor.u32 v2, v9;
	v10 =	vor.u32 v15, v10;
	v0 =	vand.u32 $0xFFFFFC00, v0  }
0x29d: {  	v14 =	vshll.u32 v7, $0x3;
	v7 =	vand.u32 $0x7F, v7;
	v8 =	vld.idx.msk [tilespmem:v8+s15+$0x0], vm0;
	v0 =	vor.u32 v0, v11  }
0x29e: {  	s2 =	sadd.s32 $0x160, s19;
	v14 =	vand.u32 $0xFFFFFC00, v14;
	vm0 =	vgt.u32 v3, $0xFFFFFEAF;
	v0 =	vor.u32 v2, v0  }
0x29f: {  	v11 =	vadd.s32 s2, v1;
	v13 =	vld.idx.msk [tilespmem:v13+s15+$0x0], vm2;
	v7 =	vor.u32 v14, v7;
	vm2 =	vgt.u32 v5, $0xFFFFFE9F  }
0x2a0: {  	s4 =	sadd.s32 $0x170, s16;
	v10 =	vor.u32 v2, v10;
	v16 =	vshll.u32 v11, $0x3;
	v7 =	vor.u32 v2, v7  }
0x2a1: {  	[tilespmem:s29+$0x850] =	vst v12;
	v12 =	vadd.s32 s4, v1;
	v11 =	vand.u32 $0x7F, v11;
	v16 =	vand.u32 $0xFFFFFC00, v16  }
0x2a2: {  	v14 =	vand.u32 $0x7F, v17;
	v11 =	vor.u32 v16, v11;
	v16 =	vshll.u32 v12, $0x3;
	[tilespmem:s18+$0x870] =	vst v8  }
0x2a3: {  	v12 =	vand.u32 $0x7F, v12;
	v11 =	vor.u32 v2, v11;
	v0 =	vld.idx.msk [tilespmem:v0+s15+$0x0], vm3;
	vm3 =	vgt.u32 v4, $0xFFFFFE9F  }
0x2a4: {  	v16 =	vand.u32 $0xFFFFFC00, v16;
	v8 =	vshll.u32 v17, $0x3;
	v9 =	vld.idx.msk [tilespmem:v9+s15+$0x0], vm0;
	vm0 =	vgt.u32 v3, $0xFFFFFE9F  }
0x2a5: {  	v12 =	vor.u32 v16, v12;
	v8 =	vand.u32 $0xFFFFFC00, v8;
	v7 =	vld.idx.msk [tilespmem:v7+s15+$0x0], vm2;
	vm2 =	vgt.u32 v5, $0xFFFFFE8F  }
0x2a6: {  	s5 =	sadd.s32 $0x170, s13;
	vm1 =	vgt.u32 v6, $0xFFFFFE6F;
	v12 =	vor.u32 v2, v12;
	v8 =	vor.u32 v8, v14  }
0x2a7: {  	s14 =	sadd.s32 $0x1A0, s0;
	[tilespmem:s30+$0x850] =	vst v13;
	v13 =	vadd.s32 s5, v1;
	v8 =	vor.u32 v2, v8  }
0x2a8: {  	s3 =	sadd.s32 $0x170, s19;
	v15 =	vadd.s32 s14, v1;
	v17 =	vshll.u32 v13, $0x3;
	[tilespmem:s18+$0xC00] =	vst v0  }
0x2a9: {  	v13 =	vand.u32 $0x7F, v13;
	v14 =	vadd.s32 s3, v1;
	v0 =	vshll.u32 v15, $0x3;
	[tilespmem:s28+$0x850] =	vst v9;
	v10 =	vld.idx.msk [tilespmem:v10+s15+$0x0], vm3  }
0x2aa: {  	v9 =	vshll.u32 v14, $0x3;
	v15 =	vand.u32 $0x7F, v15;
	v14 =	vand.u32 $0x7F, v14;
	[tilespmem:s29+$0x860] =	vst v7;
	v11 =	vld.idx.msk [tilespmem:v11+s15+$0x0], vm0  }
0x2ab: {  	v0 =	vand.u32 $0xFFFFFC00, v0;
	v9 =	vand.u32 $0xFFFFFC00, v9;
	vm3 =	vgt.u32 v4, $0xFFFFFE8F;
	v12 =	vld.idx.msk [tilespmem:v12+s15+$0x0], vm2  }
0x2ac: {  	vm0 =	vgt.u32 v3, $0xFFFFFE8F;
	vm2 =	vgt.u32 v5, $0xFFFFFE7F;
	v8 =	vld.idx.msk [tilespmem:v8+s15+$0x0], vm1;
	vm1 =	vgt.u32 v6, $0xFFFFFE5F  }
0x2ad: {  	s10 =	sadd.s32 $0x190, s16;
	s17 =	sadd.s32 $0x1B0, s0;
	v0 =	vor.u32 v0, v15;
	v15 =	vand.u32 $0xFFFFFC00, v17;
	v9 =	vor.u32 v9, v14  }
0x2ae: {  	[dreg:$0x11] =	wrdreg s10;
	s21 =	sadd.s32 $0x1C0, s0;
	v14 =	vadd.s32 s17, v1;
	v0 =	vor.u32 v2, v0;
	v13 =	vor.u32 v15, v13;
	[tilespmem:s30+$0x860] =	vst v10  }
0x2af: {  	s10 =	sadd.s32 $0x180, s13;
	s6 =	sadd.s32 $0x180, s19;
	s22 =	rddreg [dreg:$0x11];
	v17 =	vadd.s32 s21, v1;
	v9 =	vor.u32 v2, v9;
	v13 =	vor.u32 v2, v13;
	[tilespmem:s28+$0x860] =	vst v11  }
0x2b0: {  	v10 =	vadd.s32 s10, v1;
	v11 =	vadd.s32 s6, v1;
	[tilespmem:s29+$0x870] =	vst v12;
	v12 =	vadd.s32 s22, v1  }
0x2b1: {  	[tilespmem:s18+$0xC10] =	vst v8;
	v8 =	vshll.u32 v14, $0x3;
	v14 =	vand.u32 $0x7F, v14;
	v15 =	vshll.u32 v10, $0x3  }
0x2b2: {  	v16 =	vshll.u32 v11, $0x3;
	v11 =	vand.u32 $0x7F, v11;
	v10 =	vand.u32 $0x7F, v10  }
0x2b3: {  	v0 =	vld.idx.msk [tilespmem:v0+s15+$0x0], vm1;
	v8 =	vand.u32 $0xFFFFFC00, v8;
	vm1 =	vgt.u32 v6, $0xFFFFFE4F;
	v15 =	vand.u32 $0xFFFFFC00, v15  }
0x2b4: {  	s20 =	rddreg [dreg:$0x14];
	v16 =	vand.u32 $0xFFFFFC00, v16;
	v9 =	vld.idx.msk [tilespmem:v9+s15+$0x0], vm0;
	vm0 =	vgt.u32 v3, $0xFFFFFE7F;
	v7 =	vor.u32 v8, v14  }
0x2b5: {  	s23 =	sadd.s32 $0x1D0, s0;
	v8 =	vadd.s32 s20, v1;
	v10 =	vor.u32 v15, v10;
	v11 =	vor.u32 v16, v11  }
0x2b6: {  	v13 =	vld.idx.msk [tilespmem:v13+s15+$0x0], vm3;
	vm3 =	vgt.u32 v4, $0xFFFFFE7F;
	v15 =	vadd.s32 s23, v1;
	v7 =	vor.u32 v2, v7  }
0x2b7: {  	v16 =	vshll.u32 v12, $0x3;
	v12 =	vand.u32 $0x7F, v12;
	v14 =	vshll.u32 v8, $0x3  }
0x2b8: {  	v8 =	vand.u32 $0x7F, v8;
	v10 =	vor.u32 v2, v10;
	v16 =	vand.u32 $0xFFFFFC00, v16  }
0x2b9: {  	v11 =	vor.u32 v2, v11;
	v14 =	vand.u32 $0xFFFFFC00, v14;
	v12 =	vor.u32 v16, v12  }
0x2ba: {  	v8 =	vor.u32 v14, v8;
	v14 =	vand.u32 $0x7F, v17;
	[tilespmem:s18+$0xC20] =	vst v0;
	v0 =	vshll.u32 v17, $0x3  }
0x2bb: {  	s3 =	rddreg [dreg:$0x13];
	v12 =	vor.u32 v2, v12;
	v8 =	vor.u32 v2, v8;
	v0 =	vand.u32 $0xFFFFFC00, v0;
	v7 =	vld.idx.msk [tilespmem:v7+s15+$0x0], vm1  }
0x2bc: {  	s31 =	rddreg [dreg:$0x12];
	[tilespmem:s30+$0x870] =	vst v13;
	v13 =	vadd.s32 s3, v1;
	vm1 =	vgt.u32 v6, $0xFFFFFE3F;
	v0 =	vor.u32 v0, v14  }
0x2bd: {  	[tilespmem:s28+$0x870] =	vst v9;
	v14 =	vadd.s32 s31, v1;
	v17 =	vshll.u32 v13, $0x3;
	v10 =	vld.idx.msk [tilespmem:v10+s15+$0x0], vm3;
	v0 =	vor.u32 v2, v0  }
0x2be: {  	v13 =	vand.u32 $0x7F, v13;
	v11 =	vld.idx.msk [tilespmem:v11+s15+$0x0], vm0;
	vm3 =	vgt.u32 v4, $0xFFFFFE6F;
	v9 =	vshll.u32 v14, $0x3  }
0x2bf: {  	s4 =	sadd.s32 $0x1E0, s0;
	vm0 =	vgt.u32 v3, $0xFFFFFE6F;
	v14 =	vand.u32 $0x7F, v14;
	v9 =	vand.u32 $0xFFFFFC00, v9  }
0x2c0: {  	v9 =	vor.u32 v9, v14;
	v14 =	vadd.s32 s4, v1;
	[tilespmem:s18+$0xC30] =	vst v7;
	v7 =	vshll.u32 v15, $0x3  }
0x2c1: {  	v8 =	vld.idx.msk [tilespmem:v8+s15+$0x0], vm2;
	vm2 =	vgt.u32 v5, $0xFFFFFE6F;
	v15 =	vand.u32 $0x7F, v15;
	v7 =	vand.u32 $0xFFFFFC00, v7  }
0x2c2: {  	s10 =	rddreg [dreg:$0xe];
	v9 =	vor.u32 v2, v9;
	v0 =	vld.idx.msk [tilespmem:v0+s15+$0x0], vm1;
	vm1 =	vgt.u32 v6, $0xFFFFFE2F;
	v7 =	vor.u32 v7, v15  }
0x2c3: {  	s6 =	rddreg [dreg:$0x10];
	[tilespmem:s28+$0xC00] =	vst v11;
	v11 =	vadd.s32 s10, v1;
	v15 =	vand.u32 $0xFFFFFC00, v17;
	v7 =	vor.u32 v2, v7  }
0x2c4: {  	[tilespmem:s30+$0xC00] =	vst v10;
	v10 =	vadd.s32 s6, v1;
	v16 =	vshll.u32 v11, $0x3;
	v13 =	vor.u32 v15, v13  }
0x2c5: {  	s0 =	sadd.s32 $0x1F0, s0;
	s5 =	rddreg [dreg:$0xf];
	v11 =	vand.u32 $0x7F, v11;
	v16 =	vand.u32 $0xFFFFFC00, v16;
	v13 =	vor.u32 v2, v13  }
0x2c6: {  	v17 =	vadd.s32 s0, v1;
	[tilespmem:s29+$0xC00] =	vst v8;
	v8 =	vadd.s32 s5, v1;
	v15 =	vshll.u32 v10, $0x3  }
0x2c7: {  	v10 =	vand.u32 $0x7F, v10;
	v15 =	vand.u32 $0xFFFFFC00, v15;
	v12 =	vld.idx.msk [tilespmem:v12+s15+$0x0], vm2;
	[tilespmem:s18+$0xC40] =	vst v0;
	v0 =	vshll.u32 v14, $0x3  }
0x2c8: {  	vm2 =	vgt.u32 v5, $0xFFFFFE5F;
	v14 =	vand.u32 $0x7F, v14;
	v0 =	vand.u32 $0xFFFFFC00, v0;
	v7 =	vld.idx.msk [tilespmem:v7+s15+$0x0], vm1  }
0x2c9: {  	v9 =	vld.idx.msk [tilespmem:v9+s15+$0x0], vm0;
	vm0 =	vgt.u32 v3, $0xFFFFFE5F;
	vm1 =	vgt.u32 v6, $0xFFFFFE1F;
	v0 =	vor.u32 v0, v14  }
0x2ca: {  	v10 =	vor.u32 v15, v10;
	v14 =	vshll.u32 v8, $0x3;
	v0 =	vor.u32 v2, v0;
	v13 =	vld.idx.msk [tilespmem:v13+s15+$0x0], vm3  }
0x2cb: {  	s12 =	rddreg [dreg:$0xc];
	v10 =	vor.u32 v2, v10;
	v8 =	vand.u32 $0x7F, v8;
	v14 =	vand.u32 $0xFFFFFC00, v14  }
0x2cc: {  	[tilespmem:s29+$0xC10] =	vst v12;
	vm3 =	vgt.u32 v4, $0xFFFFFE5F;
	v12 =	vadd.s32 s12, v1;
	v8 =	vor.u32 v14, v8  }
0x2cd: {  	v14 =	vand.u32 $0x7F, v17;
	v15 =	vshll.u32 v12, $0x3;
	[tilespmem:s18+$0xC50] =	vst v7;
	v7 =	vshll.u32 v17, $0x3  }
0x2ce: {  	s14 =	rddreg [dreg:$0xd];
	v12 =	vand.u32 $0x7F, v12;
	v8 =	vor.u32 v2, v8;
	v7 =	vand.u32 $0xFFFFFC00, v7  }
0x2cf: {  	s11 =	rddreg [dreg:$0xb];
	v0 =	vld.idx.msk [tilespmem:v0+s15+$0x0], vm1;
	vm1 =	vgt.u32 v6, $0xFFFFFE0F;
	[tilespmem:s30+$0xC10] =	vst v13;
	v13 =	vadd.s32 s14, v1;
	v6 =	vor.u32 v7, v14  }
0x2d0: {  	v7 =	vor.u32 v16, v11;
	v11 =	vadd.s32 s11, v1;
	v6 =	vor.u32 v2, v6  }
0x2d1: {  	v16 =	vshll.u32 v13, $0x3;
	v13 =	vand.u32 $0x7F, v13;
	v7 =	vor.u32 v2, v7  }
0x2d2: {  	[tilespmem:s28+$0xC10] =	vst v9;
	v10 =	vld.idx.msk [tilespmem:v10+s15+$0x0], vm3;
	vm3 =	vgt.u32 v4, $0xFFFFFE2F;
	v14 =	vshll.u32 v11, $0x3;
	v9 =	vand.u32 $0x7F, v11  }
0x2d3: {  	s20 =	rddreg [dreg:$0x9];
	v11 =	vand.u32 $0xFFFFFC00, v16;
	v8 =	vld.idx.msk [tilespmem:v8+s15+$0x0], vm2;
	vm2 =	vgt.u32 v4, $0xFFFFFE4F;
	v14 =	vand.u32 $0xFFFFFC00, v14  }
0x2d4: {  	v11 =	vor.u32 v11, v13;
	v13 =	vadd.s32 s20, v1;
	v9 =	vor.u32 v14, v9;
	[tilespmem:s18+$0xC60] =	vst v0  }
0x2d5: {  	v11 =	vor.u32 v2, v11;
	v16 =	vshll.u32 v13, $0x3;
	v13 =	vand.u32 $0x7F, v13;
	v6 =	vld.idx.msk [tilespmem:v6+s15+$0x0], vm1  }
0x2d6: {  	s17 =	rddreg [dreg:$0x8];
	v0 =	vand.u32 $0xFFFFFC00, v15;
	v9 =	vor.u32 v2, v9;
	vm1 =	vgt.u32 v5, $0xFFFFFE4F;
	v7 =	vld.idx.msk [tilespmem:v7+s15+$0x0], vm0  }
0x2d7: {  	s21 =	rddreg [dreg:$0xa];
	v0 =	vor.u32 v0, v12;
	v12 =	vadd.s32 s17, v1;
	vm0 =	vgt.u32 v3, $0xFFFFFE4F  }
0x2d8: {  	s7 =	sadd.s32 $0x1D0, s19;
	v15 =	vadd.s32 s21, v1;
	[tilespmem:s30+$0xC20] =	vst v10;
	v0 =	vor.u32 v2, v0;
	v14 =	vshll.u32 v12, $0x3  }
0x2d9: {  	[dreg:$0x6] =	wrdreg s7;
	s7 =	sadd.s32 $0x1D0, s13;
	s24 =	sadd.s32 $0x1D0, s16;
	v17 =	vshll.u32 v15, $0x3;
	v12 =	vand.u32 $0x7F, v12;
	[tilespmem:s29+$0xC20] =	vst v8;
	v14 =	vand.u32 $0xFFFFFC00, v14  }
0x2da: {  	[dreg:$0x7] =	wrdreg s24;
	v8 =	vor.u32 v14, v12;
	v12 =	vand.u32 $0x7F, v15;
	v14 =	vadd.s32 s7, v1;
	[tilespmem:s18+$0xC70] =	vst v6  }
0x2db: {  	s22 =	rddreg [dreg:$0x7];
	v6 =	vand.u32 $0xFFFFFC00, v16;
	v16 =	vand.u32 $0xFFFFFC00, v17;
	[tilespmem:s28+$0xC20] =	vst v7;
	v7 =	vor.u32 v2, v8;
	v8 =	vld.idx.msk [tilespmem:v11+s15+$0x0], vm2  }
0x2dc: {  	vm2 =	vgt.u32 v4, $0xFFFFFE3F;
	v11 =	vadd.s32 s22, v1;
	v6 =	vor.u32 v6, v13;
	v9 =	vld.idx.msk [tilespmem:v9+s15+$0x0], vm1  }
0x2dd: {  	s23 =	rddreg [dreg:$0x6];
	vm1 =	vgt.u32 v5, $0xFFFFFE3F;
	v10 =	vor.u32 v16, v12;
	v0 =	vld.idx.msk [tilespmem:v0+s15+$0x0], vm0;
	vm0 =	vgt.u32 v3, $0xFFFFFE3F  }
0x2de: {  	v12 =	vadd.s32 s23, v1;
	v13 =	vshll.u32 v11, $0x3;
	v16 =	vshll.u32 v14, $0x3  }
0x2df: {  	v11 =	vand.u32 $0x7F, v11;
	v6 =	vor.u32 v2, v6;
	v15 =	vshll.u32 v12, $0x3  }
0x2e0: {  	v10 =	vor.u32 v2, v10;
	v12 =	vand.u32 $0x7F, v12;
	v15 =	vand.u32 $0xFFFFFC00, v15  }
0x2e1: {  	s25 =	sadd.s32 $0x1E0, s13;
	v13 =	vand.u32 $0xFFFFFC00, v13;
	v16 =	vand.u32 $0xFFFFFC00, v16;
	v12 =	vor.u32 v15, v12;
	[tilespmem:s30+$0xC30] =	vst v8  }
0x2e2: {  	[tilespmem:s29+$0xC30] =	vst v9;
	v9 =	vor.u32 v13, v11;
	v11 =	vand.u32 $0x7F, v14;
	v14 =	vadd.s32 s25, v1  }
0x2e3: {  	s9 =	sadd.s32 $0x1E0, s16;
	s24 =	sadd.s32 $0x1E0, s19;
	[tilespmem:s28+$0xC30] =	vst v0;
	v7 =	vld.idx.msk [tilespmem:v7+s15+$0x0], vm1;
	vm1 =	vgt.u32 v5, $0xFFFFFE2F;
	v8 =	vor.u32 v16, v11;
	v0 =	vor.u32 v2, v9  }
0x2e4: {  	[dreg:$0x5] =	wrdreg s9;
	v6 =	vld.idx.msk [tilespmem:v6+s15+$0x0], vm0;
	vm0 =	vgt.u32 v3, $0xFFFFFE2F;
	v11 =	vor.u32 v2, v12;
	v12 =	vadd.s32 s24, v1  }
0x2e5: {  	s31 =	rddreg [dreg:$0x5];
	v9 =	vld.idx.msk [tilespmem:v10+s15+$0x0], vm2;
	v16 =	vshll.u32 v14, $0x3;
	vm2 =	vgt.u32 v5, $0xFFFFFE1F;
	v10 =	vor.u32 v2, v8  }
0x2e6: {  	v8 =	vadd.s32 s31, v1;
	v15 =	vshll.u32 v12, $0x3;
	v16 =	vand.u32 $0xFFFFFC00, v16  }
0x2e7: {  	v12 =	vand.u32 $0x7F, v12;
	v13 =	vshll.u32 v8, $0x3;
	v15 =	vand.u32 $0xFFFFFC00, v15  }
0x2e8: {  	v8 =	vand.u32 $0x7F, v8;
	v13 =	vand.u32 $0xFFFFFC00, v13;
	v12 =	vor.u32 v15, v12;
	[tilespmem:s29+$0xC40] =	vst v7  }
0x2e9: {  	p0 =	slt.u32 s26, $0x3C;
	s13 =	sadd.s32 $0x1F0, s13;
	v7 =	vor.u32 v13, v8;
	v8 =	vand.u32 $0x7F, v14;
	[tilespmem:s28+$0xC40] =	vst v6;
	v6 =	vor.u32 v2, v12  }
.Ltmp2:
0x2ea: {  	s16 =	sadd.s32 $0x1F0, s16;
	[tilespmem:s30+$0xC40] =	vst v9;
	v12 =	vadd.s32 s13, v1;
	v13 =	vld.idx.msk [tilespmem:v0+s15+$0x0], vm1;
	v0 =	vor.u32 v16, v8;
	v8 =	vor.u32 v2, v7;
	(pc) =	sbr.rel @p0 .LBB2_7-.Ltmp2, $4  }
0x2eb: {  	s9 =	sadd.s32 $0x1F0, s19;
	v9 =	vld.idx.msk [tilespmem:v10+s15+$0x0], vm3;
	vm1 =	vgt.u32 v4, $0xFFFFFE1F;
	v7 =	vor.u32 v2, v0;
	v0 =	vadd.s32 s16, v1  }
0x2ec: {  	v14 =	vld.idx.msk [tilespmem:v11+s15+$0x0], vm0;
	vm0 =	vgt.u32 v3, $0xFFFFFE1F;
	v11 =	vadd.s32 s9, v1;
	v10 =	vshll.u32 v0, $0x3  }
0x2ed: {  	s19 =	rddreg [dreg:$0x4];
	v15 =	vshll.u32 v11, $0x3;
	v16 =	vand.u32 $0xFFFFFC00, v10;
	v10 =	vshll.u32 v12, $0x3  }
0x2ee: {  	s8 =	rddreg [dreg:$0x3];
	v15 =	vand.u32 $0xFFFFFC00, v15;
	v17 =	vand.u32 $0x7F, v0;
	v10 =	vand.u32 $0xFFFFFC00, v10  }
0x2ef: {  	_ =	sdelay $0x3  }
0x2f0: {  	[tilespmem:s29+$0xC50] =	vst v13  }
0x2f1: {  	v59 =	vor.u32 v16, v17;
	vm13 =	vgt.u32 v5, $0xFFFFFE0F;
	v8 =	vld.idx.msk [tilespmem:v8+s15+$0x0], vm2  }
0x2f2: {  	v12 =	vand.u32 $0x7F, v12;
	[tilespmem:s30+$0xC50] =	vst v9;
	v61 =	vor.u32 v2, v59  }
0x2f3: {  	v0 =	vand.u32 $0x7F, v11;
	vm14 =	vgt.u32 v4, $0xFFFFFE0F;
	v60 =	vor.u32 v10, v12;
	[tilespmem:s28+$0xC50] =	vst v14;
	v7 =	vld.idx.msk [tilespmem:v7+s15+$0x0], vm1  }
0x2f4: {  	vm15 =	vgt.u32 v3, $0xFFFFFE0F;
	v0 =	vor.u32 v15, v0;
	v62 =	vor.u32 v2, v60;
	v63 =	vld.idx.msk [tilespmem:v6+s15+$0x0], vm0  }
0x2f5: {  	v0 =	vor.u32 v2, v0  }
0x2f6: {  	[tilespmem:s29+$0xC60] =	vst v8  }
0x2f7: {  	v2 =	vld.idx.msk [tilespmem:v61+s15+$0x0], vm13  }
0x2f8: {  	[tilespmem:s30+$0xC60] =	vst v7  }
0x2f9: {  	[tilespmem:s28+$0xC60] =	vst v63;
	v3 =	vld.idx.msk [tilespmem:v62+s15+$0x0], vm14  }
0x2fa: {  	v0 =	vld.idx.msk [tilespmem:v0+s15+$0x0], vm15;
	_ =	sdelay $0x1  }
0x2fb: {  	[tilespmem:s29+$0xC70] =	vst v2  }
0x2fc: {  	s0 =	rddreg [dreg:$0x18]  }
0x2fd: {  	s1 =	sld [smem:$0x7FD];
	[tilespmem:s30+$0xC70] =	vst v3  }
0x2fe: {  	[tilespmem:s28+$0xC70] =	vst v0  }
0x2ff: {  	s31 =	rddreg [dreg:$0x1f]  }
0x300: {  	s0 =	sor.u32 s0, s1;
	s1 =	sadd.s32 $0x1, s31  }
0x301: {  	p0 =	sne.s32 s1, $0x10  }
.Ltmp3:
0x302: {  	_ = 	snop;
	(pc) =	sbr.rel @p0 .LBB2_4-.Ltmp3, $4  }
0x303: {  	s2 =	simm.s32 $0x40000;
	s3 =	simm.s32 $0x14C00;
	s29 =	rddreg [dreg:$0x1]  }
0x304: {  	s7 =	simm.s32 $0x0;
	s24 =	rddreg [dreg:$0x16];
	s0 =	sshrl.u32 s0, $0x3  }
0x305: {  	s30 =	simm.s32 $0x1000;
	s10 =	rddreg [dreg:$0x19];
	s0 =	sadd.s32 s29, s0  }
0x306: {  	[hbm4b:s0+s30] =	stream.strided.scatter [tilespmem:s3], [sflag:$0x4], $0x8000, s2, s30, $0x38;
	[tilespmem:$0x1CC00] =	vst v63  }
0x307: {  	s0 =	simm.s32 $0x3  }
0x308: {  	_ =	swait.ge [sflag:s0], $0x8000  }
0x309: {  	[sflag:s0] =	ssyncset.done $0x0  }
0x30a: {  	s1 =	simm.s32 $0x4;
	[sflag:s0] =	ssyncadd.s32 $0xFFFF8000  }
0x30b: {  	_ =	swait.ge [sflag:s1], $0x8000  }
0x30c: {  	s2 =	rddreg [dreg:$0x1e]  }
0x30d: {  	s31 =	rddreg [dreg:$0x1d];
	s2 =	sadd.s32 $0x1, s2  }
0x30e: {  	p0 =	sne.s32 s2, s31  }
.Ltmp4:
0x30f: {  	_ = 	snop;
	(pc) =	sbr.rel @p0 .LBB2_1-.Ltmp4, $3  }
0x310: {  	_ =	sdelay $0x1  }
0x311: {  	[sflag:s1] =	ssyncset.done $0x0  }
0x312: {  	v0 =	vimm.f32 $0.0e+00;
	[sflag:s1] =	ssyncadd.s32 $0xFFFF8000  }
0x313: {  	_ =	sfence.sel $0x180000  }
0x314: {  	[bflag:$0x0] =	sbarrier.arrive $0xFFFF  }
0x315: {  	_ =	strace $0x90000047  }
0x316: {  	s0 =	stileid.u32;
	[bflag:$0x2] =	sbarrier.arrive $0xFFFF  }
0x317: {  	p0 =	sne.s32 s0, $0x0;
	s0 =	rddreg [dreg:$0x2]  }
0x318: {  	s0 =	sadd.s32 @!p0 $0x100000, s0  }
0x319: {  	[sflag:s0] =	ssyncadd.tile.s32 @!p0 $0x1;
	_ =	shalt  }
.Lfunc_end2:
_tile_overlayer_lowered:
.L_overlay_start_2:
0x31a: {  	(tag) =	ssettag $0x2  }
0x31b: {  	s0 =	rddreg [dreg:$0x0];
	s2 =	stileid.u32  }
0x31c: {  	s1 =	rddreg [dreg:$0x1];
	p0 =	sne.s32 s2, $0x0  }
0x31d: {  	s3 =	rddreg [dreg:$0x2];
	[bflag:$0x3] =	sbarrier.arrive $0xFFFF;
	s2 =	simm.s32 @!p0 $0x1C05  }
0x31e: {  	[timem:s3], [sflag:s2] =	dma.local @!p0 [hbm:s0], s1  }
0x31f: {  	s0 =	simm.s32 @!p0 $0x5  }
0x320: {  	_ =	swait.ge @!p0 [sflag:s0], s1  }
0x321: {  	s1 =	ssub.s32 @!p0 $0x0, s1;
	[sflag:s0] =	ssyncset.done @!p0 $0x0  }
0x322: {  	[sflag:s0] =	ssyncadd.s32 @!p0 s1  }
0x323: {  	[bflag:$0x3] =	sbarrier.arrive $0xFFFF  }
0x324: {  	_ =	shalt  }

</sc_bundles>
